<compile_context>
chip_gen: v7x
topology: tpu7x:2x2x1
jax: 0.10.2.dev20260603
libtpu: 0.0.44.dev20260713+nightly
codegen_flags: <defaults>
</compile_context>

<pallas_src>
import functools

import jax
import jax.numpy as jnp
from jax import lax
from jax.experimental import pallas as pl
from jax.experimental.pallas import tpu as pltpu
from jax.experimental.pallas import tpu_sc as plsc

B, N, C, H, W = 2, 1024, 96, 16, 16
HW = H * W
RROWS = C * HW
NROWS = B * N

_CGRP = 16


def _pool_body(x_ref, out_ref):
    xb = x_ref[0].reshape(_CGRP, HW, N)
    out_ref[0] = jnp.mean(xb, axis=1)


def _pool(xt):
    return pl.pallas_call(
        _pool_body,
        grid=(B, C // _CGRP),
        in_specs=[pl.BlockSpec((1, _CGRP * HW, N), lambda b, i: (b, i, 0))],
        out_specs=pl.BlockSpec((1, _CGRP, N), lambda b, i: (b, i, 0)),
        out_shape=jax.ShapeDtypeStruct((B, C, N), jnp.float32),
    )(xt)


def _attn_body(pooled_ref, w_ref, b_ref, idx_ref):
    a = pooled_ref[0]
    mu = jnp.mean(a, axis=0, keepdims=True)
    var = jnp.mean((a - mu) ** 2, axis=0, keepdims=True)
    q = (a - mu) / jnp.sqrt(var + 1e-5) * w_ref[...] + b_ref[...]
    attn = lax.dot_general(
        q, q, (((0,), (0,)), ((), ())),
        preferred_element_type=jnp.float32,
    ) * (C ** -0.5)
    rows = lax.broadcasted_iota(jnp.int32, (N, N), 0)
    cols = lax.broadcasted_iota(jnp.int32, (N, N), 1)
    attn = jnp.where(rows == cols, attn - 100.0, attn)
    m = jnp.max(attn, axis=-1, keepdims=True)
    cand = jnp.where(attn == m, cols, N)
    idx_ref[0, 0] = jnp.min(cand, axis=-1)


def _attn_argmax(pooled3, ln_w, ln_b):
    return pl.pallas_call(
        _attn_body,
        grid=(B,),
        in_specs=[
            pl.BlockSpec((1, C, N), lambda i: (i, 0, 0)),
            pl.BlockSpec((C, 1), lambda i: (0, 0)),
            pl.BlockSpec((C, 1), lambda i: (0, 0)),
        ],
        out_specs=pl.BlockSpec((1, 1, N), lambda i: (i, 0, 0)),
        out_shape=jax.ShapeDtypeStruct((B, 1, N), jnp.int32),
    )(pooled3, ln_w.reshape(C, 1), ln_b.reshape(C, 1))


_INFO = plsc.get_sparse_core_info()
_NW = _INFO.num_cores * _INFO.num_subcores
_RW = RROWS // _NW
_RB = 16
_NCH = _RW // _RB

_SC_MESH = plsc.VectorSubcoreMesh(core_axis_name="c", subcore_axis_name="s")


def _permute_chunk(in_ref, idx_ref, o0_ref, o1_ref):
    @plsc.parallel_loop(0, N // 16, unroll=2)
    def jbody(j):
        for b in range(B):
            o_ref = (o0_ref, o1_ref)[b]
            cv = idx_ref[pl.ds(b * N + j * 16, 16)]
            for r in range(_RB):
                rv = jnp.full((16,), r, jnp.int32)
                vals = plsc.load_gather(in_ref, [rv, cv])
                o_ref[r, pl.ds(j * 16, 16)] = vals


@functools.partial(
    pl.kernel,
    out_type=jax.ShapeDtypeStruct((B, RROWS, N), jnp.float32),
    mesh=_SC_MESH,
    compiler_params=pltpu.CompilerParams(
        use_tc_tiling_on_sc=True, needs_layout_passes=False),
    scratch_types=[
        pltpu.VMEM((NROWS,), jnp.int32),
        pltpu.VMEM((_RB, N), jnp.float32),
        pltpu.VMEM((_RB, N), jnp.float32),
        pltpu.VMEM((_RB, N), jnp.float32),
        pltpu.VMEM((_RB, N), jnp.float32),
        pltpu.VMEM((_RB, N), jnp.float32),
        pltpu.VMEM((_RB, N), jnp.float32),
        pltpu.SemaphoreType.DMA,
        pltpu.SemaphoreType.DMA,
        pltpu.SemaphoreType.DMA,
        pltpu.SemaphoreType.DMA,
    ],
)
def _sc_gather(xt_hbm, idx_hbm, out_hbm, idx_v, in_a, in_b,
               o0_a, o1_a, o0_b, o1_b, sin_a, sin_b, sout_a, sout_b):
    wid = lax.axis_index("s") * _INFO.num_cores + lax.axis_index("c")
    base = wid * _RW
    pltpu.sync_copy(idx_hbm, idx_v)
    pltpu.async_copy(xt_hbm.at[0, pl.ds(base, _RB)], in_a, sin_a)

    def pair(p, carry):
        k0 = 2 * p
        pltpu.async_copy(
            xt_hbm.at[0, pl.ds(base + (k0 + 1) * _RB, _RB)], in_b, sin_b)
        pltpu.make_async_copy(xt_hbm.at[0, pl.ds(0, _RB)], in_a, sin_a).wait()

        @pl.when(k0 >= 2)
        def _():
            pltpu.make_async_copy(o0_a, out_hbm.at[0, pl.ds(0, _RB)], sout_a).wait()
            pltpu.make_async_copy(o1_a, out_hbm.at[1, pl.ds(0, _RB)], sout_a).wait()

        _permute_chunk(in_a, idx_v, o0_a, o1_a)
        row0 = base + k0 * _RB
        pltpu.async_copy(o0_a, out_hbm.at[0, pl.ds(row0, _RB)], sout_a)
        pltpu.async_copy(o1_a, out_hbm.at[1, pl.ds(row0, _RB)], sout_a)

        @pl.when(k0 + 2 < _NCH)
        def _():
            pltpu.async_copy(
                xt_hbm.at[0, pl.ds(base + (k0 + 2) * _RB, _RB)], in_a, sin_a)

        pltpu.make_async_copy(xt_hbm.at[0, pl.ds(0, _RB)], in_b, sin_b).wait()

        @pl.when(k0 >= 2)
        def _():
            pltpu.make_async_copy(o0_b, out_hbm.at[0, pl.ds(0, _RB)], sout_b).wait()
            pltpu.make_async_copy(o1_b, out_hbm.at[1, pl.ds(0, _RB)], sout_b).wait()

        _permute_chunk(in_b, idx_v, o0_b, o1_b)
        row1 = base + (k0 + 1) * _RB
        pltpu.async_copy(o0_b, out_hbm.at[0, pl.ds(row1, _RB)], sout_b)
        pltpu.async_copy(o1_b, out_hbm.at[1, pl.ds(row1, _RB)], sout_b)
        return carry

    lax.fori_loop(0, _NCH // 2, pair, 0)
    pltpu.make_async_copy(o0_a, out_hbm.at[0, pl.ds(0, _RB)], sout_a).wait()
    pltpu.make_async_copy(o1_a, out_hbm.at[1, pl.ds(0, _RB)], sout_a).wait()
    pltpu.make_async_copy(o0_b, out_hbm.at[0, pl.ds(0, _RB)], sout_b).wait()
    pltpu.make_async_copy(o1_b, out_hbm.at[1, pl.ds(0, _RB)], sout_b).wait()


def kernel(x, ln_w, ln_b):
    xt = x.transpose(0, 2, 3, 4, 1).reshape(B, RROWS, N)
    pooled = _pool(xt)
    idx = _attn_argmax(pooled, ln_w, ln_b)
    yt = _sc_gather(xt, idx.reshape(NROWS))
    return yt.reshape(B, C, H, W, N).transpose(0, 4, 1, 2, 3)

# --- scband reference (transcript-rebuilt; emitter-appended) ---
"""Pipeline reference for scband-match-11888469475644 (READ-ONLY COPY).

The authoritative reference and input builder live on the scoring server;
editing this copy changes nothing except your own understanding.
"""

import jax, jax.numpy as jnp
import numpy as np


def setup_inputs(seed: int = 0) -> dict:
    key = jax.random.key(seed)
    kx = jax.random.fold_in(key, 0)
    x = jax.random.normal(kx, (2, 1024, 96, 16, 16), dtype=jnp.float32)
    ln_w = jnp.ones((96,), dtype=jnp.float32)
    ln_b = jnp.zeros((96,), dtype=jnp.float32)
    return {"x": x, "ln_w": ln_w, "ln_b": ln_b}


def reference(x, ln_w, ln_b):
    b, n, c, h, w = x.shape
    scale = c ** (-0.5)
    # avg pool over spatial dims
    avg_fea = x.mean(axis=(-2, -1))  # [b, n, c]
    # LayerNorm over last dim (eps=1e-5, elementwise affine)
    mu = avg_fea.mean(axis=-1, keepdims=True)
    var = jnp.mean((avg_fea - mu) ** 2, axis=-1, keepdims=True)
    q = (avg_fea - mu) / jnp.sqrt(var + 1e-5) * ln_w + ln_b  # [b, n, c]
    attn = jnp.matmul(q, jnp.swapaxes(q, -1, -2)) * scale  # [b, n, n]
    attn = attn - 100.0 * jnp.eye(n, dtype=attn.dtype)[None, :, :]
    # eval path: argmax over last dim, then gather patches
    indices = jnp.argmax(attn, axis=-1)  # [b, n], values in [0, n)
    indices = indices.reshape(-1)  # [b*n] (faithful to torch: values stay in [0, n))
    v = x.reshape(b * n, c, h, w)
    y = jnp.take(v, indices, axis=0)  # [b*n, c, h, w]
    y = y.reshape(b, n, c, h, w)
    return y

if __name__ == "__main__":
    import jax
    _d = setup_inputs()
    print(jax.jit(kernel)(*tuple(_d.values())))

</pallas_src>

<mosaic_0001>
#map = affine_map<(d0, d1) -> (0, 0, 0)>
#map1 = affine_map<(d0, d1) -> (0)>
module attributes {stable_mosaic.version = 14 : i64} {
  func.func @_sc_gather(%arg0: i32, %arg1: i32, %arg2: memref<2x24576x1024xf32, #tpu.memory_space<hbm>>, %arg3: memref<2048xi32, #tpu.memory_space<hbm>>, %arg4: memref<2x24576x1024xf32, #tpu.memory_space<hbm>>, %arg5: memref<2048xi32, #tpu.memory_space<vmem>>, %arg6: memref<16x1024xf32, #tpu.memory_space<vmem>>, %arg7: memref<16x1024xf32, #tpu.memory_space<vmem>>, %arg8: memref<16x1024xf32, #tpu.memory_space<vmem>>, %arg9: memref<16x1024xf32, #tpu.memory_space<vmem>>, %arg10: memref<16x1024xf32, #tpu.memory_space<vmem>>, %arg11: memref<16x1024xf32, #tpu.memory_space<vmem>>, %arg12: memref<!tpu.dma_semaphore, #tpu.memory_space<semaphore_mem>>, %arg13: memref<!tpu.dma_semaphore, #tpu.memory_space<semaphore_mem>>, %arg14: memref<!tpu.dma_semaphore, #tpu.memory_space<semaphore_mem>>, %arg15: memref<!tpu.dma_semaphore, #tpu.memory_space<semaphore_mem>>) attributes {dimension_semantics = [#tpu.dimension_semantics<core_parallel>, #tpu.dimension_semantics<subcore_parallel>], iteration_bounds = array<i64: 2, 16>, scalar_prefetch = 0 : i64, scratch_operands = 11 : i64, tpu.core_type = #tpu.core_type<sc_vector_subcore>, window_params = [{transform_indices = #map}, {transform_indices = #map1}, {transform_indices = #map}]} {
    %mul3A = arith.constant 2 : i32
    %mul3A_0 = arith.muli %arg1, %mul3A : i32
    %add3A = arith.addi %mul3A_0, %arg0 : i32
    %mul3A_1 = arith.constant 768 : i32
    %mul3A_2 = arith.muli %add3A, %mul3A_1 : i32
    "tpu.region"() ({
      %run_scoped3A = tpu.sem_alloc : memref<!tpu.dma_semaphore, #tpu.memory_space<semaphore_mem>>
      tpu.enqueue_dma source(%arg3 : memref<2048xi32, #tpu.memory_space<hbm>>) target(%arg5 : memref<2048xi32, #tpu.memory_space<vmem>>) target_semaphore(%run_scoped3A : memref<!tpu.dma_semaphore, #tpu.memory_space<semaphore_mem>>)
      tpu.wait_dma2 semaphore(%run_scoped3A : memref<!tpu.dma_semaphore, #tpu.memory_space<semaphore_mem>>) src(%arg3 : memref<2048xi32, #tpu.memory_space<hbm>>) dst(%arg5 : memref<2048xi32, #tpu.memory_space<vmem>>)
      tpu.yield
    }) : () -> ()
    %dma_start3A = arith.constant 0 : i32
    %dma_start3A_3 = arith.constant 0 : i32
    %dma_start3A_4 = tpu.memref_slice %arg2[%dma_start3A, %mul3A_2, %dma_start3A_3] : memref<2x24576x1024xf32, #tpu.memory_space<hbm>> -> memref<1x16x1024xf32, #tpu.memory_space<hbm>>
    %dma_start3A_5 = tpu.memref_squeeze %dma_start3A_4 : memref<1x16x1024xf32, #tpu.memory_space<hbm>> -> memref<16x1024xf32, #tpu.memory_space<hbm>>
    %dma_start3A_6 = arith.constant 0 : i32
    %dma_start3A_7 = tpu.memref_slice %arg2[%dma_start3A, %mul3A_2, %dma_start3A_6] : memref<2x24576x1024xf32, #tpu.memory_space<hbm>> -> memref<1x16x1024xf32, #tpu.memory_space<hbm>>
    %dma_start3A_8 = tpu.memref_squeeze %dma_start3A_7 : memref<1x16x1024xf32, #tpu.memory_space<hbm>> -> memref<16x1024xf32, #tpu.memory_space<hbm>>
    tpu.enqueue_dma source(%dma_start3A_8 : memref<16x1024xf32, #tpu.memory_space<hbm>>) target(%arg6 : memref<16x1024xf32, #tpu.memory_space<vmem>>) target_semaphore(%arg12 : memref<!tpu.dma_semaphore, #tpu.memory_space<semaphore_mem>>)
    %scan3A = arith.constant 0 : i32
    %scan3A_9 = arith.constant 0 : i32
    %scan3A_10 = arith.constant 24 : i32
    %scan3A_11 = arith.addi %scan3A_9, %scan3A_10 : i32
    %scan3A_12 = arith.constant 1 : i32
    scf.for %scan3A_49 = %scan3A_9 to %scan3A_11 step %scan3A_12  : i32 {
      %mul3A_50 = arith.constant 2 : i32
      %mul3A_51 = arith.muli %mul3A_50, %scan3A_49 : i32
      %add3A_52 = arith.constant 1 : i32
      %add3A_53 = arith.addi %mul3A_51, %add3A_52 : i32
      %mul3A_54 = arith.constant 16 : i32
      %mul3A_55 = arith.muli %add3A_53, %mul3A_54 : i32
      %add3A_56 = arith.addi %mul3A_2, %mul3A_55 : i32
      %dma_start3A_57 = arith.constant 0 : i32
      %dma_start3A_58 = arith.constant 0 : i32
      %dma_start3A_59 = tpu.memref_slice %arg2[%dma_start3A_57, %add3A_56, %dma_start3A_58] : memref<2x24576x1024xf32, #tpu.memory_space<hbm>> -> memref<1x16x1024xf32, #tpu.memory_space<hbm>>
      %dma_start3A_60 = tpu.memref_squeeze %dma_start3A_59 : memref<1x16x1024xf32, #tpu.memory_space<hbm>> -> memref<16x1024xf32, #tpu.memory_space<hbm>>
      %dma_start3A_61 = arith.constant 0 : i32
      %dma_start3A_62 = tpu.memref_slice %arg2[%dma_start3A_57, %add3A_56, %dma_start3A_61] : memref<2x24576x1024xf32, #tpu.memory_space<hbm>> -> memref<1x16x1024xf32, #tpu.memory_space<hbm>>
      %dma_start3A_63 = tpu.memref_squeeze %dma_start3A_62 : memref<1x16x1024xf32, #tpu.memory_space<hbm>> -> memref<16x1024xf32, #tpu.memory_space<hbm>>
      tpu.enqueue_dma source(%dma_start3A_63 : memref<16x1024xf32, #tpu.memory_space<hbm>>) target(%arg7 : memref<16x1024xf32, #tpu.memory_space<vmem>>) target_semaphore(%arg13 : memref<!tpu.dma_semaphore, #tpu.memory_space<semaphore_mem>>)
      %dma_wait3A_64 = arith.constant 0 : i32
      %dma_wait3A_65 = arith.constant 0 : i32
      %dma_wait3A_66 = arith.constant 0 : i32
      %dma_wait3A_67 = tpu.memref_slice %arg2[%dma_wait3A_64, %dma_wait3A_65, %dma_wait3A_66] : memref<2x24576x1024xf32, #tpu.memory_space<hbm>> -> memref<1x16x1024xf32, #tpu.memory_space<hbm>>
      %dma_wait3A_68 = tpu.memref_squeeze %dma_wait3A_67 : memref<1x16x1024xf32, #tpu.memory_space<hbm>> -> memref<16x1024xf32, #tpu.memory_space<hbm>>
      %dma_wait3A_69 = arith.constant 0 : i32
      %dma_wait3A_70 = arith.constant 0 : i32
      %dma_wait3A_71 = tpu.memref_slice %arg2[%dma_wait3A_64, %dma_wait3A_69, %dma_wait3A_70] : memref<2x24576x1024xf32, #tpu.memory_space<hbm>> -> memref<1x16x1024xf32, #tpu.memory_space<hbm>>
      %dma_wait3A_72 = tpu.memref_squeeze %dma_wait3A_71 : memref<1x16x1024xf32, #tpu.memory_space<hbm>> -> memref<16x1024xf32, #tpu.memory_space<hbm>>
      tpu.wait_dma2 semaphore(%arg12 : memref<!tpu.dma_semaphore, #tpu.memory_space<semaphore_mem>>) src(%dma_wait3A_72 : memref<16x1024xf32, #tpu.memory_space<hbm>>) dst(%arg6 : memref<16x1024xf32, #tpu.memory_space<vmem>>)
      %ge3A = arith.constant 2 : i32
      %ge3A_73 = arith.cmpi sge, %mul3A_51, %ge3A : i32
      %convert_element_type3A = arith.extui %ge3A_73 : i1 to i32
      %cond3A = arith.constant 0 : i32
      %cond3A_74 = arith.cmpi ne, %convert_element_type3A, %cond3A : i32
      scf.if %cond3A_74 {
        %dma_wait3A_136 = arith.constant 0 : i32
        %dma_wait3A_137 = arith.constant 0 : i32
        %dma_wait3A_138 = arith.constant 0 : i32
        %dma_wait3A_139 = tpu.memref_slice %arg4[%dma_wait3A_136, %dma_wait3A_137, %dma_wait3A_138] : memref<2x24576x1024xf32, #tpu.memory_space<hbm>> -> memref<1x16x1024xf32, #tpu.memory_space<hbm>>
        %dma_wait3A_140 = tpu.memref_squeeze %dma_wait3A_139 : memref<1x16x1024xf32, #tpu.memory_space<hbm>> -> memref<16x1024xf32, #tpu.memory_space<hbm>>
        %dma_wait3A_141 = arith.constant 0 : i32
        %dma_wait3A_142 = arith.constant 0 : i32
        %dma_wait3A_143 = tpu.memref_slice %arg4[%dma_wait3A_136, %dma_wait3A_141, %dma_wait3A_142] : memref<2x24576x1024xf32, #tpu.memory_space<hbm>> -> memref<1x16x1024xf32, #tpu.memory_space<hbm>>
        %dma_wait3A_144 = tpu.memref_squeeze %dma_wait3A_143 : memref<1x16x1024xf32, #tpu.memory_space<hbm>> -> memref<16x1024xf32, #tpu.memory_space<hbm>>
        tpu.wait_dma2 semaphore(%arg14 : memref<!tpu.dma_semaphore, #tpu.memory_space<semaphore_mem>>) src(%arg8 : memref<16x1024xf32, #tpu.memory_space<vmem>>) dst(%dma_wait3A_144 : memref<16x1024xf32, #tpu.memory_space<hbm>>)
        %dma_wait3A_145 = arith.constant 1 : i32
        %dma_wait3A_146 = arith.constant 0 : i32
        %dma_wait3A_147 = arith.constant 0 : i32
        %dma_wait3A_148 = tpu.memref_slice %arg4[%dma_wait3A_145, %dma_wait3A_146, %dma_wait3A_147] : memref<2x24576x1024xf32, #tpu.memory_space<hbm>> -> memref<1x16x1024xf32, #tpu.memory_space<hbm>>
        %dma_wait3A_149 = tpu.memref_squeeze %dma_wait3A_148 : memref<1x16x1024xf32, #tpu.memory_space<hbm>> -> memref<16x1024xf32, #tpu.memory_space<hbm>>
        %dma_wait3A_150 = arith.constant 0 : i32
        %dma_wait3A_151 = arith.constant 0 : i32
        %dma_wait3A_152 = tpu.memref_slice %arg4[%dma_wait3A_145, %dma_wait3A_150, %dma_wait3A_151] : memref<2x24576x1024xf32, #tpu.memory_space<hbm>> -> memref<1x16x1024xf32, #tpu.memory_space<hbm>>
        %dma_wait3A_153 = tpu.memref_squeeze %dma_wait3A_152 : memref<1x16x1024xf32, #tpu.memory_space<hbm>> -> memref<16x1024xf32, #tpu.memory_space<hbm>>
        tpu.wait_dma2 semaphore(%arg14 : memref<!tpu.dma_semaphore, #tpu.memory_space<semaphore_mem>>) src(%arg9 : memref<16x1024xf32, #tpu.memory_space<vmem>>) dst(%dma_wait3A_153 : memref<16x1024xf32, #tpu.memory_space<hbm>>)
      } else {
      }
      %parallel_loop3A = arith.constant 0 : i32
      %parallel_loop3A_75 = arith.constant 64 : i32
      %parallel_loop3A_76 = arith.constant 1 : i32
      scf.for %parallel_loop3A_136 = %parallel_loop3A to %parallel_loop3A_75 step %parallel_loop3A_76  : i32 {
        %parallel_loop3A_137 = arith.constant 16 : i32
        %parallel_loop3A_138 = arith.muli %parallel_loop3A_136, %parallel_loop3A_137 : i32
        %parallel_loop3A_139 = arith.constant 0 : i32
        %parallel_loop3A_140 = arith.addi %parallel_loop3A_139, %parallel_loop3A_138 : i32
        %parallel_loop3A_141 = arith.index_cast %parallel_loop3A_140 : i32 to index
        %parallel_loop3A_142 = tpu.vector_load %arg5[%parallel_loop3A_141] {strides = array<i32>} : memref<2048xi32, #tpu.memory_space<vmem>>, vector<16xi32>,
        %parallel_loop3A_143 = arith.constant 0 : i32
        %parallel_loop3A_144 = vector.broadcast %parallel_loop3A_143 : i32 to vector<16xi32>
        %parallel_loop3A_145 = tpu.vector_load_idx %arg6[%parallel_loop3A_144, %parallel_loop3A_142] : memref<16x1024xf32, #tpu.memory_space<vmem>>[vector<16xi32>, vector<16xi32>], vector<16xf32>,
        %parallel_loop3A_146 = arith.constant 16 : i32
        %parallel_loop3A_147 = arith.muli %parallel_loop3A_136, %parallel_loop3A_146 : i32
        %parallel_loop3A_148 = arith.constant 0 : i32
        %parallel_loop3A_149 = arith.index_cast %parallel_loop3A_148 : i32 to index
        %parallel_loop3A_150 = arith.index_cast %parallel_loop3A_147 : i32 to index
        %parallel_loop3A_151 = tpu.vector_load %arg8[%parallel_loop3A_149, %parallel_loop3A_150] {strides = array<i32>} : memref<16x1024xf32, #tpu.memory_space<vmem>>, vector<16xf32>,
        tpu.vector_store %arg8[%parallel_loop3A_149, %parallel_loop3A_150], %parallel_loop3A_145 {strides = array<i32>} : memref<16x1024xf32, #tpu.memory_space<vmem>>, vector<16xf32>,
        %parallel_loop3A_152 = arith.constant 1 : i32
        %parallel_loop3A_153 = vector.broadcast %parallel_loop3A_152 : i32 to vector<16xi32>
        %parallel_loop3A_154 = tpu.vector_load_idx %arg6[%parallel_loop3A_153, %parallel_loop3A_142] : memref<16x1024xf32, #tpu.memory_space<vmem>>[vector<16xi32>, vector<16xi32>], vector<16xf32>,
        %parallel_loop3A_155 = arith.constant 16 : i32
        %parallel_loop3A_156 = arith.muli %parallel_loop3A_136, %parallel_loop3A_155 : i32
        %parallel_loop3A_157 = arith.constant 1 : i32
        %parallel_loop3A_158 = arith.index_cast %parallel_loop3A_157 : i32 to index
        %parallel_loop3A_159 = arith.index_cast %parallel_loop3A_156 : i32 to index
        %parallel_loop3A_160 = tpu.vector_load %arg8[%parallel_loop3A_158, %parallel_loop3A_159] {strides = array<i32>} : memref<16x1024xf32, #tpu.memory_space<vmem>>, vector<16xf32>,
        tpu.vector_store %arg8[%parallel_loop3A_158, %parallel_loop3A_159], %parallel_loop3A_154 {strides = array<i32>} : memref<16x1024xf32, #tpu.memory_space<vmem>>, vector<16xf32>,
        %parallel_loop3A_161 = arith.constant 2 : i32
        %parallel_loop3A_162 = vector.broadcast %parallel_loop3A_161 : i32 to vector<16xi32>
        %parallel_loop3A_163 = tpu.vector_load_idx %arg6[%parallel_loop3A_162, %parallel_loop3A_142] : memref<16x1024xf32, #tpu.memory_space<vmem>>[vector<16xi32>, vector<16xi32>], vector<16xf32>,
        %parallel_loop3A_164 = arith.constant 16 : i32
        %parallel_loop3A_165 = arith.muli %parallel_loop3A_136, %parallel_loop3A_164 : i32
        %parallel_loop3A_166 = arith.constant 2 : i32
        %parallel_loop3A_167 = arith.index_cast %parallel_loop3A_166 : i32 to index
        %parallel_loop3A_168 = arith.index_cast %parallel_loop3A_165 : i32 to index
        %parallel_loop3A_169 = tpu.vector_load %arg8[%parallel_loop3A_167, %parallel_loop3A_168] {strides = array<i32>} : memref<16x1024xf32, #tpu.memory_space<vmem>>, vector<16xf32>,
        tpu.vector_store %arg8[%parallel_loop3A_167, %parallel_loop3A_168], %parallel_loop3A_163 {strides = array<i32>} : memref<16x1024xf32, #tpu.memory_space<vmem>>, vector<16xf32>,
        %parallel_loop3A_170 = arith.constant 3 : i32
        %parallel_loop3A_171 = vector.broadcast %parallel_loop3A_170 : i32 to vector<16xi32>
        %parallel_loop3A_172 = tpu.vector_load_idx %arg6[%parallel_loop3A_171, %parallel_loop3A_142] : memref<16x1024xf32, #tpu.memory_space<vmem>>[vector<16xi32>, vector<16xi32>], vector<16xf32>,
        %parallel_loop3A_173 = arith.constant 16 : i32
        %parallel_loop3A_174 = arith.muli %parallel_loop3A_136, %parallel_loop3A_173 : i32
        %parallel_loop3A_175 = arith.constant 3 : i32
        %parallel_loop3A_176 = arith.index_cast %parallel_loop3A_175 : i32 to index
        %parallel_loop3A_177 = arith.index_cast %parallel_loop3A_174 : i32 to index
        %parallel_loop3A_178 = tpu.vector_load %arg8[%parallel_loop3A_176, %parallel_loop3A_177] {strides = array<i32>} : memref<16x1024xf32, #tpu.memory_space<vmem>>, vector<16xf32>,
        tpu.vector_store %arg8[%parallel_loop3A_176, %parallel_loop3A_177], %parallel_loop3A_172 {strides = array<i32>} : memref<16x1024xf32, #tpu.memory_space<vmem>>, vector<16xf32>,
        %parallel_loop3A_179 = arith.constant 4 : i32
        %parallel_loop3A_180 = vector.broadcast %parallel_loop3A_179 : i32 to vector<16xi32>
        %parallel_loop3A_181 = tpu.vector_load_idx %arg6[%parallel_loop3A_180, %parallel_loop3A_142] : memref<16x1024xf32, #tpu.memory_space<vmem>>[vector<16xi32>, vector<16xi32>], vector<16xf32>,
        %parallel_loop3A_182 = arith.constant 16 : i32
        %parallel_loop3A_183 = arith.muli %parallel_loop3A_136, %parallel_loop3A_182 : i32
        %parallel_loop3A_184 = arith.constant 4 : i32
        %parallel_loop3A_185 = arith.index_cast %parallel_loop3A_184 : i32 to index
        %parallel_loop3A_186 = arith.index_cast %parallel_loop3A_183 : i32 to index
        %parallel_loop3A_187 = tpu.vector_load %arg8[%parallel_loop3A_185, %parallel_loop3A_186] {strides = array<i32>} : memref<16x1024xf32, #tpu.memory_space<vmem>>, vector<16xf32>,
        tpu.vector_store %arg8[%parallel_loop3A_185, %parallel_loop3A_186], %parallel_loop3A_181 {strides = array<i32>} : memref<16x1024xf32, #tpu.memory_space<vmem>>, vector<16xf32>,
        %parallel_loop3A_188 = arith.constant 5 : i32
        %parallel_loop3A_189 = vector.broadcast %parallel_loop3A_188 : i32 to vector<16xi32>
        %parallel_loop3A_190 = tpu.vector_load_idx %arg6[%parallel_loop3A_189, %parallel_loop3A_142] : memref<16x1024xf32, #tpu.memory_space<vmem>>[vector<16xi32>, vector<16xi32>], vector<16xf32>,
        %parallel_loop3A_191 = arith.constant 16 : i32
        %parallel_loop3A_192 = arith.muli %parallel_loop3A_136, %parallel_loop3A_191 : i32
        %parallel_loop3A_193 = arith.constant 5 : i32
        %parallel_loop3A_194 = arith.index_cast %parallel_loop3A_193 : i32 to index
        %parallel_loop3A_195 = arith.index_cast %parallel_loop3A_192 : i32 to index
        %parallel_loop3A_196 = tpu.vector_load %arg8[%parallel_loop3A_194, %parallel_loop3A_195] {strides = array<i32>} : memref<16x1024xf32, #tpu.memory_space<vmem>>, vector<16xf32>,
        tpu.vector_store %arg8[%parallel_loop3A_194, %parallel_loop3A_195], %parallel_loop3A_190 {strides = array<i32>} : memref<16x1024xf32, #tpu.memory_space<vmem>>, vector<16xf32>,
        %parallel_loop3A_197 = arith.constant 6 : i32
        %parallel_loop3A_198 = vector.broadcast %parallel_loop3A_197 : i32 to vector<16xi32>
        %parallel_loop3A_199 = tpu.vector_load_idx %arg6[%parallel_loop3A_198, %parallel_loop3A_142] : memref<16x1024xf32, #tpu.memory_space<vmem>>[vector<16xi32>, vector<16xi32>], vector<16xf32>,
        %parallel_loop3A_200 = arith.constant 16 : i32
        %parallel_loop3A_201 = arith.muli %parallel_loop3A_136, %parallel_loop3A_200 : i32
        %parallel_loop3A_202 = arith.constant 6 : i32
        %parallel_loop3A_203 = arith.index_cast %parallel_loop3A_202 : i32 to index
        %parallel_loop3A_204 = arith.index_cast %parallel_loop3A_201 : i32 to index
        %parallel_loop3A_205 = tpu.vector_load %arg8[%parallel_loop3A_203, %parallel_loop3A_204] {strides = array<i32>} : memref<16x1024xf32, #tpu.memory_space<vmem>>, vector<16xf32>,
        tpu.vector_store %arg8[%parallel_loop3A_203, %parallel_loop3A_204], %parallel_loop3A_199 {strides = array<i32>} : memref<16x1024xf32, #tpu.memory_space<vmem>>, vector<16xf32>,
        %parallel_loop3A_206 = arith.constant 7 : i32
        %parallel_loop3A_207 = vector.broadcast %parallel_loop3A_206 : i32 to vector<16xi32>
        %parallel_loop3A_208 = tpu.vector_load_idx %arg6[%parallel_loop3A_207, %parallel_loop3A_142] : memref<16x1024xf32, #tpu.memory_space<vmem>>[vector<16xi32>, vector<16xi32>], vector<16xf32>,
        %parallel_loop3A_209 = arith.constant 16 : i32
        %parallel_loop3A_210 = arith.muli %parallel_loop3A_136, %parallel_loop3A_209 : i32
        %parallel_loop3A_211 = arith.constant 7 : i32
        %parallel_loop3A_212 = arith.index_cast %parallel_loop3A_211 : i32 to index
        %parallel_loop3A_213 = arith.index_cast %parallel_loop3A_210 : i32 to index
        %parallel_loop3A_214 = tpu.vector_load %arg8[%parallel_loop3A_212, %parallel_loop3A_213] {strides = array<i32>} : memref<16x1024xf32, #tpu.memory_space<vmem>>, vector<16xf32>,
        tpu.vector_store %arg8[%parallel_loop3A_212, %parallel_loop3A_213], %parallel_loop3A_208 {strides = array<i32>} : memref<16x1024xf32, #tpu.memory_space<vmem>>, vector<16xf32>,
        %parallel_loop3A_215 = arith.constant 8 : i32
        %parallel_loop3A_216 = vector.broadcast %parallel_loop3A_215 : i32 to vector<16xi32>
        %parallel_loop3A_217 = tpu.vector_load_idx %arg6[%parallel_loop3A_216, %parallel_loop3A_142] : memref<16x1024xf32, #tpu.memory_space<vmem>>[vector<16xi32>, vector<16xi32>], vector<16xf32>,
        %parallel_loop3A_218 = arith.constant 16 : i32
        %parallel_loop3A_219 = arith.muli %parallel_loop3A_136, %parallel_loop3A_218 : i32
        %parallel_loop3A_220 = arith.constant 8 : i32
        %parallel_loop3A_221 = arith.index_cast %parallel_loop3A_220 : i32 to index
        %parallel_loop3A_222 = arith.index_cast %parallel_loop3A_219 : i32 to index
        %parallel_loop3A_223 = tpu.vector_load %arg8[%parallel_loop3A_221, %parallel_loop3A_222] {strides = array<i32>} : memref<16x1024xf32, #tpu.memory_space<vmem>>, vector<16xf32>,
        tpu.vector_store %arg8[%parallel_loop3A_221, %parallel_loop3A_222], %parallel_loop3A_217 {strides = array<i32>} : memref<16x1024xf32, #tpu.memory_space<vmem>>, vector<16xf32>,
        %parallel_loop3A_224 = arith.constant 9 : i32
        %parallel_loop3A_225 = vector.broadcast %parallel_loop3A_224 : i32 to vector<16xi32>
        %parallel_loop3A_226 = tpu.vector_load_idx %arg6[%parallel_loop3A_225, %parallel_loop3A_142] : memref<16x1024xf32, #tpu.memory_space<vmem>>[vector<16xi32>, vector<16xi32>], vector<16xf32>,
        %parallel_loop3A_227 = arith.constant 16 : i32
        %parallel_loop3A_228 = arith.muli %parallel_loop3A_136, %parallel_loop3A_227 : i32
        %parallel_loop3A_229 = arith.constant 9 : i32
        %parallel_loop3A_230 = arith.index_cast %parallel_loop3A_229 : i32 to index
        %parallel_loop3A_231 = arith.index_cast %parallel_loop3A_228 : i32 to index
        %parallel_loop3A_232 = tpu.vector_load %arg8[%parallel_loop3A_230, %parallel_loop3A_231] {strides = array<i32>} : memref<16x1024xf32, #tpu.memory_space<vmem>>, vector<16xf32>,
        tpu.vector_store %arg8[%parallel_loop3A_230, %parallel_loop3A_231], %parallel_loop3A_226 {strides = array<i32>} : memref<16x1024xf32, #tpu.memory_space<vmem>>, vector<16xf32>,
        %parallel_loop3A_233 = arith.constant 10 : i32
        %parallel_loop3A_234 = vector.broadcast %parallel_loop3A_233 : i32 to vector<16xi32>
        %parallel_loop3A_235 = tpu.vector_load_idx %arg6[%parallel_loop3A_234, %parallel_loop3A_142] : memref<16x1024xf32, #tpu.memory_space<vmem>>[vector<16xi32>, vector<16xi32>], vector<16xf32>,
        %parallel_loop3A_236 = arith.constant 16 : i32
        %parallel_loop3A_237 = arith.muli %parallel_loop3A_136, %parallel_loop3A_236 : i32
        %parallel_loop3A_238 = arith.constant 10 : i32
        %parallel_loop3A_239 = arith.index_cast %parallel_loop3A_238 : i32 to index
        %parallel_loop3A_240 = arith.index_cast %parallel_loop3A_237 : i32 to index
        %parallel_loop3A_241 = tpu.vector_load %arg8[%parallel_loop3A_239, %parallel_loop3A_240] {strides = array<i32>} : memref<16x1024xf32, #tpu.memory_space<vmem>>, vector<16xf32>,
        tpu.vector_store %arg8[%parallel_loop3A_239, %parallel_loop3A_240], %parallel_loop3A_235 {strides = array<i32>} : memref<16x1024xf32, #tpu.memory_space<vmem>>, vector<16xf32>,
        %parallel_loop3A_242 = arith.constant 11 : i32
        %parallel_loop3A_243 = vector.broadcast %parallel_loop3A_242 : i32 to vector<16xi32>
        %parallel_loop3A_244 = tpu.vector_load_idx %arg6[%parallel_loop3A_243, %parallel_loop3A_142] : memref<16x1024xf32, #tpu.memory_space<vmem>>[vector<16xi32>, vector<16xi32>], vector<16xf32>,
        %parallel_loop3A_245 = arith.constant 16 : i32
        %parallel_loop3A_246 = arith.muli %parallel_loop3A_136, %parallel_loop3A_245 : i32
        %parallel_loop3A_247 = arith.constant 11 : i32
        %parallel_loop3A_248 = arith.index_cast %parallel_loop3A_247 : i32 to index
        %parallel_loop3A_249 = arith.index_cast %parallel_loop3A_246 : i32 to index
        %parallel_loop3A_250 = tpu.vector_load %arg8[%parallel_loop3A_248, %parallel_loop3A_249] {strides = array<i32>} : memref<16x1024xf32, #tpu.memory_space<vmem>>, vector<16xf32>,
        tpu.vector_store %arg8[%parallel_loop3A_248, %parallel_loop3A_249], %parallel_loop3A_244 {strides = array<i32>} : memref<16x1024xf32, #tpu.memory_space<vmem>>, vector<16xf32>,
        %parallel_loop3A_251 = arith.constant 12 : i32
        %parallel_loop3A_252 = vector.broadcast %parallel_loop3A_251 : i32 to vector<16xi32>
        %parallel_loop3A_253 = tpu.vector_load_idx %arg6[%parallel_loop3A_252, %parallel_loop3A_142] : memref<16x1024xf32, #tpu.memory_space<vmem>>[vector<16xi32>, vector<16xi32>], vector<16xf32>,
        %parallel_loop3A_254 = arith.constant 16 : i32
        %parallel_loop3A_255 = arith.muli %parallel_loop3A_136, %parallel_loop3A_254 : i32
        %parallel_loop3A_256 = arith.constant 12 : i32
        %parallel_loop3A_257 = arith.index_cast %parallel_loop3A_256 : i32 to index
        %parallel_loop3A_258 = arith.index_cast %parallel_loop3A_255 : i32 to index
        %parallel_loop3A_259 = tpu.vector_load %arg8[%parallel_loop3A_257, %parallel_loop3A_258] {strides = array<i32>} : memref<16x1024xf32, #tpu.memory_space<vmem>>, vector<16xf32>,
        tpu.vector_store %arg8[%parallel_loop3A_257, %parallel_loop3A_258], %parallel_loop3A_253 {strides = array<i32>} : memref<16x1024xf32, #tpu.memory_space<vmem>>, vector<16xf32>,
        %parallel_loop3A_260 = arith.constant 13 : i32
        %parallel_loop3A_261 = vector.broadcast %parallel_loop3A_260 : i32 to vector<16xi32>
        %parallel_loop3A_262 = tpu.vector_load_idx %arg6[%parallel_loop3A_261, %parallel_loop3A_142] : memref<16x1024xf32, #tpu.memory_space<vmem>>[vector<16xi32>, vector<16xi32>], vector<16xf32>,
        %parallel_loop3A_263 = arith.constant 16 : i32
        %parallel_loop3A_264 = arith.muli %parallel_loop3A_136, %parallel_loop3A_263 : i32
        %parallel_loop3A_265 = arith.constant 13 : i32
        %parallel_loop3A_266 = arith.index_cast %parallel_loop3A_265 : i32 to index
        %parallel_loop3A_267 = arith.index_cast %parallel_loop3A_264 : i32 to index
        %parallel_loop3A_268 = tpu.vector_load %arg8[%parallel_loop3A_266, %parallel_loop3A_267] {strides = array<i32>} : memref<16x1024xf32, #tpu.memory_space<vmem>>, vector<16xf32>,
        tpu.vector_store %arg8[%parallel_loop3A_266, %parallel_loop3A_267], %parallel_loop3A_262 {strides = array<i32>} : memref<16x1024xf32, #tpu.memory_space<vmem>>, vector<16xf32>,
        %parallel_loop3A_269 = arith.constant 14 : i32
        %parallel_loop3A_270 = vector.broadcast %parallel_loop3A_269 : i32 to vector<16xi32>
        %parallel_loop3A_271 = tpu.vector_load_idx %arg6[%parallel_loop3A_270, %parallel_loop3A_142] : memref<16x1024xf32, #tpu.memory_space<vmem>>[vector<16xi32>, vector<16xi32>], vector<16xf32>,
        %parallel_loop3A_272 = arith.constant 16 : i32
        %parallel_loop3A_273 = arith.muli %parallel_loop3A_136, %parallel_loop3A_272 : i32
        %parallel_loop3A_274 = arith.constant 14 : i32
        %parallel_loop3A_275 = arith.index_cast %parallel_loop3A_274 : i32 to index
        %parallel_loop3A_276 = arith.index_cast %parallel_loop3A_273 : i32 to index
        %parallel_loop3A_277 = tpu.vector_load %arg8[%parallel_loop3A_275, %parallel_loop3A_276] {strides = array<i32>} : memref<16x1024xf32, #tpu.memory_space<vmem>>, vector<16xf32>,
        tpu.vector_store %arg8[%parallel_loop3A_275, %parallel_loop3A_276], %parallel_loop3A_271 {strides = array<i32>} : memref<16x1024xf32, #tpu.memory_space<vmem>>, vector<16xf32>,
        %parallel_loop3A_278 = arith.constant 15 : i32
        %parallel_loop3A_279 = vector.broadcast %parallel_loop3A_278 : i32 to vector<16xi32>
        %parallel_loop3A_280 = tpu.vector_load_idx %arg6[%parallel_loop3A_279, %parallel_loop3A_142] : memref<16x1024xf32, #tpu.memory_space<vmem>>[vector<16xi32>, vector<16xi32>], vector<16xf32>,
        %parallel_loop3A_281 = arith.constant 16 : i32
        %parallel_loop3A_282 = arith.muli %parallel_loop3A_136, %parallel_loop3A_281 : i32
        %parallel_loop3A_283 = arith.constant 15 : i32
        %parallel_loop3A_284 = arith.index_cast %parallel_loop3A_283 : i32 to index
        %parallel_loop3A_285 = arith.index_cast %parallel_loop3A_282 : i32 to index
        %parallel_loop3A_286 = tpu.vector_load %arg8[%parallel_loop3A_284, %parallel_loop3A_285] {strides = array<i32>} : memref<16x1024xf32, #tpu.memory_space<vmem>>, vector<16xf32>,
        tpu.vector_store %arg8[%parallel_loop3A_284, %parallel_loop3A_285], %parallel_loop3A_280 {strides = array<i32>} : memref<16x1024xf32, #tpu.memory_space<vmem>>, vector<16xf32>,
        %parallel_loop3A_287 = arith.constant 16 : i32
        %parallel_loop3A_288 = arith.muli %parallel_loop3A_136, %parallel_loop3A_287 : i32
        %parallel_loop3A_289 = arith.constant 1024 : i32
        %parallel_loop3A_290 = arith.addi %parallel_loop3A_289, %parallel_loop3A_288 : i32
        %parallel_loop3A_291 = arith.index_cast %parallel_loop3A_290 : i32 to index
        %parallel_loop3A_292 = tpu.vector_load %arg5[%parallel_loop3A_291] {strides = array<i32>} : memref<2048xi32, #tpu.memory_space<vmem>>, vector<16xi32>,
        %parallel_loop3A_293 = arith.constant 0 : i32
        %parallel_loop3A_294 = vector.broadcast %parallel_loop3A_293 : i32 to vector<16xi32>
        %parallel_loop3A_295 = tpu.vector_load_idx %arg6[%parallel_loop3A_294, %parallel_loop3A_292] : memref<16x1024xf32, #tpu.memory_space<vmem>>[vector<16xi32>, vector<16xi32>], vector<16xf32>,
        %parallel_loop3A_296 = arith.constant 16 : i32
        %parallel_loop3A_297 = arith.muli %parallel_loop3A_136, %parallel_loop3A_296 : i32
        %parallel_loop3A_298 = arith.constant 0 : i32
        %parallel_loop3A_299 = arith.index_cast %parallel_loop3A_298 : i32 to index
        %parallel_loop3A_300 = arith.index_cast %parallel_loop3A_297 : i32 to index
        %parallel_loop3A_301 = tpu.vector_load %arg9[%parallel_loop3A_299, %parallel_loop3A_300] {strides = array<i32>} : memref<16x1024xf32, #tpu.memory_space<vmem>>, vector<16xf32>,
        tpu.vector_store %arg9[%parallel_loop3A_299, %parallel_loop3A_300], %parallel_loop3A_295 {strides = array<i32>} : memref<16x1024xf32, #tpu.memory_space<vmem>>, vector<16xf32>,
        %parallel_loop3A_302 = arith.constant 1 : i32
        %parallel_loop3A_303 = vector.broadcast %parallel_loop3A_302 : i32 to vector<16xi32>
        %parallel_loop3A_304 = tpu.vector_load_idx %arg6[%parallel_loop3A_303, %parallel_loop3A_292] : memref<16x1024xf32, #tpu.memory_space<vmem>>[vector<16xi32>, vector<16xi32>], vector<16xf32>,
        %parallel_loop3A_305 = arith.constant 16 : i32
        %parallel_loop3A_306 = arith.muli %parallel_loop3A_136, %parallel_loop3A_305 : i32
        %parallel_loop3A_307 = arith.constant 1 : i32
        %parallel_loop3A_308 = arith.index_cast %parallel_loop3A_307 : i32 to index
        %parallel_loop3A_309 = arith.index_cast %parallel_loop3A_306 : i32 to index
        %parallel_loop3A_310 = tpu.vector_load %arg9[%parallel_loop3A_308, %parallel_loop3A_309] {strides = array<i32>} : memref<16x1024xf32, #tpu.memory_space<vmem>>, vector<16xf32>,
        tpu.vector_store %arg9[%parallel_loop3A_308, %parallel_loop3A_309], %parallel_loop3A_304 {strides = array<i32>} : memref<16x1024xf32, #tpu.memory_space<vmem>>, vector<16xf32>,
        %parallel_loop3A_311 = arith.constant 2 : i32
        %parallel_loop3A_312 = vector.broadcast %parallel_loop3A_311 : i32 to vector<16xi32>
        %parallel_loop3A_313 = tpu.vector_load_idx %arg6[%parallel_loop3A_312, %parallel_loop3A_292] : memref<16x1024xf32, #tpu.memory_space<vmem>>[vector<16xi32>, vector<16xi32>], vector<16xf32>,
        %parallel_loop3A_314 = arith.constant 16 : i32
        %parallel_loop3A_315 = arith.muli %parallel_loop3A_136, %parallel_loop3A_314 : i32
        %parallel_loop3A_316 = arith.constant 2 : i32
        %parallel_loop3A_317 = arith.index_cast %parallel_loop3A_316 : i32 to index
        %parallel_loop3A_318 = arith.index_cast %parallel_loop3A_315 : i32 to index
        %parallel_loop3A_319 = tpu.vector_load %arg9[%parallel_loop3A_317, %parallel_loop3A_318] {strides = array<i32>} : memref<16x1024xf32, #tpu.memory_space<vmem>>, vector<16xf32>,
        tpu.vector_store %arg9[%parallel_loop3A_317, %parallel_loop3A_318], %parallel_loop3A_313 {strides = array<i32>} : memref<16x1024xf32, #tpu.memory_space<vmem>>, vector<16xf32>,
        %parallel_loop3A_320 = arith.constant 3 : i32
        %parallel_loop3A_321 = vector.broadcast %parallel_loop3A_320 : i32 to vector<16xi32>
        %parallel_loop3A_322 = tpu.vector_load_idx %arg6[%parallel_loop3A_321, %parallel_loop3A_292] : memref<16x1024xf32, #tpu.memory_space<vmem>>[vector<16xi32>, vector<16xi32>], vector<16xf32>,
        %parallel_loop3A_323 = arith.constant 16 : i32
        %parallel_loop3A_324 = arith.muli %parallel_loop3A_136, %parallel_loop3A_323 : i32
        %parallel_loop3A_325 = arith.constant 3 : i32
        %parallel_loop3A_326 = arith.index_cast %parallel_loop3A_325 : i32 to index
        %parallel_loop3A_327 = arith.index_cast %parallel_loop3A_324 : i32 to index
        %parallel_loop3A_328 = tpu.vector_load %arg9[%parallel_loop3A_326, %parallel_loop3A_327] {strides = array<i32>} : memref<16x1024xf32, #tpu.memory_space<vmem>>, vector<16xf32>,
        tpu.vector_store %arg9[%parallel_loop3A_326, %parallel_loop3A_327], %parallel_loop3A_322 {strides = array<i32>} : memref<16x1024xf32, #tpu.memory_space<vmem>>, vector<16xf32>,
        %parallel_loop3A_329 = arith.constant 4 : i32
        %parallel_loop3A_330 = vector.broadcast %parallel_loop3A_329 : i32 to vector<16xi32>
        %parallel_loop3A_331 = tpu.vector_load_idx %arg6[%parallel_loop3A_330, %parallel_loop3A_292] : memref<16x1024xf32, #tpu.memory_space<vmem>>[vector<16xi32>, vector<16xi32>], vector<16xf32>,
        %parallel_loop3A_332 = arith.constant 16 : i32
        %parallel_loop3A_333 = arith.muli %parallel_loop3A_136, %parallel_loop3A_332 : i32
        %parallel_loop3A_334 = arith.constant 4 : i32
        %parallel_loop3A_335 = arith.index_cast %parallel_loop3A_334 : i32 to index
        %parallel_loop3A_336 = arith.index_cast %parallel_loop3A_333 : i32 to index
        %parallel_loop3A_337 = tpu.vector_load %arg9[%parallel_loop3A_335, %parallel_loop3A_336] {strides = array<i32>} : memref<16x1024xf32, #tpu.memory_space<vmem>>, vector<16xf32>,
        tpu.vector_store %arg9[%parallel_loop3A_335, %parallel_loop3A_336], %parallel_loop3A_331 {strides = array<i32>} : memref<16x1024xf32, #tpu.memory_space<vmem>>, vector<16xf32>,
        %parallel_loop3A_338 = arith.constant 5 : i32
        %parallel_loop3A_339 = vector.broadcast %parallel_loop3A_338 : i32 to vector<16xi32>
        %parallel_loop3A_340 = tpu.vector_load_idx %arg6[%parallel_loop3A_339, %parallel_loop3A_292] : memref<16x1024xf32, #tpu.memory_space<vmem>>[vector<16xi32>, vector<16xi32>], vector<16xf32>,
        %parallel_loop3A_341 = arith.constant 16 : i32
        %parallel_loop3A_342 = arith.muli %parallel_loop3A_136, %parallel_loop3A_341 : i32
        %parallel_loop3A_343 = arith.constant 5 : i32
        %parallel_loop3A_344 = arith.index_cast %parallel_loop3A_343 : i32 to index
        %parallel_loop3A_345 = arith.index_cast %parallel_loop3A_342 : i32 to index
        %parallel_loop3A_346 = tpu.vector_load %arg9[%parallel_loop3A_344, %parallel_loop3A_345] {strides = array<i32>} : memref<16x1024xf32, #tpu.memory_space<vmem>>, vector<16xf32>,
        tpu.vector_store %arg9[%parallel_loop3A_344, %parallel_loop3A_345], %parallel_loop3A_340 {strides = array<i32>} : memref<16x1024xf32, #tpu.memory_space<vmem>>, vector<16xf32>,
        %parallel_loop3A_347 = arith.constant 6 : i32
        %parallel_loop3A_348 = vector.broadcast %parallel_loop3A_347 : i32 to vector<16xi32>
        %parallel_loop3A_349 = tpu.vector_load_idx %arg6[%parallel_loop3A_348, %parallel_loop3A_292] : memref<16x1024xf32, #tpu.memory_space<vmem>>[vector<16xi32>, vector<16xi32>], vector<16xf32>,
        %parallel_loop3A_350 = arith.constant 16 : i32
        %parallel_loop3A_351 = arith.muli %parallel_loop3A_136, %parallel_loop3A_350 : i32
        %parallel_loop3A_352 = arith.constant 6 : i32
        %parallel_loop3A_353 = arith.index_cast %parallel_loop3A_352 : i32 to index
        %parallel_loop3A_354 = arith.index_cast %parallel_loop3A_351 : i32 to index
        %parallel_loop3A_355 = tpu.vector_load %arg9[%parallel_loop3A_353, %parallel_loop3A_354] {strides = array<i32>} : memref<16x1024xf32, #tpu.memory_space<vmem>>, vector<16xf32>,
        tpu.vector_store %arg9[%parallel_loop3A_353, %parallel_loop3A_354], %parallel_loop3A_349 {strides = array<i32>} : memref<16x1024xf32, #tpu.memory_space<vmem>>, vector<16xf32>,
        %parallel_loop3A_356 = arith.constant 7 : i32
        %parallel_loop3A_357 = vector.broadcast %parallel_loop3A_356 : i32 to vector<16xi32>
        %parallel_loop3A_358 = tpu.vector_load_idx %arg6[%parallel_loop3A_357, %parallel_loop3A_292] : memref<16x1024xf32, #tpu.memory_space<vmem>>[vector<16xi32>, vector<16xi32>], vector<16xf32>,
        %parallel_loop3A_359 = arith.constant 16 : i32
        %parallel_loop3A_360 = arith.muli %parallel_loop3A_136, %parallel_loop3A_359 : i32
        %parallel_loop3A_361 = arith.constant 7 : i32
        %parallel_loop3A_362 = arith.index_cast %parallel_loop3A_361 : i32 to index
        %parallel_loop3A_363 = arith.index_cast %parallel_loop3A_360 : i32 to index
        %parallel_loop3A_364 = tpu.vector_load %arg9[%parallel_loop3A_362, %parallel_loop3A_363] {strides = array<i32>} : memref<16x1024xf32, #tpu.memory_space<vmem>>, vector<16xf32>,
        tpu.vector_store %arg9[%parallel_loop3A_362, %parallel_loop3A_363], %parallel_loop3A_358 {strides = array<i32>} : memref<16x1024xf32, #tpu.memory_space<vmem>>, vector<16xf32>,
        %parallel_loop3A_365 = arith.constant 8 : i32
        %parallel_loop3A_366 = vector.broadcast %parallel_loop3A_365 : i32 to vector<16xi32>
        %parallel_loop3A_367 = tpu.vector_load_idx %arg6[%parallel_loop3A_366, %parallel_loop3A_292] : memref<16x1024xf32, #tpu.memory_space<vmem>>[vector<16xi32>, vector<16xi32>], vector<16xf32>,
        %parallel_loop3A_368 = arith.constant 16 : i32
        %parallel_loop3A_369 = arith.muli %parallel_loop3A_136, %parallel_loop3A_368 : i32
        %parallel_loop3A_370 = arith.constant 8 : i32
        %parallel_loop3A_371 = arith.index_cast %parallel_loop3A_370 : i32 to index
        %parallel_loop3A_372 = arith.index_cast %parallel_loop3A_369 : i32 to index
        %parallel_loop3A_373 = tpu.vector_load %arg9[%parallel_loop3A_371, %parallel_loop3A_372] {strides = array<i32>} : memref<16x1024xf32, #tpu.memory_space<vmem>>, vector<16xf32>,
        tpu.vector_store %arg9[%parallel_loop3A_371, %parallel_loop3A_372], %parallel_loop3A_367 {strides = array<i32>} : memref<16x1024xf32, #tpu.memory_space<vmem>>, vector<16xf32>,
        %parallel_loop3A_374 = arith.constant 9 : i32
        %parallel_loop3A_375 = vector.broadcast %parallel_loop3A_374 : i32 to vector<16xi32>
        %parallel_loop3A_376 = tpu.vector_load_idx %arg6[%parallel_loop3A_375, %parallel_loop3A_292] : memref<16x1024xf32, #tpu.memory_space<vmem>>[vector<16xi32>, vector<16xi32>], vector<16xf32>,
        %parallel_loop3A_377 = arith.constant 16 : i32
        %parallel_loop3A_378 = arith.muli %parallel_loop3A_136, %parallel_loop3A_377 : i32
        %parallel_loop3A_379 = arith.constant 9 : i32
        %parallel_loop3A_380 = arith.index_cast %parallel_loop3A_379 : i32 to index
        %parallel_loop3A_381 = arith.index_cast %parallel_loop3A_378 : i32 to index
        %parallel_loop3A_382 = tpu.vector_load %arg9[%parallel_loop3A_380, %parallel_loop3A_381] {strides = array<i32>} : memref<16x1024xf32, #tpu.memory_space<vmem>>, vector<16xf32>,
        tpu.vector_store %arg9[%parallel_loop3A_380, %parallel_loop3A_381], %parallel_loop3A_376 {strides = array<i32>} : memref<16x1024xf32, #tpu.memory_space<vmem>>, vector<16xf32>,
        %parallel_loop3A_383 = arith.constant 10 : i32
        %parallel_loop3A_384 = vector.broadcast %parallel_loop3A_383 : i32 to vector<16xi32>
        %parallel_loop3A_385 = tpu.vector_load_idx %arg6[%parallel_loop3A_384, %parallel_loop3A_292] : memref<16x1024xf32, #tpu.memory_space<vmem>>[vector<16xi32>, vector<16xi32>], vector<16xf32>,
        %parallel_loop3A_386 = arith.constant 16 : i32
        %parallel_loop3A_387 = arith.muli %parallel_loop3A_136, %parallel_loop3A_386 : i32
        %parallel_loop3A_388 = arith.constant 10 : i32
        %parallel_loop3A_389 = arith.index_cast %parallel_loop3A_388 : i32 to index
        %parallel_loop3A_390 = arith.index_cast %parallel_loop3A_387 : i32 to index
        %parallel_loop3A_391 = tpu.vector_load %arg9[%parallel_loop3A_389, %parallel_loop3A_390] {strides = array<i32>} : memref<16x1024xf32, #tpu.memory_space<vmem>>, vector<16xf32>,
        tpu.vector_store %arg9[%parallel_loop3A_389, %parallel_loop3A_390], %parallel_loop3A_385 {strides = array<i32>} : memref<16x1024xf32, #tpu.memory_space<vmem>>, vector<16xf32>,
        %parallel_loop3A_392 = arith.constant 11 : i32
        %parallel_loop3A_393 = vector.broadcast %parallel_loop3A_392 : i32 to vector<16xi32>
        %parallel_loop3A_394 = tpu.vector_load_idx %arg6[%parallel_loop3A_393, %parallel_loop3A_292] : memref<16x1024xf32, #tpu.memory_space<vmem>>[vector<16xi32>, vector<16xi32>], vector<16xf32>,
        %parallel_loop3A_395 = arith.constant 16 : i32
        %parallel_loop3A_396 = arith.muli %parallel_loop3A_136, %parallel_loop3A_395 : i32
        %parallel_loop3A_397 = arith.constant 11 : i32
        %parallel_loop3A_398 = arith.index_cast %parallel_loop3A_397 : i32 to index
        %parallel_loop3A_399 = arith.index_cast %parallel_loop3A_396 : i32 to index
        %parallel_loop3A_400 = tpu.vector_load %arg9[%parallel_loop3A_398, %parallel_loop3A_399] {strides = array<i32>} : memref<16x1024xf32, #tpu.memory_space<vmem>>, vector<16xf32>,
        tpu.vector_store %arg9[%parallel_loop3A_398, %parallel_loop3A_399], %parallel_loop3A_394 {strides = array<i32>} : memref<16x1024xf32, #tpu.memory_space<vmem>>, vector<16xf32>,
        %parallel_loop3A_401 = arith.constant 12 : i32
        %parallel_loop3A_402 = vector.broadcast %parallel_loop3A_401 : i32 to vector<16xi32>
        %parallel_loop3A_403 = tpu.vector_load_idx %arg6[%parallel_loop3A_402, %parallel_loop3A_292] : memref<16x1024xf32, #tpu.memory_space<vmem>>[vector<16xi32>, vector<16xi32>], vector<16xf32>,
        %parallel_loop3A_404 = arith.constant 16 : i32
        %parallel_loop3A_405 = arith.muli %parallel_loop3A_136, %parallel_loop3A_404 : i32
        %parallel_loop3A_406 = arith.constant 12 : i32
        %parallel_loop3A_407 = arith.index_cast %parallel_loop3A_406 : i32 to index
        %parallel_loop3A_408 = arith.index_cast %parallel_loop3A_405 : i32 to index
        %parallel_loop3A_409 = tpu.vector_load %arg9[%parallel_loop3A_407, %parallel_loop3A_408] {strides = array<i32>} : memref<16x1024xf32, #tpu.memory_space<vmem>>, vector<16xf32>,
        tpu.vector_store %arg9[%parallel_loop3A_407, %parallel_loop3A_408], %parallel_loop3A_403 {strides = array<i32>} : memref<16x1024xf32, #tpu.memory_space<vmem>>, vector<16xf32>,
        %parallel_loop3A_410 = arith.constant 13 : i32
        %parallel_loop3A_411 = vector.broadcast %parallel_loop3A_410 : i32 to vector<16xi32>
        %parallel_loop3A_412 = tpu.vector_load_idx %arg6[%parallel_loop3A_411, %parallel_loop3A_292] : memref<16x1024xf32, #tpu.memory_space<vmem>>[vector<16xi32>, vector<16xi32>], vector<16xf32>,
        %parallel_loop3A_413 = arith.constant 16 : i32
        %parallel_loop3A_414 = arith.muli %parallel_loop3A_136, %parallel_loop3A_413 : i32
        %parallel_loop3A_415 = arith.constant 13 : i32
        %parallel_loop3A_416 = arith.index_cast %parallel_loop3A_415 : i32 to index
        %parallel_loop3A_417 = arith.index_cast %parallel_loop3A_414 : i32 to index
        %parallel_loop3A_418 = tpu.vector_load %arg9[%parallel_loop3A_416, %parallel_loop3A_417] {strides = array<i32>} : memref<16x1024xf32, #tpu.memory_space<vmem>>, vector<16xf32>,
        tpu.vector_store %arg9[%parallel_loop3A_416, %parallel_loop3A_417], %parallel_loop3A_412 {strides = array<i32>} : memref<16x1024xf32, #tpu.memory_space<vmem>>, vector<16xf32>,
        %parallel_loop3A_419 = arith.constant 14 : i32
        %parallel_loop3A_420 = vector.broadcast %parallel_loop3A_419 : i32 to vector<16xi32>
        %parallel_loop3A_421 = tpu.vector_load_idx %arg6[%parallel_loop3A_420, %parallel_loop3A_292] : memref<16x1024xf32, #tpu.memory_space<vmem>>[vector<16xi32>, vector<16xi32>], vector<16xf32>,
        %parallel_loop3A_422 = arith.constant 16 : i32
        %parallel_loop3A_423 = arith.muli %parallel_loop3A_136, %parallel_loop3A_422 : i32
        %parallel_loop3A_424 = arith.constant 14 : i32
        %parallel_loop3A_425 = arith.index_cast %parallel_loop3A_424 : i32 to index
        %parallel_loop3A_426 = arith.index_cast %parallel_loop3A_423 : i32 to index
        %parallel_loop3A_427 = tpu.vector_load %arg9[%parallel_loop3A_425, %parallel_loop3A_426] {strides = array<i32>} : memref<16x1024xf32, #tpu.memory_space<vmem>>, vector<16xf32>,
        tpu.vector_store %arg9[%parallel_loop3A_425, %parallel_loop3A_426], %parallel_loop3A_421 {strides = array<i32>} : memref<16x1024xf32, #tpu.memory_space<vmem>>, vector<16xf32>,
        %parallel_loop3A_428 = arith.constant 15 : i32
        %parallel_loop3A_429 = vector.broadcast %parallel_loop3A_428 : i32 to vector<16xi32>
        %parallel_loop3A_430 = tpu.vector_load_idx %arg6[%parallel_loop3A_429, %parallel_loop3A_292] : memref<16x1024xf32, #tpu.memory_space<vmem>>[vector<16xi32>, vector<16xi32>], vector<16xf32>,
        %parallel_loop3A_431 = arith.constant 16 : i32
        %parallel_loop3A_432 = arith.muli %parallel_loop3A_136, %parallel_loop3A_431 : i32
        %parallel_loop3A_433 = arith.constant 15 : i32
        %parallel_loop3A_434 = arith.index_cast %parallel_loop3A_433 : i32 to index
        %parallel_loop3A_435 = arith.index_cast %parallel_loop3A_432 : i32 to index
        %parallel_loop3A_436 = tpu.vector_load %arg9[%parallel_loop3A_434, %parallel_loop3A_435] {strides = array<i32>} : memref<16x1024xf32, #tpu.memory_space<vmem>>, vector<16xf32>,
        tpu.vector_store %arg9[%parallel_loop3A_434, %parallel_loop3A_435], %parallel_loop3A_430 {strides = array<i32>} : memref<16x1024xf32, #tpu.memory_space<vmem>>, vector<16xf32>,
      } {sc.loop_unroll_factor = 2 : i64, sc.parallel_access}
      %mul3A_77 = arith.constant 16 : i32
      %mul3A_78 = arith.muli %mul3A_51, %mul3A_77 : i32
      %add3A_79 = arith.addi %mul3A_2, %mul3A_78 : i32
      %dma_start3A_80 = arith.constant 0 : i32
      %dma_start3A_81 = arith.constant 0 : i32
      %dma_start3A_82 = tpu.memref_slice %arg4[%dma_start3A_80, %add3A_79, %dma_start3A_81] : memref<2x24576x1024xf32, #tpu.memory_space<hbm>> -> memref<1x16x1024xf32, #tpu.memory_space<hbm>>
      %dma_start3A_83 = tpu.memref_squeeze %dma_start3A_82 : memref<1x16x1024xf32, #tpu.memory_space<hbm>> -> memref<16x1024xf32, #tpu.memory_space<hbm>>
      %dma_start3A_84 = arith.constant 0 : i32
      %dma_start3A_85 = tpu.memref_slice %arg4[%dma_start3A_80, %add3A_79, %dma_start3A_84] : memref<2x24576x1024xf32, #tpu.memory_space<hbm>> -> memref<1x16x1024xf32, #tpu.memory_space<hbm>>
      %dma_start3A_86 = tpu.memref_squeeze %dma_start3A_85 : memref<1x16x1024xf32, #tpu.memory_space<hbm>> -> memref<16x1024xf32, #tpu.memory_space<hbm>>
      tpu.enqueue_dma source(%arg8 : memref<16x1024xf32, #tpu.memory_space<vmem>>) target(%dma_start3A_86 : memref<16x1024xf32, #tpu.memory_space<hbm>>) target_semaphore(%arg14 : memref<!tpu.dma_semaphore, #tpu.memory_space<semaphore_mem>>)
      %dma_start3A_87 = arith.constant 1 : i32
      %dma_start3A_88 = arith.constant 0 : i32
      %dma_start3A_89 = tpu.memref_slice %arg4[%dma_start3A_87, %add3A_79, %dma_start3A_88] : memref<2x24576x1024xf32, #tpu.memory_space<hbm>> -> memref<1x16x1024xf32, #tpu.memory_space<hbm>>
      %dma_start3A_90 = tpu.memref_squeeze %dma_start3A_89 : memref<1x16x1024xf32, #tpu.memory_space<hbm>> -> memref<16x1024xf32, #tpu.memory_space<hbm>>
      %dma_start3A_91 = arith.constant 0 : i32
      %dma_start3A_92 = tpu.memref_slice %arg4[%dma_start3A_87, %add3A_79, %dma_start3A_91] : memref<2x24576x1024xf32, #tpu.memory_space<hbm>> -> memref<1x16x1024xf32, #tpu.memory_space<hbm>>
      %dma_start3A_93 = tpu.memref_squeeze %dma_start3A_92 : memref<1x16x1024xf32, #tpu.memory_space<hbm>> -> memref<16x1024xf32, #tpu.memory_space<hbm>>
      tpu.enqueue_dma source(%arg9 : memref<16x1024xf32, #tpu.memory_space<vmem>>) target(%dma_start3A_93 : memref<16x1024xf32, #tpu.memory_space<hbm>>) target_semaphore(%arg14 : memref<!tpu.dma_semaphore, #tpu.memory_space<semaphore_mem>>)
      %add3A_94 = arith.constant 2 : i32
      %add3A_95 = arith.addi %mul3A_51, %add3A_94 : i32
      %lt3A = arith.constant 48 : i32
      %lt3A_96 = arith.cmpi slt, %add3A_95, %lt3A : i32
      %convert_element_type3A_97 = arith.extui %lt3A_96 : i1 to i32
      %cond3A_98 = arith.constant 0 : i32
      %cond3A_99 = arith.cmpi ne, %convert_element_type3A_97, %cond3A_98 : i32
      scf.if %cond3A_99 {
        %add3A_136 = arith.constant 2 : i32
        %add3A_137 = arith.addi %mul3A_51, %add3A_136 : i32
        %mul3A_138 = arith.constant 16 : i32
        %mul3A_139 = arith.muli %add3A_137, %mul3A_138 : i32
        %add3A_140 = arith.addi %mul3A_2, %mul3A_139 : i32
        %dma_start3A_141 = arith.constant 0 : i32
        %dma_start3A_142 = arith.constant 0 : i32
        %dma_start3A_143 = tpu.memref_slice %arg2[%dma_start3A_141, %add3A_140, %dma_start3A_142] : memref<2x24576x1024xf32, #tpu.memory_space<hbm>> -> memref<1x16x1024xf32, #tpu.memory_space<hbm>>
        %dma_start3A_144 = tpu.memref_squeeze %dma_start3A_143 : memref<1x16x1024xf32, #tpu.memory_space<hbm>> -> memref<16x1024xf32, #tpu.memory_space<hbm>>
        %dma_start3A_145 = arith.constant 0 : i32
        %dma_start3A_146 = tpu.memref_slice %arg2[%dma_start3A_141, %add3A_140, %dma_start3A_145] : memref<2x24576x1024xf32, #tpu.memory_space<hbm>> -> memref<1x16x1024xf32, #tpu.memory_space<hbm>>
        %dma_start3A_147 = tpu.memref_squeeze %dma_start3A_146 : memref<1x16x1024xf32, #tpu.memory_space<hbm>> -> memref<16x1024xf32, #tpu.memory_space<hbm>>
        tpu.enqueue_dma source(%dma_start3A_147 : memref<16x1024xf32, #tpu.memory_space<hbm>>) target(%arg6 : memref<16x1024xf32, #tpu.memory_space<vmem>>) target_semaphore(%arg12 : memref<!tpu.dma_semaphore, #tpu.memory_space<semaphore_mem>>)
      } else {
      }
      %dma_wait3A_100 = arith.constant 0 : i32
      %dma_wait3A_101 = arith.constant 0 : i32
      %dma_wait3A_102 = arith.constant 0 : i32
      %dma_wait3A_103 = tpu.memref_slice %arg2[%dma_wait3A_100, %dma_wait3A_101, %dma_wait3A_102] : memref<2x24576x1024xf32, #tpu.memory_space<hbm>> -> memref<1x16x1024xf32, #tpu.memory_space<hbm>>
      %dma_wait3A_104 = tpu.memref_squeeze %dma_wait3A_103 : memref<1x16x1024xf32, #tpu.memory_space<hbm>> -> memref<16x1024xf32, #tpu.memory_space<hbm>>
      %dma_wait3A_105 = arith.constant 0 : i32
      %dma_wait3A_106 = arith.constant 0 : i32
      %dma_wait3A_107 = tpu.memref_slice %arg2[%dma_wait3A_100, %dma_wait3A_105, %dma_wait3A_106] : memref<2x24576x1024xf32, #tpu.memory_space<hbm>> -> memref<1x16x1024xf32, #tpu.memory_space<hbm>>
      %dma_wait3A_108 = tpu.memref_squeeze %dma_wait3A_107 : memref<1x16x1024xf32, #tpu.memory_space<hbm>> -> memref<16x1024xf32, #tpu.memory_space<hbm>>
      tpu.wait_dma2 semaphore(%arg13 : memref<!tpu.dma_semaphore, #tpu.memory_space<semaphore_mem>>) src(%dma_wait3A_108 : memref<16x1024xf32, #tpu.memory_space<hbm>>) dst(%arg7 : memref<16x1024xf32, #tpu.memory_space<vmem>>)
      %ge3A_109 = arith.constant 2 : i32
      %ge3A_110 = arith.cmpi sge, %mul3A_51, %ge3A_109 : i32
      %convert_element_type3A_111 = arith.extui %ge3A_110 : i1 to i32
      %cond3A_112 = arith.constant 0 : i32
      %cond3A_113 = arith.cmpi ne, %convert_element_type3A_111, %cond3A_112 : i32
      scf.if %cond3A_113 {
        %dma_wait3A_136 = arith.constant 0 : i32
        %dma_wait3A_137 = arith.constant 0 : i32
        %dma_wait3A_138 = arith.constant 0 : i32
        %dma_wait3A_139 = tpu.memref_slice %arg4[%dma_wait3A_136, %dma_wait3A_137, %dma_wait3A_138] : memref<2x24576x1024xf32, #tpu.memory_space<hbm>> -> memref<1x16x1024xf32, #tpu.memory_space<hbm>>
        %dma_wait3A_140 = tpu.memref_squeeze %dma_wait3A_139 : memref<1x16x1024xf32, #tpu.memory_space<hbm>> -> memref<16x1024xf32, #tpu.memory_space<hbm>>
        %dma_wait3A_141 = arith.constant 0 : i32
        %dma_wait3A_142 = arith.constant 0 : i32
        %dma_wait3A_143 = tpu.memref_slice %arg4[%dma_wait3A_136, %dma_wait3A_141, %dma_wait3A_142] : memref<2x24576x1024xf32, #tpu.memory_space<hbm>> -> memref<1x16x1024xf32, #tpu.memory_space<hbm>>
        %dma_wait3A_144 = tpu.memref_squeeze %dma_wait3A_143 : memref<1x16x1024xf32, #tpu.memory_space<hbm>> -> memref<16x1024xf32, #tpu.memory_space<hbm>>
        tpu.wait_dma2 semaphore(%arg15 : memref<!tpu.dma_semaphore, #tpu.memory_space<semaphore_mem>>) src(%arg10 : memref<16x1024xf32, #tpu.memory_space<vmem>>) dst(%dma_wait3A_144 : memref<16x1024xf32, #tpu.memory_space<hbm>>)
        %dma_wait3A_145 = arith.constant 1 : i32
        %dma_wait3A_146 = arith.constant 0 : i32
        %dma_wait3A_147 = arith.constant 0 : i32
        %dma_wait3A_148 = tpu.memref_slice %arg4[%dma_wait3A_145, %dma_wait3A_146, %dma_wait3A_147] : memref<2x24576x1024xf32, #tpu.memory_space<hbm>> -> memref<1x16x1024xf32, #tpu.memory_space<hbm>>
        %dma_wait3A_149 = tpu.memref_squeeze %dma_wait3A_148 : memref<1x16x1024xf32, #tpu.memory_space<hbm>> -> memref<16x1024xf32, #tpu.memory_space<hbm>>
        %dma_wait3A_150 = arith.constant 0 : i32
        %dma_wait3A_151 = arith.constant 0 : i32
        %dma_wait3A_152 = tpu.memref_slice %arg4[%dma_wait3A_145, %dma_wait3A_150, %dma_wait3A_151] : memref<2x24576x1024xf32, #tpu.memory_space<hbm>> -> memref<1x16x1024xf32, #tpu.memory_space<hbm>>
        %dma_wait3A_153 = tpu.memref_squeeze %dma_wait3A_152 : memref<1x16x1024xf32, #tpu.memory_space<hbm>> -> memref<16x1024xf32, #tpu.memory_space<hbm>>
        tpu.wait_dma2 semaphore(%arg15 : memref<!tpu.dma_semaphore, #tpu.memory_space<semaphore_mem>>) src(%arg11 : memref<16x1024xf32, #tpu.memory_space<vmem>>) dst(%dma_wait3A_153 : memref<16x1024xf32, #tpu.memory_space<hbm>>)
      } else {
      }
      %parallel_loop3A_114 = arith.constant 0 : i32
      %parallel_loop3A_115 = arith.constant 64 : i32
      %parallel_loop3A_116 = arith.constant 1 : i32
      scf.for %parallel_loop3A_136 = %parallel_loop3A_114 to %parallel_loop3A_115 step %parallel_loop3A_116  : i32 {
        %parallel_loop3A_137 = arith.constant 16 : i32
        %parallel_loop3A_138 = arith.muli %parallel_loop3A_136, %parallel_loop3A_137 : i32
        %parallel_loop3A_139 = arith.constant 0 : i32
        %parallel_loop3A_140 = arith.addi %parallel_loop3A_139, %parallel_loop3A_138 : i32
        %parallel_loop3A_141 = arith.index_cast %parallel_loop3A_140 : i32 to index
        %parallel_loop3A_142 = tpu.vector_load %arg5[%parallel_loop3A_141] {strides = array<i32>} : memref<2048xi32, #tpu.memory_space<vmem>>, vector<16xi32>,
        %parallel_loop3A_143 = arith.constant 0 : i32
        %parallel_loop3A_144 = vector.broadcast %parallel_loop3A_143 : i32 to vector<16xi32>
        %parallel_loop3A_145 = tpu.vector_load_idx %arg7[%parallel_loop3A_144, %parallel_loop3A_142] : memref<16x1024xf32, #tpu.memory_space<vmem>>[vector<16xi32>, vector<16xi32>], vector<16xf32>,
        %parallel_loop3A_146 = arith.constant 16 : i32
        %parallel_loop3A_147 = arith.muli %parallel_loop3A_136, %parallel_loop3A_146 : i32
        %parallel_loop3A_148 = arith.constant 0 : i32
        %parallel_loop3A_149 = arith.index_cast %parallel_loop3A_148 : i32 to index
        %parallel_loop3A_150 = arith.index_cast %parallel_loop3A_147 : i32 to index
        %parallel_loop3A_151 = tpu.vector_load %arg10[%parallel_loop3A_149, %parallel_loop3A_150] {strides = array<i32>} : memref<16x1024xf32, #tpu.memory_space<vmem>>, vector<16xf32>,
        tpu.vector_store %arg10[%parallel_loop3A_149, %parallel_loop3A_150], %parallel_loop3A_145 {strides = array<i32>} : memref<16x1024xf32, #tpu.memory_space<vmem>>, vector<16xf32>,
        %parallel_loop3A_152 = arith.constant 1 : i32
        %parallel_loop3A_153 = vector.broadcast %parallel_loop3A_152 : i32 to vector<16xi32>
        %parallel_loop3A_154 = tpu.vector_load_idx %arg7[%parallel_loop3A_153, %parallel_loop3A_142] : memref<16x1024xf32, #tpu.memory_space<vmem>>[vector<16xi32>, vector<16xi32>], vector<16xf32>,
        %parallel_loop3A_155 = arith.constant 16 : i32
        %parallel_loop3A_156 = arith.muli %parallel_loop3A_136, %parallel_loop3A_155 : i32
        %parallel_loop3A_157 = arith.constant 1 : i32
        %parallel_loop3A_158 = arith.index_cast %parallel_loop3A_157 : i32 to index
        %parallel_loop3A_159 = arith.index_cast %parallel_loop3A_156 : i32 to index
        %parallel_loop3A_160 = tpu.vector_load %arg10[%parallel_loop3A_158, %parallel_loop3A_159] {strides = array<i32>} : memref<16x1024xf32, #tpu.memory_space<vmem>>, vector<16xf32>,
        tpu.vector_store %arg10[%parallel_loop3A_158, %parallel_loop3A_159], %parallel_loop3A_154 {strides = array<i32>} : memref<16x1024xf32, #tpu.memory_space<vmem>>, vector<16xf32>,
        %parallel_loop3A_161 = arith.constant 2 : i32
        %parallel_loop3A_162 = vector.broadcast %parallel_loop3A_161 : i32 to vector<16xi32>
        %parallel_loop3A_163 = tpu.vector_load_idx %arg7[%parallel_loop3A_162, %parallel_loop3A_142] : memref<16x1024xf32, #tpu.memory_space<vmem>>[vector<16xi32>, vector<16xi32>], vector<16xf32>,
        %parallel_loop3A_164 = arith.constant 16 : i32
        %parallel_loop3A_165 = arith.muli %parallel_loop3A_136, %parallel_loop3A_164 : i32
        %parallel_loop3A_166 = arith.constant 2 : i32
        %parallel_loop3A_167 = arith.index_cast %parallel_loop3A_166 : i32 to index
        %parallel_loop3A_168 = arith.index_cast %parallel_loop3A_165 : i32 to index
        %parallel_loop3A_169 = tpu.vector_load %arg10[%parallel_loop3A_167, %parallel_loop3A_168] {strides = array<i32>} : memref<16x1024xf32, #tpu.memory_space<vmem>>, vector<16xf32>,
        tpu.vector_store %arg10[%parallel_loop3A_167, %parallel_loop3A_168], %parallel_loop3A_163 {strides = array<i32>} : memref<16x1024xf32, #tpu.memory_space<vmem>>, vector<16xf32>,
        %parallel_loop3A_170 = arith.constant 3 : i32
        %parallel_loop3A_171 = vector.broadcast %parallel_loop3A_170 : i32 to vector<16xi32>
        %parallel_loop3A_172 = tpu.vector_load_idx %arg7[%parallel_loop3A_171, %parallel_loop3A_142] : memref<16x1024xf32, #tpu.memory_space<vmem>>[vector<16xi32>, vector<16xi32>], vector<16xf32>,
        %parallel_loop3A_173 = arith.constant 16 : i32
        %parallel_loop3A_174 = arith.muli %parallel_loop3A_136, %parallel_loop3A_173 : i32
        %parallel_loop3A_175 = arith.constant 3 : i32
        %parallel_loop3A_176 = arith.index_cast %parallel_loop3A_175 : i32 to index
        %parallel_loop3A_177 = arith.index_cast %parallel_loop3A_174 : i32 to index
        %parallel_loop3A_178 = tpu.vector_load %arg10[%parallel_loop3A_176, %parallel_loop3A_177] {strides = array<i32>} : memref<16x1024xf32, #tpu.memory_space<vmem>>, vector<16xf32>,
        tpu.vector_store %arg10[%parallel_loop3A_176, %parallel_loop3A_177], %parallel_loop3A_172 {strides = array<i32>} : memref<16x1024xf32, #tpu.memory_space<vmem>>, vector<16xf32>,
        %parallel_loop3A_179 = arith.constant 4 : i32
        %parallel_loop3A_180 = vector.broadcast %parallel_loop3A_179 : i32 to vector<16xi32>
        %parallel_loop3A_181 = tpu.vector_load_idx %arg7[%parallel_loop3A_180, %parallel_loop3A_142] : memref<16x1024xf32, #tpu.memory_space<vmem>>[vector<16xi32>, vector<16xi32>], vector<16xf32>,
        %parallel_loop3A_182 = arith.constant 16 : i32
        %parallel_loop3A_183 = arith.muli %parallel_loop3A_136, %parallel_loop3A_182 : i32
        %parallel_loop3A_184 = arith.constant 4 : i32
        %parallel_loop3A_185 = arith.index_cast %parallel_loop3A_184 : i32 to index
        %parallel_loop3A_186 = arith.index_cast %parallel_loop3A_183 : i32 to index
        %parallel_loop3A_187 = tpu.vector_load %arg10[%parallel_loop3A_185, %parallel_loop3A_186] {strides = array<i32>} : memref<16x1024xf32, #tpu.memory_space<vmem>>, vector<16xf32>,
        tpu.vector_store %arg10[%parallel_loop3A_185, %parallel_loop3A_186], %parallel_loop3A_181 {strides = array<i32>} : memref<16x1024xf32, #tpu.memory_space<vmem>>, vector<16xf32>,
        %parallel_loop3A_188 = arith.constant 5 : i32
        %parallel_loop3A_189 = vector.broadcast %parallel_loop3A_188 : i32 to vector<16xi32>
        %parallel_loop3A_190 = tpu.vector_load_idx %arg7[%parallel_loop3A_189, %parallel_loop3A_142] : memref<16x1024xf32, #tpu.memory_space<vmem>>[vector<16xi32>, vector<16xi32>], vector<16xf32>,
        %parallel_loop3A_191 = arith.constant 16 : i32
        %parallel_loop3A_192 = arith.muli %parallel_loop3A_136, %parallel_loop3A_191 : i32
        %parallel_loop3A_193 = arith.constant 5 : i32
        %parallel_loop3A_194 = arith.index_cast %parallel_loop3A_193 : i32 to index
        %parallel_loop3A_195 = arith.index_cast %parallel_loop3A_192 : i32 to index
        %parallel_loop3A_196 = tpu.vector_load %arg10[%parallel_loop3A_194, %parallel_loop3A_195] {strides = array<i32>} : memref<16x1024xf32, #tpu.memory_space<vmem>>, vector<16xf32>,
        tpu.vector_store %arg10[%parallel_loop3A_194, %parallel_loop3A_195], %parallel_loop3A_190 {strides = array<i32>} : memref<16x1024xf32, #tpu.memory_space<vmem>>, vector<16xf32>,
        %parallel_loop3A_197 = arith.constant 6 : i32
        %parallel_loop3A_198 = vector.broadcast %parallel_loop3A_197 : i32 to vector<16xi32>
        %parallel_loop3A_199 = tpu.vector_load_idx %arg7[%parallel_loop3A_198, %parallel_loop3A_142] : memref<16x1024xf32, #tpu.memory_space<vmem>>[vector<16xi32>, vector<16xi32>], vector<16xf32>,
        %parallel_loop3A_200 = arith.constant 16 : i32
        %parallel_loop3A_201 = arith.muli %parallel_loop3A_136, %parallel_loop3A_200 : i32
        %parallel_loop3A_202 = arith.constant 6 : i32
        %parallel_loop3A_203 = arith.index_cast %parallel_loop3A_202 : i32 to index
        %parallel_loop3A_204 = arith.index_cast %parallel_loop3A_201 : i32 to index
        %parallel_loop3A_205 = tpu.vector_load %arg10[%parallel_loop3A_203, %parallel_loop3A_204] {strides = array<i32>} : memref<16x1024xf32, #tpu.memory_space<vmem>>, vector<16xf32>,
        tpu.vector_store %arg10[%parallel_loop3A_203, %parallel_loop3A_204], %parallel_loop3A_199 {strides = array<i32>} : memref<16x1024xf32, #tpu.memory_space<vmem>>, vector<16xf32>,
        %parallel_loop3A_206 = arith.constant 7 : i32
        %parallel_loop3A_207 = vector.broadcast %parallel_loop3A_206 : i32 to vector<16xi32>
        %parallel_loop3A_208 = tpu.vector_load_idx %arg7[%parallel_loop3A_207, %parallel_loop3A_142] : memref<16x1024xf32, #tpu.memory_space<vmem>>[vector<16xi32>, vector<16xi32>], vector<16xf32>,
        %parallel_loop3A_209 = arith.constant 16 : i32
        %parallel_loop3A_210 = arith.muli %parallel_loop3A_136, %parallel_loop3A_209 : i32
        %parallel_loop3A_211 = arith.constant 7 : i32
        %parallel_loop3A_212 = arith.index_cast %parallel_loop3A_211 : i32 to index
        %parallel_loop3A_213 = arith.index_cast %parallel_loop3A_210 : i32 to index
        %parallel_loop3A_214 = tpu.vector_load %arg10[%parallel_loop3A_212, %parallel_loop3A_213] {strides = array<i32>} : memref<16x1024xf32, #tpu.memory_space<vmem>>, vector<16xf32>,
        tpu.vector_store %arg10[%parallel_loop3A_212, %parallel_loop3A_213], %parallel_loop3A_208 {strides = array<i32>} : memref<16x1024xf32, #tpu.memory_space<vmem>>, vector<16xf32>,
        %parallel_loop3A_215 = arith.constant 8 : i32
        %parallel_loop3A_216 = vector.broadcast %parallel_loop3A_215 : i32 to vector<16xi32>
        %parallel_loop3A_217 = tpu.vector_load_idx %arg7[%parallel_loop3A_216, %parallel_loop3A_142] : memref<16x1024xf32, #tpu.memory_space<vmem>>[vector<16xi32>, vector<16xi32>], vector<16xf32>,
        %parallel_loop3A_218 = arith.constant 16 : i32
        %parallel_loop3A_219 = arith.muli %parallel_loop3A_136, %parallel_loop3A_218 : i32
        %parallel_loop3A_220 = arith.constant 8 : i32
        %parallel_loop3A_221 = arith.index_cast %parallel_loop3A_220 : i32 to index
        %parallel_loop3A_222 = arith.index_cast %parallel_loop3A_219 : i32 to index
        %parallel_loop3A_223 = tpu.vector_load %arg10[%parallel_loop3A_221, %parallel_loop3A_222] {strides = array<i32>} : memref<16x1024xf32, #tpu.memory_space<vmem>>, vector<16xf32>,
        tpu.vector_store %arg10[%parallel_loop3A_221, %parallel_loop3A_222], %parallel_loop3A_217 {strides = array<i32>} : memref<16x1024xf32, #tpu.memory_space<vmem>>, vector<16xf32>,
        %parallel_loop3A_224 = arith.constant 9 : i32
        %parallel_loop3A_225 = vector.broadcast %parallel_loop3A_224 : i32 to vector<16xi32>
        %parallel_loop3A_226 = tpu.vector_load_idx %arg7[%parallel_loop3A_225, %parallel_loop3A_142] : memref<16x1024xf32, #tpu.memory_space<vmem>>[vector<16xi32>, vector<16xi32>], vector<16xf32>,
        %parallel_loop3A_227 = arith.constant 16 : i32
        %parallel_loop3A_228 = arith.muli %parallel_loop3A_136, %parallel_loop3A_227 : i32
        %parallel_loop3A_229 = arith.constant 9 : i32
        %parallel_loop3A_230 = arith.index_cast %parallel_loop3A_229 : i32 to index
        %parallel_loop3A_231 = arith.index_cast %parallel_loop3A_228 : i32 to index
        %parallel_loop3A_232 = tpu.vector_load %arg10[%parallel_loop3A_230, %parallel_loop3A_231] {strides = array<i32>} : memref<16x1024xf32, #tpu.memory_space<vmem>>, vector<16xf32>,
        tpu.vector_store %arg10[%parallel_loop3A_230, %parallel_loop3A_231], %parallel_loop3A_226 {strides = array<i32>} : memref<16x1024xf32, #tpu.memory_space<vmem>>, vector<16xf32>,
        %parallel_loop3A_233 = arith.constant 10 : i32
        %parallel_loop3A_234 = vector.broadcast %parallel_loop3A_233 : i32 to vector<16xi32>
        %parallel_loop3A_235 = tpu.vector_load_idx %arg7[%parallel_loop3A_234, %parallel_loop3A_142] : memref<16x1024xf32, #tpu.memory_space<vmem>>[vector<16xi32>, vector<16xi32>], vector<16xf32>,
        %parallel_loop3A_236 = arith.constant 16 : i32
        %parallel_loop3A_237 = arith.muli %parallel_loop3A_136, %parallel_loop3A_236 : i32
        %parallel_loop3A_238 = arith.constant 10 : i32
        %parallel_loop3A_239 = arith.index_cast %parallel_loop3A_238 : i32 to index
        %parallel_loop3A_240 = arith.index_cast %parallel_loop3A_237 : i32 to index
        %parallel_loop3A_241 = tpu.vector_load %arg10[%parallel_loop3A_239, %parallel_loop3A_240] {strides = array<i32>} : memref<16x1024xf32, #tpu.memory_space<vmem>>, vector<16xf32>,
        tpu.vector_store %arg10[%parallel_loop3A_239, %parallel_loop3A_240], %parallel_loop3A_235 {strides = array<i32>} : memref<16x1024xf32, #tpu.memory_space<vmem>>, vector<16xf32>,
        %parallel_loop3A_242 = arith.constant 11 : i32
        %parallel_loop3A_243 = vector.broadcast %parallel_loop3A_242 : i32 to vector<16xi32>
        %parallel_loop3A_244 = tpu.vector_load_idx %arg7[%parallel_loop3A_243, %parallel_loop3A_142] : memref<16x1024xf32, #tpu.memory_space<vmem>>[vector<16xi32>, vector<16xi32>], vector<16xf32>,
        %parallel_loop3A_245 = arith.constant 16 : i32
        %parallel_loop3A_246 = arith.muli %parallel_loop3A_136, %parallel_loop3A_245 : i32
        %parallel_loop3A_247 = arith.constant 11 : i32
        %parallel_loop3A_248 = arith.index_cast %parallel_loop3A_247 : i32 to index
        %parallel_loop3A_249 = arith.index_cast %parallel_loop3A_246 : i32 to index
        %parallel_loop3A_250 = tpu.vector_load %arg10[%parallel_loop3A_248, %parallel_loop3A_249] {strides = array<i32>} : memref<16x1024xf32, #tpu.memory_space<vmem>>, vector<16xf32>,
        tpu.vector_store %arg10[%parallel_loop3A_248, %parallel_loop3A_249], %parallel_loop3A_244 {strides = array<i32>} : memref<16x1024xf32, #tpu.memory_space<vmem>>, vector<16xf32>,
        %parallel_loop3A_251 = arith.constant 12 : i32
        %parallel_loop3A_252 = vector.broadcast %parallel_loop3A_251 : i32 to vector<16xi32>
        %parallel_loop3A_253 = tpu.vector_load_idx %arg7[%parallel_loop3A_252, %parallel_loop3A_142] : memref<16x1024xf32, #tpu.memory_space<vmem>>[vector<16xi32>, vector<16xi32>], vector<16xf32>,
        %parallel_loop3A_254 = arith.constant 16 : i32
        %parallel_loop3A_255 = arith.muli %parallel_loop3A_136, %parallel_loop3A_254 : i32
        %parallel_loop3A_256 = arith.constant 12 : i32
        %parallel_loop3A_257 = arith.index_cast %parallel_loop3A_256 : i32 to index
        %parallel_loop3A_258 = arith.index_cast %parallel_loop3A_255 : i32 to index
        %parallel_loop3A_259 = tpu.vector_load %arg10[%parallel_loop3A_257, %parallel_loop3A_258] {strides = array<i32>} : memref<16x1024xf32, #tpu.memory_space<vmem>>, vector<16xf32>,
        tpu.vector_store %arg10[%parallel_loop3A_257, %parallel_loop3A_258], %parallel_loop3A_253 {strides = array<i32>} : memref<16x1024xf32, #tpu.memory_space<vmem>>, vector<16xf32>,
        %parallel_loop3A_260 = arith.constant 13 : i32
        %parallel_loop3A_261 = vector.broadcast %parallel_loop3A_260 : i32 to vector<16xi32>
        %parallel_loop3A_262 = tpu.vector_load_idx %arg7[%parallel_loop3A_261, %parallel_loop3A_142] : memref<16x1024xf32, #tpu.memory_space<vmem>>[vector<16xi32>, vector<16xi32>], vector<16xf32>,
        %parallel_loop3A_263 = arith.constant 16 : i32
        %parallel_loop3A_264 = arith.muli %parallel_loop3A_136, %parallel_loop3A_263 : i32
        %parallel_loop3A_265 = arith.constant 13 : i32
        %parallel_loop3A_266 = arith.index_cast %parallel_loop3A_265 : i32 to index
        %parallel_loop3A_267 = arith.index_cast %parallel_loop3A_264 : i32 to index
        %parallel_loop3A_268 = tpu.vector_load %arg10[%parallel_loop3A_266, %parallel_loop3A_267] {strides = array<i32>} : memref<16x1024xf32, #tpu.memory_space<vmem>>, vector<16xf32>,
        tpu.vector_store %arg10[%parallel_loop3A_266, %parallel_loop3A_267], %parallel_loop3A_262 {strides = array<i32>} : memref<16x1024xf32, #tpu.memory_space<vmem>>, vector<16xf32>,
        %parallel_loop3A_269 = arith.constant 14 : i32
        %parallel_loop3A_270 = vector.broadcast %parallel_loop3A_269 : i32 to vector<16xi32>
        %parallel_loop3A_271 = tpu.vector_load_idx %arg7[%parallel_loop3A_270, %parallel_loop3A_142] : memref<16x1024xf32, #tpu.memory_space<vmem>>[vector<16xi32>, vector<16xi32>], vector<16xf32>,
        %parallel_loop3A_272 = arith.constant 16 : i32
        %parallel_loop3A_273 = arith.muli %parallel_loop3A_136, %parallel_loop3A_272 : i32
        %parallel_loop3A_274 = arith.constant 14 : i32
        %parallel_loop3A_275 = arith.index_cast %parallel_loop3A_274 : i32 to index
        %parallel_loop3A_276 = arith.index_cast %parallel_loop3A_273 : i32 to index
        %parallel_loop3A_277 = tpu.vector_load %arg10[%parallel_loop3A_275, %parallel_loop3A_276] {strides = array<i32>} : memref<16x1024xf32, #tpu.memory_space<vmem>>, vector<16xf32>,
        tpu.vector_store %arg10[%parallel_loop3A_275, %parallel_loop3A_276], %parallel_loop3A_271 {strides = array<i32>} : memref<16x1024xf32, #tpu.memory_space<vmem>>, vector<16xf32>,
        %parallel_loop3A_278 = arith.constant 15 : i32
        %parallel_loop3A_279 = vector.broadcast %parallel_loop3A_278 : i32 to vector<16xi32>
        %parallel_loop3A_280 = tpu.vector_load_idx %arg7[%parallel_loop3A_279, %parallel_loop3A_142] : memref<16x1024xf32, #tpu.memory_space<vmem>>[vector<16xi32>, vector<16xi32>], vector<16xf32>,
        %parallel_loop3A_281 = arith.constant 16 : i32
        %parallel_loop3A_282 = arith.muli %parallel_loop3A_136, %parallel_loop3A_281 : i32
        %parallel_loop3A_283 = arith.constant 15 : i32
        %parallel_loop3A_284 = arith.index_cast %parallel_loop3A_283 : i32 to index
        %parallel_loop3A_285 = arith.index_cast %parallel_loop3A_282 : i32 to index
        %parallel_loop3A_286 = tpu.vector_load %arg10[%parallel_loop3A_284, %parallel_loop3A_285] {strides = array<i32>} : memref<16x1024xf32, #tpu.memory_space<vmem>>, vector<16xf32>,
        tpu.vector_store %arg10[%parallel_loop3A_284, %parallel_loop3A_285], %parallel_loop3A_280 {strides = array<i32>} : memref<16x1024xf32, #tpu.memory_space<vmem>>, vector<16xf32>,
        %parallel_loop3A_287 = arith.constant 16 : i32
        %parallel_loop3A_288 = arith.muli %parallel_loop3A_136, %parallel_loop3A_287 : i32
        %parallel_loop3A_289 = arith.constant 1024 : i32
        %parallel_loop3A_290 = arith.addi %parallel_loop3A_289, %parallel_loop3A_288 : i32
        %parallel_loop3A_291 = arith.index_cast %parallel_loop3A_290 : i32 to index
        %parallel_loop3A_292 = tpu.vector_load %arg5[%parallel_loop3A_291] {strides = array<i32>} : memref<2048xi32, #tpu.memory_space<vmem>>, vector<16xi32>,
        %parallel_loop3A_293 = arith.constant 0 : i32
        %parallel_loop3A_294 = vector.broadcast %parallel_loop3A_293 : i32 to vector<16xi32>
        %parallel_loop3A_295 = tpu.vector_load_idx %arg7[%parallel_loop3A_294, %parallel_loop3A_292] : memref<16x1024xf32, #tpu.memory_space<vmem>>[vector<16xi32>, vector<16xi32>], vector<16xf32>,
        %parallel_loop3A_296 = arith.constant 16 : i32
        %parallel_loop3A_297 = arith.muli %parallel_loop3A_136, %parallel_loop3A_296 : i32
        %parallel_loop3A_298 = arith.constant 0 : i32
        %parallel_loop3A_299 = arith.index_cast %parallel_loop3A_298 : i32 to index
        %parallel_loop3A_300 = arith.index_cast %parallel_loop3A_297 : i32 to index
        %parallel_loop3A_301 = tpu.vector_load %arg11[%parallel_loop3A_299, %parallel_loop3A_300] {strides = array<i32>} : memref<16x1024xf32, #tpu.memory_space<vmem>>, vector<16xf32>,
        tpu.vector_store %arg11[%parallel_loop3A_299, %parallel_loop3A_300], %parallel_loop3A_295 {strides = array<i32>} : memref<16x1024xf32, #tpu.memory_space<vmem>>, vector<16xf32>,
        %parallel_loop3A_302 = arith.constant 1 : i32
        %parallel_loop3A_303 = vector.broadcast %parallel_loop3A_302 : i32 to vector<16xi32>
        %parallel_loop3A_304 = tpu.vector_load_idx %arg7[%parallel_loop3A_303, %parallel_loop3A_292] : memref<16x1024xf32, #tpu.memory_space<vmem>>[vector<16xi32>, vector<16xi32>], vector<16xf32>,
        %parallel_loop3A_305 = arith.constant 16 : i32
        %parallel_loop3A_306 = arith.muli %parallel_loop3A_136, %parallel_loop3A_305 : i32
        %parallel_loop3A_307 = arith.constant 1 : i32
        %parallel_loop3A_308 = arith.index_cast %parallel_loop3A_307 : i32 to index
        %parallel_loop3A_309 = arith.index_cast %parallel_loop3A_306 : i32 to index
        %parallel_loop3A_310 = tpu.vector_load %arg11[%parallel_loop3A_308, %parallel_loop3A_309] {strides = array<i32>} : memref<16x1024xf32, #tpu.memory_space<vmem>>, vector<16xf32>,
        tpu.vector_store %arg11[%parallel_loop3A_308, %parallel_loop3A_309], %parallel_loop3A_304 {strides = array<i32>} : memref<16x1024xf32, #tpu.memory_space<vmem>>, vector<16xf32>,
        %parallel_loop3A_311 = arith.constant 2 : i32
        %parallel_loop3A_312 = vector.broadcast %parallel_loop3A_311 : i32 to vector<16xi32>
        %parallel_loop3A_313 = tpu.vector_load_idx %arg7[%parallel_loop3A_312, %parallel_loop3A_292] : memref<16x1024xf32, #tpu.memory_space<vmem>>[vector<16xi32>, vector<16xi32>], vector<16xf32>,
        %parallel_loop3A_314 = arith.constant 16 : i32
        %parallel_loop3A_315 = arith.muli %parallel_loop3A_136, %parallel_loop3A_314 : i32
        %parallel_loop3A_316 = arith.constant 2 : i32
        %parallel_loop3A_317 = arith.index_cast %parallel_loop3A_316 : i32 to index
        %parallel_loop3A_318 = arith.index_cast %parallel_loop3A_315 : i32 to index
        %parallel_loop3A_319 = tpu.vector_load %arg11[%parallel_loop3A_317, %parallel_loop3A_318] {strides = array<i32>} : memref<16x1024xf32, #tpu.memory_space<vmem>>, vector<16xf32>,
        tpu.vector_store %arg11[%parallel_loop3A_317, %parallel_loop3A_318], %parallel_loop3A_313 {strides = array<i32>} : memref<16x1024xf32, #tpu.memory_space<vmem>>, vector<16xf32>,
        %parallel_loop3A_320 = arith.constant 3 : i32
        %parallel_loop3A_321 = vector.broadcast %parallel_loop3A_320 : i32 to vector<16xi32>
        %parallel_loop3A_322 = tpu.vector_load_idx %arg7[%parallel_loop3A_321, %parallel_loop3A_292] : memref<16x1024xf32, #tpu.memory_space<vmem>>[vector<16xi32>, vector<16xi32>], vector<16xf32>,
        %parallel_loop3A_323 = arith.constant 16 : i32
        %parallel_loop3A_324 = arith.muli %parallel_loop3A_136, %parallel_loop3A_323 : i32
        %parallel_loop3A_325 = arith.constant 3 : i32
        %parallel_loop3A_326 = arith.index_cast %parallel_loop3A_325 : i32 to index
        %parallel_loop3A_327 = arith.index_cast %parallel_loop3A_324 : i32 to index
        %parallel_loop3A_328 = tpu.vector_load %arg11[%parallel_loop3A_326, %parallel_loop3A_327] {strides = array<i32>} : memref<16x1024xf32, #tpu.memory_space<vmem>>, vector<16xf32>,
        tpu.vector_store %arg11[%parallel_loop3A_326, %parallel_loop3A_327], %parallel_loop3A_322 {strides = array<i32>} : memref<16x1024xf32, #tpu.memory_space<vmem>>, vector<16xf32>,
        %parallel_loop3A_329 = arith.constant 4 : i32
        %parallel_loop3A_330 = vector.broadcast %parallel_loop3A_329 : i32 to vector<16xi32>
        %parallel_loop3A_331 = tpu.vector_load_idx %arg7[%parallel_loop3A_330, %parallel_loop3A_292] : memref<16x1024xf32, #tpu.memory_space<vmem>>[vector<16xi32>, vector<16xi32>], vector<16xf32>,
        %parallel_loop3A_332 = arith.constant 16 : i32
        %parallel_loop3A_333 = arith.muli %parallel_loop3A_136, %parallel_loop3A_332 : i32
        %parallel_loop3A_334 = arith.constant 4 : i32
        %parallel_loop3A_335 = arith.index_cast %parallel_loop3A_334 : i32 to index
        %parallel_loop3A_336 = arith.index_cast %parallel_loop3A_333 : i32 to index
        %parallel_loop3A_337 = tpu.vector_load %arg11[%parallel_loop3A_335, %parallel_loop3A_336] {strides = array<i32>} : memref<16x1024xf32, #tpu.memory_space<vmem>>, vector<16xf32>,
        tpu.vector_store %arg11[%parallel_loop3A_335, %parallel_loop3A_336], %parallel_loop3A_331 {strides = array<i32>} : memref<16x1024xf32, #tpu.memory_space<vmem>>, vector<16xf32>,
        %parallel_loop3A_338 = arith.constant 5 : i32
        %parallel_loop3A_339 = vector.broadcast %parallel_loop3A_338 : i32 to vector<16xi32>
        %parallel_loop3A_340 = tpu.vector_load_idx %arg7[%parallel_loop3A_339, %parallel_loop3A_292] : memref<16x1024xf32, #tpu.memory_space<vmem>>[vector<16xi32>, vector<16xi32>], vector<16xf32>,
        %parallel_loop3A_341 = arith.constant 16 : i32
        %parallel_loop3A_342 = arith.muli %parallel_loop3A_136, %parallel_loop3A_341 : i32
        %parallel_loop3A_343 = arith.constant 5 : i32
        %parallel_loop3A_344 = arith.index_cast %parallel_loop3A_343 : i32 to index
        %parallel_loop3A_345 = arith.index_cast %parallel_loop3A_342 : i32 to index
        %parallel_loop3A_346 = tpu.vector_load %arg11[%parallel_loop3A_344, %parallel_loop3A_345] {strides = array<i32>} : memref<16x1024xf32, #tpu.memory_space<vmem>>, vector<16xf32>,
        tpu.vector_store %arg11[%parallel_loop3A_344, %parallel_loop3A_345], %parallel_loop3A_340 {strides = array<i32>} : memref<16x1024xf32, #tpu.memory_space<vmem>>, vector<16xf32>,
        %parallel_loop3A_347 = arith.constant 6 : i32
        %parallel_loop3A_348 = vector.broadcast %parallel_loop3A_347 : i32 to vector<16xi32>
        %parallel_loop3A_349 = tpu.vector_load_idx %arg7[%parallel_loop3A_348, %parallel_loop3A_292] : memref<16x1024xf32, #tpu.memory_space<vmem>>[vector<16xi32>, vector<16xi32>], vector<16xf32>,
        %parallel_loop3A_350 = arith.constant 16 : i32
        %parallel_loop3A_351 = arith.muli %parallel_loop3A_136, %parallel_loop3A_350 : i32
        %parallel_loop3A_352 = arith.constant 6 : i32
        %parallel_loop3A_353 = arith.index_cast %parallel_loop3A_352 : i32 to index
        %parallel_loop3A_354 = arith.index_cast %parallel_loop3A_351 : i32 to index
        %parallel_loop3A_355 = tpu.vector_load %arg11[%parallel_loop3A_353, %parallel_loop3A_354] {strides = array<i32>} : memref<16x1024xf32, #tpu.memory_space<vmem>>, vector<16xf32>,
        tpu.vector_store %arg11[%parallel_loop3A_353, %parallel_loop3A_354], %parallel_loop3A_349 {strides = array<i32>} : memref<16x1024xf32, #tpu.memory_space<vmem>>, vector<16xf32>,
        %parallel_loop3A_356 = arith.constant 7 : i32
        %parallel_loop3A_357 = vector.broadcast %parallel_loop3A_356 : i32 to vector<16xi32>
        %parallel_loop3A_358 = tpu.vector_load_idx %arg7[%parallel_loop3A_357, %parallel_loop3A_292] : memref<16x1024xf32, #tpu.memory_space<vmem>>[vector<16xi32>, vector<16xi32>], vector<16xf32>,
        %parallel_loop3A_359 = arith.constant 16 : i32
        %parallel_loop3A_360 = arith.muli %parallel_loop3A_136, %parallel_loop3A_359 : i32
        %parallel_loop3A_361 = arith.constant 7 : i32
        %parallel_loop3A_362 = arith.index_cast %parallel_loop3A_361 : i32 to index
        %parallel_loop3A_363 = arith.index_cast %parallel_loop3A_360 : i32 to index
        %parallel_loop3A_364 = tpu.vector_load %arg11[%parallel_loop3A_362, %parallel_loop3A_363] {strides = array<i32>} : memref<16x1024xf32, #tpu.memory_space<vmem>>, vector<16xf32>,
        tpu.vector_store %arg11[%parallel_loop3A_362, %parallel_loop3A_363], %parallel_loop3A_358 {strides = array<i32>} : memref<16x1024xf32, #tpu.memory_space<vmem>>, vector<16xf32>,
        %parallel_loop3A_365 = arith.constant 8 : i32
        %parallel_loop3A_366 = vector.broadcast %parallel_loop3A_365 : i32 to vector<16xi32>
        %parallel_loop3A_367 = tpu.vector_load_idx %arg7[%parallel_loop3A_366, %parallel_loop3A_292] : memref<16x1024xf32, #tpu.memory_space<vmem>>[vector<16xi32>, vector<16xi32>], vector<16xf32>,
        %parallel_loop3A_368 = arith.constant 16 : i32
        %parallel_loop3A_369 = arith.muli %parallel_loop3A_136, %parallel_loop3A_368 : i32
        %parallel_loop3A_370 = arith.constant 8 : i32
        %parallel_loop3A_371 = arith.index_cast %parallel_loop3A_370 : i32 to index
        %parallel_loop3A_372 = arith.index_cast %parallel_loop3A_369 : i32 to index
        %parallel_loop3A_373 = tpu.vector_load %arg11[%parallel_loop3A_371, %parallel_loop3A_372] {strides = array<i32>} : memref<16x1024xf32, #tpu.memory_space<vmem>>, vector<16xf32>,
        tpu.vector_store %arg11[%parallel_loop3A_371, %parallel_loop3A_372], %parallel_loop3A_367 {strides = array<i32>} : memref<16x1024xf32, #tpu.memory_space<vmem>>, vector<16xf32>,
        %parallel_loop3A_374 = arith.constant 9 : i32
        %parallel_loop3A_375 = vector.broadcast %parallel_loop3A_374 : i32 to vector<16xi32>
        %parallel_loop3A_376 = tpu.vector_load_idx %arg7[%parallel_loop3A_375, %parallel_loop3A_292] : memref<16x1024xf32, #tpu.memory_space<vmem>>[vector<16xi32>, vector<16xi32>], vector<16xf32>,
        %parallel_loop3A_377 = arith.constant 16 : i32
        %parallel_loop3A_378 = arith.muli %parallel_loop3A_136, %parallel_loop3A_377 : i32
        %parallel_loop3A_379 = arith.constant 9 : i32
        %parallel_loop3A_380 = arith.index_cast %parallel_loop3A_379 : i32 to index
        %parallel_loop3A_381 = arith.index_cast %parallel_loop3A_378 : i32 to index
        %parallel_loop3A_382 = tpu.vector_load %arg11[%parallel_loop3A_380, %parallel_loop3A_381] {strides = array<i32>} : memref<16x1024xf32, #tpu.memory_space<vmem>>, vector<16xf32>,
        tpu.vector_store %arg11[%parallel_loop3A_380, %parallel_loop3A_381], %parallel_loop3A_376 {strides = array<i32>} : memref<16x1024xf32, #tpu.memory_space<vmem>>, vector<16xf32>,
        %parallel_loop3A_383 = arith.constant 10 : i32
        %parallel_loop3A_384 = vector.broadcast %parallel_loop3A_383 : i32 to vector<16xi32>
        %parallel_loop3A_385 = tpu.vector_load_idx %arg7[%parallel_loop3A_384, %parallel_loop3A_292] : memref<16x1024xf32, #tpu.memory_space<vmem>>[vector<16xi32>, vector<16xi32>], vector<16xf32>,
        %parallel_loop3A_386 = arith.constant 16 : i32
        %parallel_loop3A_387 = arith.muli %parallel_loop3A_136, %parallel_loop3A_386 : i32
        %parallel_loop3A_388 = arith.constant 10 : i32
        %parallel_loop3A_389 = arith.index_cast %parallel_loop3A_388 : i32 to index
        %parallel_loop3A_390 = arith.index_cast %parallel_loop3A_387 : i32 to index
        %parallel_loop3A_391 = tpu.vector_load %arg11[%parallel_loop3A_389, %parallel_loop3A_390] {strides = array<i32>} : memref<16x1024xf32, #tpu.memory_space<vmem>>, vector<16xf32>,
        tpu.vector_store %arg11[%parallel_loop3A_389, %parallel_loop3A_390], %parallel_loop3A_385 {strides = array<i32>} : memref<16x1024xf32, #tpu.memory_space<vmem>>, vector<16xf32>,
        %parallel_loop3A_392 = arith.constant 11 : i32
        %parallel_loop3A_393 = vector.broadcast %parallel_loop3A_392 : i32 to vector<16xi32>
        %parallel_loop3A_394 = tpu.vector_load_idx %arg7[%parallel_loop3A_393, %parallel_loop3A_292] : memref<16x1024xf32, #tpu.memory_space<vmem>>[vector<16xi32>, vector<16xi32>], vector<16xf32>,
        %parallel_loop3A_395 = arith.constant 16 : i32
        %parallel_loop3A_396 = arith.muli %parallel_loop3A_136, %parallel_loop3A_395 : i32
        %parallel_loop3A_397 = arith.constant 11 : i32
        %parallel_loop3A_398 = arith.index_cast %parallel_loop3A_397 : i32 to index
        %parallel_loop3A_399 = arith.index_cast %parallel_loop3A_396 : i32 to index
        %parallel_loop3A_400 = tpu.vector_load %arg11[%parallel_loop3A_398, %parallel_loop3A_399] {strides = array<i32>} : memref<16x1024xf32, #tpu.memory_space<vmem>>, vector<16xf32>,
        tpu.vector_store %arg11[%parallel_loop3A_398, %parallel_loop3A_399], %parallel_loop3A_394 {strides = array<i32>} : memref<16x1024xf32, #tpu.memory_space<vmem>>, vector<16xf32>,
        %parallel_loop3A_401 = arith.constant 12 : i32
        %parallel_loop3A_402 = vector.broadcast %parallel_loop3A_401 : i32 to vector<16xi32>
        %parallel_loop3A_403 = tpu.vector_load_idx %arg7[%parallel_loop3A_402, %parallel_loop3A_292] : memref<16x1024xf32, #tpu.memory_space<vmem>>[vector<16xi32>, vector<16xi32>], vector<16xf32>,
        %parallel_loop3A_404 = arith.constant 16 : i32
        %parallel_loop3A_405 = arith.muli %parallel_loop3A_136, %parallel_loop3A_404 : i32
        %parallel_loop3A_406 = arith.constant 12 : i32
        %parallel_loop3A_407 = arith.index_cast %parallel_loop3A_406 : i32 to index
        %parallel_loop3A_408 = arith.index_cast %parallel_loop3A_405 : i32 to index
        %parallel_loop3A_409 = tpu.vector_load %arg11[%parallel_loop3A_407, %parallel_loop3A_408] {strides = array<i32>} : memref<16x1024xf32, #tpu.memory_space<vmem>>, vector<16xf32>,
        tpu.vector_store %arg11[%parallel_loop3A_407, %parallel_loop3A_408], %parallel_loop3A_403 {strides = array<i32>} : memref<16x1024xf32, #tpu.memory_space<vmem>>, vector<16xf32>,
        %parallel_loop3A_410 = arith.constant 13 : i32
        %parallel_loop3A_411 = vector.broadcast %parallel_loop3A_410 : i32 to vector<16xi32>
        %parallel_loop3A_412 = tpu.vector_load_idx %arg7[%parallel_loop3A_411, %parallel_loop3A_292] : memref<16x1024xf32, #tpu.memory_space<vmem>>[vector<16xi32>, vector<16xi32>], vector<16xf32>,
        %parallel_loop3A_413 = arith.constant 16 : i32
        %parallel_loop3A_414 = arith.muli %parallel_loop3A_136, %parallel_loop3A_413 : i32
        %parallel_loop3A_415 = arith.constant 13 : i32
        %parallel_loop3A_416 = arith.index_cast %parallel_loop3A_415 : i32 to index
        %parallel_loop3A_417 = arith.index_cast %parallel_loop3A_414 : i32 to index
        %parallel_loop3A_418 = tpu.vector_load %arg11[%parallel_loop3A_416, %parallel_loop3A_417] {strides = array<i32>} : memref<16x1024xf32, #tpu.memory_space<vmem>>, vector<16xf32>,
        tpu.vector_store %arg11[%parallel_loop3A_416, %parallel_loop3A_417], %parallel_loop3A_412 {strides = array<i32>} : memref<16x1024xf32, #tpu.memory_space<vmem>>, vector<16xf32>,
        %parallel_loop3A_419 = arith.constant 14 : i32
        %parallel_loop3A_420 = vector.broadcast %parallel_loop3A_419 : i32 to vector<16xi32>
        %parallel_loop3A_421 = tpu.vector_load_idx %arg7[%parallel_loop3A_420, %parallel_loop3A_292] : memref<16x1024xf32, #tpu.memory_space<vmem>>[vector<16xi32>, vector<16xi32>], vector<16xf32>,
        %parallel_loop3A_422 = arith.constant 16 : i32
        %parallel_loop3A_423 = arith.muli %parallel_loop3A_136, %parallel_loop3A_422 : i32
        %parallel_loop3A_424 = arith.constant 14 : i32
        %parallel_loop3A_425 = arith.index_cast %parallel_loop3A_424 : i32 to index
        %parallel_loop3A_426 = arith.index_cast %parallel_loop3A_423 : i32 to index
        %parallel_loop3A_427 = tpu.vector_load %arg11[%parallel_loop3A_425, %parallel_loop3A_426] {strides = array<i32>} : memref<16x1024xf32, #tpu.memory_space<vmem>>, vector<16xf32>,
        tpu.vector_store %arg11[%parallel_loop3A_425, %parallel_loop3A_426], %parallel_loop3A_421 {strides = array<i32>} : memref<16x1024xf32, #tpu.memory_space<vmem>>, vector<16xf32>,
        %parallel_loop3A_428 = arith.constant 15 : i32
        %parallel_loop3A_429 = vector.broadcast %parallel_loop3A_428 : i32 to vector<16xi32>
        %parallel_loop3A_430 = tpu.vector_load_idx %arg7[%parallel_loop3A_429, %parallel_loop3A_292] : memref<16x1024xf32, #tpu.memory_space<vmem>>[vector<16xi32>, vector<16xi32>], vector<16xf32>,
        %parallel_loop3A_431 = arith.constant 16 : i32
        %parallel_loop3A_432 = arith.muli %parallel_loop3A_136, %parallel_loop3A_431 : i32
        %parallel_loop3A_433 = arith.constant 15 : i32
        %parallel_loop3A_434 = arith.index_cast %parallel_loop3A_433 : i32 to index
        %parallel_loop3A_435 = arith.index_cast %parallel_loop3A_432 : i32 to index
        %parallel_loop3A_436 = tpu.vector_load %arg11[%parallel_loop3A_434, %parallel_loop3A_435] {strides = array<i32>} : memref<16x1024xf32, #tpu.memory_space<vmem>>, vector<16xf32>,
        tpu.vector_store %arg11[%parallel_loop3A_434, %parallel_loop3A_435], %parallel_loop3A_430 {strides = array<i32>} : memref<16x1024xf32, #tpu.memory_space<vmem>>, vector<16xf32>,
      } {sc.loop_unroll_factor = 2 : i64, sc.parallel_access}
      %add3A_117 = arith.constant 1 : i32
      %add3A_118 = arith.addi %mul3A_51, %add3A_117 : i32
      %mul3A_119 = arith.constant 16 : i32
      %mul3A_120 = arith.muli %add3A_118, %mul3A_119 : i32
      %add3A_121 = arith.addi %mul3A_2, %mul3A_120 : i32
      %dma_start3A_122 = arith.constant 0 : i32
      %dma_start3A_123 = arith.constant 0 : i32
      %dma_start3A_124 = tpu.memref_slice %arg4[%dma_start3A_122, %add3A_121, %dma_start3A_123] : memref<2x24576x1024xf32, #tpu.memory_space<hbm>> -> memref<1x16x1024xf32, #tpu.memory_space<hbm>>
      %dma_start3A_125 = tpu.memref_squeeze %dma_start3A_124 : memref<1x16x1024xf32, #tpu.memory_space<hbm>> -> memref<16x1024xf32, #tpu.memory_space<hbm>>
      %dma_start3A_126 = arith.constant 0 : i32
      %dma_start3A_127 = tpu.memref_slice %arg4[%dma_start3A_122, %add3A_121, %dma_start3A_126] : memref<2x24576x1024xf32, #tpu.memory_space<hbm>> -> memref<1x16x1024xf32, #tpu.memory_space<hbm>>
      %dma_start3A_128 = tpu.memref_squeeze %dma_start3A_127 : memref<1x16x1024xf32, #tpu.memory_space<hbm>> -> memref<16x1024xf32, #tpu.memory_space<hbm>>
      tpu.enqueue_dma source(%arg10 : memref<16x1024xf32, #tpu.memory_space<vmem>>) target(%dma_start3A_128 : memref<16x1024xf32, #tpu.memory_space<hbm>>) target_semaphore(%arg15 : memref<!tpu.dma_semaphore, #tpu.memory_space<semaphore_mem>>)
      %dma_start3A_129 = arith.constant 1 : i32
      %dma_start3A_130 = arith.constant 0 : i32
      %dma_start3A_131 = tpu.memref_slice %arg4[%dma_start3A_129, %add3A_121, %dma_start3A_130] : memref<2x24576x1024xf32, #tpu.memory_space<hbm>> -> memref<1x16x1024xf32, #tpu.memory_space<hbm>>
      %dma_start3A_132 = tpu.memref_squeeze %dma_start3A_131 : memref<1x16x1024xf32, #tpu.memory_space<hbm>> -> memref<16x1024xf32, #tpu.memory_space<hbm>>
      %dma_start3A_133 = arith.constant 0 : i32
      %dma_start3A_134 = tpu.memref_slice %arg4[%dma_start3A_129, %add3A_121, %dma_start3A_133] : memref<2x24576x1024xf32, #tpu.memory_space<hbm>> -> memref<1x16x1024xf32, #tpu.memory_space<hbm>>
      %dma_start3A_135 = tpu.memref_squeeze %dma_start3A_134 : memref<1x16x1024xf32, #tpu.memory_space<hbm>> -> memref<16x1024xf32, #tpu.memory_space<hbm>>
      tpu.enqueue_dma source(%arg11 : memref<16x1024xf32, #tpu.memory_space<vmem>>) target(%dma_start3A_135 : memref<16x1024xf32, #tpu.memory_space<hbm>>) target_semaphore(%arg15 : memref<!tpu.dma_semaphore, #tpu.memory_space<semaphore_mem>>)
    }
    %scan3A_13 = arith.constant 24 : i32
    %dma_wait3A = arith.constant 0 : i32
    %dma_wait3A_14 = arith.constant 0 : i32
    %dma_wait3A_15 = arith.constant 0 : i32
    %dma_wait3A_16 = tpu.memref_slice %arg4[%dma_wait3A, %dma_wait3A_14, %dma_wait3A_15] : memref<2x24576x1024xf32, #tpu.memory_space<hbm>> -> memref<1x16x1024xf32, #tpu.memory_space<hbm>>
    %dma_wait3A_17 = tpu.memref_squeeze %dma_wait3A_16 : memref<1x16x1024xf32, #tpu.memory_space<hbm>> -> memref<16x1024xf32, #tpu.memory_space<hbm>>
    %dma_wait3A_18 = arith.constant 0 : i32
    %dma_wait3A_19 = arith.constant 0 : i32
    %dma_wait3A_20 = tpu.memref_slice %arg4[%dma_wait3A, %dma_wait3A_18, %dma_wait3A_19] : memref<2x24576x1024xf32, #tpu.memory_space<hbm>> -> memref<1x16x1024xf32, #tpu.memory_space<hbm>>
    %dma_wait3A_21 = tpu.memref_squeeze %dma_wait3A_20 : memref<1x16x1024xf32, #tpu.memory_space<hbm>> -> memref<16x1024xf32, #tpu.memory_space<hbm>>
    tpu.wait_dma2 semaphore(%arg14 : memref<!tpu.dma_semaphore, #tpu.memory_space<semaphore_mem>>) src(%arg8 : memref<16x1024xf32, #tpu.memory_space<vmem>>) dst(%dma_wait3A_21 : memref<16x1024xf32, #tpu.memory_space<hbm>>)
    %dma_wait3A_22 = arith.constant 1 : i32
    %dma_wait3A_23 = arith.constant 0 : i32
    %dma_wait3A_24 = arith.constant 0 : i32
    %dma_wait3A_25 = tpu.memref_slice %arg4[%dma_wait3A_22, %dma_wait3A_23, %dma_wait3A_24] : memref<2x24576x1024xf32, #tpu.memory_space<hbm>> -> memref<1x16x1024xf32, #tpu.memory_space<hbm>>
    %dma_wait3A_26 = tpu.memref_squeeze %dma_wait3A_25 : memref<1x16x1024xf32, #tpu.memory_space<hbm>> -> memref<16x1024xf32, #tpu.memory_space<hbm>>
    %dma_wait3A_27 = arith.constant 0 : i32
    %dma_wait3A_28 = arith.constant 0 : i32
    %dma_wait3A_29 = tpu.memref_slice %arg4[%dma_wait3A_22, %dma_wait3A_27, %dma_wait3A_28] : memref<2x24576x1024xf32, #tpu.memory_space<hbm>> -> memref<1x16x1024xf32, #tpu.memory_space<hbm>>
    %dma_wait3A_30 = tpu.memref_squeeze %dma_wait3A_29 : memref<1x16x1024xf32, #tpu.memory_space<hbm>> -> memref<16x1024xf32, #tpu.memory_space<hbm>>
    tpu.wait_dma2 semaphore(%arg14 : memref<!tpu.dma_semaphore, #tpu.memory_space<semaphore_mem>>) src(%arg9 : memref<16x1024xf32, #tpu.memory_space<vmem>>) dst(%dma_wait3A_30 : memref<16x1024xf32, #tpu.memory_space<hbm>>)
    %dma_wait3A_31 = arith.constant 0 : i32
    %dma_wait3A_32 = arith.constant 0 : i32
    %dma_wait3A_33 = arith.constant 0 : i32
    %dma_wait3A_34 = tpu.memref_slice %arg4[%dma_wait3A_31, %dma_wait3A_32, %dma_wait3A_33] : memref<2x24576x1024xf32, #tpu.memory_space<hbm>> -> memref<1x16x1024xf32, #tpu.memory_space<hbm>>
    %dma_wait3A_35 = tpu.memref_squeeze %dma_wait3A_34 : memref<1x16x1024xf32, #tpu.memory_space<hbm>> -> memref<16x1024xf32, #tpu.memory_space<hbm>>
    %dma_wait3A_36 = arith.constant 0 : i32
    %dma_wait3A_37 = arith.constant 0 : i32
    %dma_wait3A_38 = tpu.memref_slice %arg4[%dma_wait3A_31, %dma_wait3A_36, %dma_wait3A_37] : memref<2x24576x1024xf32, #tpu.memory_space<hbm>> -> memref<1x16x1024xf32, #tpu.memory_space<hbm>>
    %dma_wait3A_39 = tpu.memref_squeeze %dma_wait3A_38 : memref<1x16x1024xf32, #tpu.memory_space<hbm>> -> memref<16x1024xf32, #tpu.memory_space<hbm>>
    tpu.wait_dma2 semaphore(%arg15 : memref<!tpu.dma_semaphore, #tpu.memory_space<semaphore_mem>>) src(%arg10 : memref<16x1024xf32, #tpu.memory_space<vmem>>) dst(%dma_wait3A_39 : memref<16x1024xf32, #tpu.memory_space<hbm>>)
    %dma_wait3A_40 = arith.constant 1 : i32
    %dma_wait3A_41 = arith.constant 0 : i32
    %dma_wait3A_42 = arith.constant 0 : i32
    %dma_wait3A_43 = tpu.memref_slice %arg4[%dma_wait3A_40, %dma_wait3A_41, %dma_wait3A_42] : memref<2x24576x1024xf32, #tpu.memory_space<hbm>> -> memref<1x16x1024xf32, #tpu.memory_space<hbm>>
    %dma_wait3A_44 = tpu.memref_squeeze %dma_wait3A_43 : memref<1x16x1024xf32, #tpu.memory_space<hbm>> -> memref<16x1024xf32, #tpu.memory_space<hbm>>
    %dma_wait3A_45 = arith.constant 0 : i32
    %dma_wait3A_46 = arith.constant 0 : i32
    %dma_wait3A_47 = tpu.memref_slice %arg4[%dma_wait3A_40, %dma_wait3A_45, %dma_wait3A_46] : memref<2x24576x1024xf32, #tpu.memory_space<hbm>> -> memref<1x16x1024xf32, #tpu.memory_space<hbm>>
    %dma_wait3A_48 = tpu.memref_squeeze %dma_wait3A_47 : memref<1x16x1024xf32, #tpu.memory_space<hbm>> -> memref<16x1024xf32, #tpu.memory_space<hbm>>
    tpu.wait_dma2 semaphore(%arg15 : memref<!tpu.dma_semaphore, #tpu.memory_space<semaphore_mem>>) src(%arg11 : memref<16x1024xf32, #tpu.memory_space<vmem>>) dst(%dma_wait3A_48 : memref<16x1024xf32, #tpu.memory_space<hbm>>)
    return
  }
}

module attributes {stable_mosaic.version = 14 : i64} {
  func.func @_attn_body(%arg0: i32, %arg1: memref<1x96x1024xf32, #tpu.memory_space<vmem>>, %arg2: memref<96x1xf32, #tpu.memory_space<vmem>>, %arg3: memref<96x1xf32, #tpu.memory_space<vmem>>, %arg4: memref<1x1x1024xi32, #tpu.memory_space<vmem>>) attributes {dimension_semantics = [#tpu.dimension_semantics<arbitrary>], iteration_bounds = array<i64: 2>, scalar_prefetch = 0 : i64, scratch_operands = 0 : i64, tpu.core_type = #tpu.core_type<tc>, window_params = [{transform_indices = @transform_0, window_bounds = array<i64: 1, 96, 1024>}, {pipeline_mode = #tpu.pipeline_mode<synchronous>, transform_indices = @transform_1, window_bounds = array<i64: 96, 1>}, {pipeline_mode = #tpu.pipeline_mode<synchronous>, transform_indices = @transform_2, window_bounds = array<i64: 96, 1>}, {transform_indices = @transform_3, window_bounds = array<i64: 1, 1, 1024>}]} {
    %get3A = arith.constant 0 : index
    %get3A_0 = arith.constant 0 : index
    %get3A_1 = arith.constant 0 : index
    %get3A_2 = vector.load %arg1[%get3A, %get3A_0, %get3A_1] : memref<1x96x1024xf32, #tpu.memory_space<vmem>>, vector<1x96x1024xf32>
    %get3A_3 = vector.shape_cast %get3A_2 : vector<1x96x1024xf32> to vector<96x1024xf32>
    %reduce_sum3A = arith.constant dense<0.000000e+00> : vector<1024xf32>
    %reduce_sum3A_4 = vector.multi_reduction <add>, %get3A_3, %reduce_sum3A [0] : vector<96x1024xf32> to vector<1024xf32>
    %broadcast_in_dim3A = vector.shape_cast %reduce_sum3A_4 : vector<1024xf32> to vector<1x1024xf32>
    %div3A = arith.constant 9.600000e+01 : f32
    %div3A_5 = vector.broadcast %div3A : f32 to vector<1x1024xf32>
    %div3A_6 = arith.divf %broadcast_in_dim3A, %div3A_5 : vector<1x1024xf32>
    %sub3A = vector.broadcast %div3A_6 : vector<1x1024xf32> to vector<96x1024xf32>
    %sub3A_7 = arith.subf %get3A_3, %sub3A : vector<96x1024xf32>
    %integer_pow3A = arith.mulf %sub3A_7, %sub3A_7 : vector<96x1024xf32>
    %reduce_sum3A_8 = arith.constant dense<0.000000e+00> : vector<1024xf32>
    %reduce_sum3A_9 = vector.multi_reduction <add>, %integer_pow3A, %reduce_sum3A_8 [0] : vector<96x1024xf32> to vector<1024xf32>
    %broadcast_in_dim3A_10 = vector.shape_cast %reduce_sum3A_9 : vector<1024xf32> to vector<1x1024xf32>
    %div3A_11 = arith.constant 9.600000e+01 : f32
    %div3A_12 = vector.broadcast %div3A_11 : f32 to vector<1x1024xf32>
    %div3A_13 = arith.divf %broadcast_in_dim3A_10, %div3A_12 : vector<1x1024xf32>
    %sub3A_14 = vector.broadcast %div3A_6 : vector<1x1024xf32> to vector<96x1024xf32>
    %sub3A_15 = arith.subf %get3A_3, %sub3A_14 : vector<96x1024xf32>
    %add3A = arith.constant 9.99999974E-6 : f32
    %add3A_16 = vector.broadcast %add3A : f32 to vector<1x1024xf32>
    %add3A_17 = arith.addf %div3A_13, %add3A_16 : vector<1x1024xf32>
    %sqrt3A = math.sqrt %add3A_17 : vector<1x1024xf32>
    %div3A_18 = vector.broadcast %sqrt3A : vector<1x1024xf32> to vector<96x1024xf32>
    %div3A_19 = arith.divf %sub3A_15, %div3A_18 : vector<96x1024xf32>
    %get3A_20 = arith.constant 0 : index
    %get3A_21 = arith.constant 0 : index
    %get3A_22 = vector.load %arg2[%get3A_20, %get3A_21] : memref<96x1xf32, #tpu.memory_space<vmem>>, vector<96x1xf32>
    %mul3A = vector.broadcast %get3A_22 : vector<96x1xf32> to vector<96x1024xf32>
    %mul3A_23 = arith.mulf %div3A_19, %mul3A : vector<96x1024xf32>
    %get3A_24 = arith.constant 0 : index
    %get3A_25 = arith.constant 0 : index
    %get3A_26 = vector.load %arg3[%get3A_24, %get3A_25] : memref<96x1xf32, #tpu.memory_space<vmem>>, vector<96x1xf32>
    %add3A_27 = vector.broadcast %get3A_26 : vector<96x1xf32> to vector<96x1024xf32>
    %add3A_28 = arith.addf %mul3A_23, %add3A_27 : vector<96x1024xf32>
    %dot_general3A = arith.constant dense<0.000000e+00> : vector<1024x1024xf32>
    %dot_general3A_29 = tpu.matmul %add3A_28, %add3A_28, %dot_general3A {dimension_numbers = #tpu.dot_dimension_numbers<[0], [0], [1], [1], [0, 1, 1, 1], [], []>, transpose_lhs_hint = false} : vector<96x1024xf32>, vector<96x1024xf32>, vector<1024x1024xf32> -> vector<1024x1024xf32>
    %mul3A_30 = arith.constant 0.102062076 : f32
    %mul3A_31 = vector.broadcast %mul3A_30 : f32 to vector<1024x1024xf32>
    %mul3A_32 = arith.mulf %dot_general3A_29, %mul3A_31 : vector<1024x1024xf32>
    %iota3A = tpu.iota {dimensions = array<i32: 0>} : vector<1024x1024xi32>
    %iota3A_33 = tpu.iota {dimensions = array<i32: 1>} : vector<1024x1024xi32>
    %eq3A = arith.cmpi eq, %iota3A, %iota3A_33 : vector<1024x1024xi32>
    %sub3A_34 = arith.constant 1.000000e+02 : f32
    %sub3A_35 = vector.broadcast %sub3A_34 : f32 to vector<1024x1024xf32>
    %sub3A_36 = arith.subf %mul3A_32, %sub3A_35 : vector<1024x1024xf32>
    %select_n3A = arith.select %eq3A, %sub3A_36, %mul3A_32 : vector<1024x1024xi1>, vector<1024x1024xf32>
    %reduce_max3A = arith.constant dense<0xFF800000> : vector<1024xf32>
    %reduce_max3A_37 = vector.multi_reduction <maximumf>, %select_n3A, %reduce_max3A [1] : vector<1024x1024xf32> to vector<1024xf32>
    %broadcast_in_dim3A_38 = vector.shape_cast %reduce_max3A_37 : vector<1024xf32> to vector<1024x1xf32>
    %eq3A_39 = vector.broadcast %broadcast_in_dim3A_38 : vector<1024x1xf32> to vector<1024x1024xf32>
    %eq3A_40 = arith.cmpf oeq, %select_n3A, %eq3A_39 : vector<1024x1024xf32>
    %jit3A = arith.constant 1024 : i32
    %broadcast_in_dim3A_41 = vector.broadcast %jit3A : i32 to vector<1024x1024xi32>
    %select_n3A_42 = arith.select %eq3A_40, %iota3A_33, %broadcast_in_dim3A_41 : vector<1024x1024xi1>, vector<1024x1024xi32>
    %reduce_min3A = arith.constant dense<2147483647> : vector<1024xi32>
    %reduce_min3A_43 = vector.multi_reduction <minsi>, %select_n3A_42, %reduce_min3A [1] : vector<1024x1024xi32> to vector<1024xi32>
    %swap3A = arith.constant 0 : index
    %swap3A_44 = arith.constant 0 : index
    %swap3A_45 = arith.constant 0 : index
    %swap3A_46 = vector.load %arg4[%swap3A, %swap3A_44, %swap3A_45] : memref<1x1x1024xi32, #tpu.memory_space<vmem>>, vector<1x1x1024xi32>
    %swap3A_47 = vector.shape_cast %swap3A_46 : vector<1x1x1024xi32> to vector<1024xi32>
    %swap3A_48 = vector.shape_cast %reduce_min3A_43 : vector<1024xi32> to vector<1x1x1024xi32>
    tpu.vector_store %arg4[%swap3A, %swap3A_44, %swap3A_45], %swap3A_48 {strides = array<i32>} : memref<1x1x1024xi32, #tpu.memory_space<vmem>>, vector<1x1x1024xi32>,
    return
  }
  func.func @transform_0(%arg0: i32) -> (i32, i32, i32) {
    %c0_i32 = arith.constant 0 : i32
    %c0_i32_0 = arith.constant 0 : i32
    %c0_i32_1 = arith.constant 0 : i32
    return %arg0, %c0_i32, %c0_i32_0 : i32, i32, i32
  }
  func.func @transform_1(%arg0: i32) -> (i32, i32) {
    %c0_i32 = arith.constant 0 : i32
    %c0_i32_0 = arith.constant 0 : i32
    %c0_i32_1 = arith.constant 0 : i32
    return %c0_i32, %c0_i32_0 : i32, i32
  }
  func.func @transform_2(%arg0: i32) -> (i32, i32) {
    %c0_i32 = arith.constant 0 : i32
    %c0_i32_0 = arith.constant 0 : i32
    %c0_i32_1 = arith.constant 0 : i32
    return %c0_i32, %c0_i32_0 : i32, i32
  }
  func.func @transform_3(%arg0: i32) -> (i32, i32, i32) {
    %c0_i32 = arith.constant 0 : i32
    %c0_i32_0 = arith.constant 0 : i32
    %c0_i32_1 = arith.constant 0 : i32
    return %arg0, %c0_i32, %c0_i32_0 : i32, i32, i32
  }
}

module attributes {stable_mosaic.version = 14 : i64} {
  func.func @_pool_body(%arg0: i32, %arg1: i32, %arg2: memref<1x4096x1024xf32, #tpu.memory_space<vmem>>, %arg3: memref<1x16x1024xf32, #tpu.memory_space<vmem>>) attributes {dimension_semantics = [#tpu.dimension_semantics<arbitrary>, #tpu.dimension_semantics<arbitrary>], iteration_bounds = array<i64: 2, 6>, scalar_prefetch = 0 : i64, scratch_operands = 0 : i64, tpu.core_type = #tpu.core_type<tc>, window_params = [{transform_indices = @transform_0, window_bounds = array<i64: 1, 4096, 1024>}, {transform_indices = @transform_1, window_bounds = array<i64: 1, 16, 1024>}]} {
    %get3A = arith.constant 0 : index
    %get3A_0 = arith.constant 0 : index
    %get3A_1 = arith.constant 0 : index
    %get3A_2 = vector.load %arg2[%get3A, %get3A_0, %get3A_1] : memref<1x4096x1024xf32, #tpu.memory_space<vmem>>, vector<1x4096x1024xf32>
    %get3A_3 = vector.shape_cast %get3A_2 : vector<1x4096x1024xf32> to vector<4096x1024xf32>
    %reshape3A = vector.shape_cast %get3A_3 : vector<4096x1024xf32> to vector<16x256x1024xf32>
    %reduce_sum3A = arith.constant dense<0.000000e+00> : vector<16x1024xf32>
    %reduce_sum3A_4 = vector.multi_reduction <add>, %reshape3A, %reduce_sum3A [1] : vector<16x256x1024xf32> to vector<16x1024xf32>
    %div3A = arith.constant 2.560000e+02 : f32
    %div3A_5 = vector.broadcast %div3A : f32 to vector<16x1024xf32>
    %div3A_6 = arith.divf %reduce_sum3A_4, %div3A_5 : vector<16x1024xf32>
    %swap3A = arith.constant 0 : index
    %swap3A_7 = arith.constant 0 : index
    %swap3A_8 = arith.constant 0 : index
    %swap3A_9 = vector.load %arg3[%swap3A, %swap3A_7, %swap3A_8] : memref<1x16x1024xf32, #tpu.memory_space<vmem>>, vector<1x16x1024xf32>
    %swap3A_10 = vector.shape_cast %swap3A_9 : vector<1x16x1024xf32> to vector<16x1024xf32>
    %swap3A_11 = vector.shape_cast %div3A_6 : vector<16x1024xf32> to vector<1x16x1024xf32>
    tpu.vector_store %arg3[%swap3A, %swap3A_7, %swap3A_8], %swap3A_11 {strides = array<i32>} : memref<1x16x1024xf32, #tpu.memory_space<vmem>>, vector<1x16x1024xf32>,
    return
  }
  func.func @transform_0(%arg0: i32, %arg1: i32) -> (i32, i32, i32) {
    %c0_i32 = arith.constant 0 : i32
    %c0_i32_0 = arith.constant 0 : i32
    return %arg0, %arg1, %c0_i32 : i32, i32, i32
  }
  func.func @transform_1(%arg0: i32, %arg1: i32) -> (i32, i32, i32) {
    %c0_i32 = arith.constant 0 : i32
    %c0_i32_0 = arith.constant 0 : i32
    return %arg0, %arg1, %c0_i32 : i32, i32, i32
  }
}

</mosaic_0001>

<sc_bundles>
// kernel: kernel.5.cloned.1.call-start
scs
__scs_entry_jumppad:
0x0: {  	(pc) =	sbr.rel $0x88, $3  }
0x1: {  	(tag) =	ssettag $0x0;
	lr =	simm.s32 $0x1  }
0x2: {  	[smem:$0x3F9E] =	sst lr;
	_ =	strace $0xD0000000  }
0x3: {  	_ = 	snop  }
0x4: {  	_ = 	snop  }
0x5: {  	_ = 	snop  }
0x6: {  	_ = 	snop  }
0x7: {  	_ = 	snop  }
__scs_overlays_trampoline_lowered:
0x8: {  	[smem:$0x3FAD] =	sst s0  }
0x9: {  	[smem:$0x3FAE] =	sst s1  }
0xa: {  	[smem:$0x3FAF] =	sst s2  }
0xb: {  	[smem:$0x3FB0] =	sst s3  }
0xc: {  	[smem:$0x3FB1] =	sst s4  }
0xd: {  	[smem:$0x3FB2] =	sst s5  }
0xe: {  	[smem:$0x3FB3] =	sst s6  }
0xf: {  	[smem:$0x3FB4] =	sst s7  }
0x10: {  	[smem:$0x3FB5] =	sst s8  }
0x11: {  	[smem:$0x3FB6] =	sst s9;
	s0 =	simm.s32 @!p0 $0x0  }
0x12: {  	s1 =	sld [smem:$0x3F9C];
	s0 =	simm.s32 @p0 $0x1  }
0x13: {  	[smem:$0x3FB7] =	sst s0;
	s0 =	simm.s32 @!p1 $0x0  }
0x14: {  	s2 =	sld [smem:$0x3F9B];
	s0 =	simm.s32 @p1 $0x1  }
0x15: {  	[smem:$0x3FB8] =	sst s0;
	s0 =	simm.s32 @!p2 $0x0  }
0x16: {  	s3 =	sld [smem:$0x3FDB];
	s0 =	simm.s32 @p2 $0x1  }
0x17: {  	s4 =	simm.s32 $0x1BF5;
	[smem:$0x3FBA] =	sst s0  }
0x18: {  	s0 =	sld [smem:$0x3F9D];
	_ =	swait.ge [sflag:s4], $0x0  }
0x19: {  	s7 =	sld [smem:$0x3F9E]  }
0x1a: {  	s8 =	sadd.s32 $0xFFFFE003, lr  }
0x1b: {  	s9 =	sadd.s32 $0xFFFFFEF7, lr;
	s5 =	simm.s32 $0xFFFFFFFF;
	p2 =	slt.u32 s8, $0xFFFFF086  }
0x1c: {  	p1 =	slt.u32 s9, $0xF7A;
	s5 =	simm.s32 @!p2 $0x0  }
0x1d: {  	s5 =	simm.s32 @p1 $0x1;
	p0 =	seq.s32 s7, s2  }
0x1e: {  	s7 =	smul.u32 @!p0 $0xF7A, s2;
	p2 =	seq.s32 @!p0 s5, $0x0  }
0x1f: {  	s9 =	smul.u32 $0xF7A, s1;
	s8 =	simm.s32 @!p0 $0x1BF5;
	p2 =	por !p2, p0  }
0x20: {  	[sflag:s8] =	ssyncset.s32 @!p0 $0xFFFFF086;
	s6 =	sadd.s32 @!p0 s3, s7;
	s7 =	simm.s32 @!p0 $0x108  }
0x21: {  	s3 =	sadd.s32 s3, s9;
	s6 =	sadd.s32 @!p0 $0x88, s6;
	s7 =	simm.s32 @p2 $0x1082  }
0x22: {  	[simem:s7], [sflag:s8] =	dma.local @!p0 [hbm:s6], $0xF7A  }
0x23: {  	s9 =	sor.u32 $0xD0000000, s2;
	s6 =	simm.s32 $0x108;
	_ =	swait.ge @!p0 [sflag:s8], $0x0  }
0x24: {  	s3 =	sadd.s32 $0x88, s3;
	s6 =	simm.s32 @!p1 $0x1082;
	[sflag:s4] =	ssyncset.s32 $0xFFFFF086  }
0x25: {  	[simem:s6], [sflag:s4] =	dma.local [hbm:s3], $0xF7A  }
0x26: {  	[smem:$0x3F9E] =	sst s1;
	(tag) =	ssettag s2;
	_ =	strace s9  }
0x27: {  	s1 =	sld [smem:$0x3FAE]  }
0x28: {  	s2 =	sld [smem:$0x3FAF]  }
0x29: {  	s4 =	sld [smem:$0x3FB1]  }
0x2a: {  	p0 =	seq.s32 s5, $0x0;
	s5 =	sld [smem:$0x3FB2]  }
0x2b: {  	s6 =	sld [smem:$0x3FB3]  }
0x2c: {  	s7 =	sld [smem:$0x3FB4]  }
0x2d: {  	s3 =	simm.s32 $0x108;
	s8 =	sld [smem:$0x3FB5]  }
0x2e: {  	s3 =	simm.s32 @!p0 $0x1082;
	s9 =	sld [smem:$0x3FB6]  }
0x2f: {  	lr =	sadd.s32 s0, s3;
	s0 =	sld [smem:$0x3FAD]  }
0x30: {  	s3 =	sld [smem:$0x3FB0]  }
0x31: {  	[smem:$0x3FB9] =	sst s10  }
0x32: {  	s10 =	sld [smem:$0x3FB7];
	_ =	sdelay $0x3  }
0x33: {  	p0 =	seq.s32 s10, $0x1;
	s10 =	sld [smem:$0x3FB9];
	_ =	sdelay $0x3  }
0x34: {  	[smem:$0x3FB9] =	sst s10  }
0x35: {  	s10 =	sld [smem:$0x3FB8];
	_ =	sdelay $0x3  }
0x36: {  	p1 =	seq.s32 s10, $0x1;
	s10 =	sld [smem:$0x3FB9];
	_ =	sdelay $0x3  }
0x37: {  	[smem:$0x3FB9] =	sst s10  }
0x38: {  	s10 =	sld [smem:$0x3FBA]  }
0x39: {  	_ = 	snop;
	(pc) =	sbr.ind lr, $3  }
0x3a: {  	_ = 	snop  }
0x3b: {  	_ = 	snop  }
0x3c: {  	p2 =	seq.s32 s10, $0x1;
	s10 =	sld [smem:$0x3FB9]  }
0x3d: {  	_ =	shalt  }
0x3e: {  	_ =	shalt  }
0x3f: {  	_ =	shalt  }
0x40: {  	_ =	shalt  }
0x41: {  	_ =	shalt  }
0x42: {  	_ =	shalt  }
0x43: {  	_ =	shalt  }
0x44: {  	_ =	shalt  }
0x45: {  	_ =	shalt  }
0x46: {  	_ =	shalt  }
0x47: {  	_ =	shalt  }
0x48: {  	_ =	shalt  }
0x49: {  	_ =	shalt  }
0x4a: {  	_ =	shalt  }
0x4b: {  	_ =	shalt  }
0x4c: {  	_ =	shalt  }
0x4d: {  	_ =	shalt  }
0x4e: {  	_ =	shalt  }
0x4f: {  	_ =	shalt  }
0x50: {  	_ =	shalt  }
0x51: {  	_ =	shalt  }
0x52: {  	_ =	shalt  }
0x53: {  	_ =	shalt  }
0x54: {  	_ =	shalt  }
0x55: {  	_ =	shalt  }
0x56: {  	_ =	shalt  }
0x57: {  	_ =	shalt  }
0x58: {  	_ =	shalt  }
0x59: {  	_ =	shalt  }
0x5a: {  	_ =	shalt  }
0x5b: {  	_ =	shalt  }
0x5c: {  	_ =	shalt  }
0x5d: {  	_ =	shalt  }
0x5e: {  	_ =	shalt  }
0x5f: {  	_ =	shalt  }
0x60: {  	_ =	shalt  }
0x61: {  	_ =	shalt  }
0x62: {  	_ =	shalt  }
0x63: {  	_ =	shalt  }
0x64: {  	_ =	shalt  }
0x65: {  	_ =	shalt  }
0x66: {  	_ =	shalt  }
0x67: {  	_ =	shalt  }
0x68: {  	_ =	shalt  }
0x69: {  	_ =	shalt  }
0x6a: {  	_ =	shalt  }
0x6b: {  	_ =	shalt  }
0x6c: {  	_ =	shalt  }
0x6d: {  	_ =	shalt  }
0x6e: {  	_ =	shalt  }
0x6f: {  	_ =	shalt  }
0x70: {  	_ =	shalt  }
0x71: {  	_ =	shalt  }
0x72: {  	_ =	shalt  }
0x73: {  	_ =	shalt  }
0x74: {  	_ =	shalt  }
0x75: {  	_ =	shalt  }
0x76: {  	_ =	shalt  }
0x77: {  	_ =	shalt  }
0x78: {  	_ =	shalt  }
0x79: {  	_ =	shalt  }
0x7a: {  	_ =	shalt  }
0x7b: {  	_ =	shalt  }
0x7c: {  	_ =	shalt  }
0x7d: {  	_ =	shalt  }
0x7e: {  	_ =	shalt  }
0x7f: {  	_ =	shalt  }
0x80: {  	_ =	shalt  }
0x81: {  	_ =	shalt  }
0x82: {  	_ =	shalt  }
0x83: {  	_ =	shalt  }
0x84: {  	_ =	shalt  }
0x85: {  	_ =	shalt  }
0x86: {  	_ =	shalt  }
0x87: {  	_ =	shalt  }
.Lfunc_end0:
.L_simem_size_0:
called_computation_lowered:
.L_overlay_start_0:
0x88: {  	s2 =	sld [smem:$0x3FD9]  }
0x89: {  	s3 =	sld [smem:$0x3FFE];
	_ =	sdelay $0x1  }
0x8a: {  	s1 =	srdreg.scid  }
0x8b: {  	s0 =	sand.u32 $0x1, s1  }
0x8c: {  	s17 =	sshll.u32 s0, $0xA;
	s2 =	sadd.s32 s3, s2  }
0x8d: {  	s2 =	sadd.s32 s2, s17  }
0x8e: {  	[smem:$0x3FC5] =	sst s2  }
0x8f: {  	_ = 	snop  }
0x90: {  	s2 =	sld [smem:$0x3FC9]  }
0x91: {  	s18 =	sld [smem:$0x3FD0];
	(tm) =	ssettm $0x1  }
0x92: {  	s4 =	sld [smem:$0x3FFB];
	_ =	sdelay $0x3  }
0x93: {  	_ =	strace s4  }
0x94: {  	s4 =	sld [smem:$0x3FFC];
	_ =	sdelay $0x3  }
0x95: {  	_ =	strace s4  }
0x96: {  	s4 =	sld [smem:$0x3FFD];
	_ =	sdelay $0x3  }
0x97: {  	_ =	strace s4  }
0x98: {  	_ =	strace $0x8FFFFFFF  }
0x99: {  	s19 =	sld [smem:$0x3FDB];
	_ =	sdelay $0x1  }
0x9a: {  	s5 =	simm.s32 $_scs_section_size  }
0x9b: {  	s6 =	simm.s32 $_size__tile_overlayer_lowered;
	s7 =	simm.s32 $_tile_overlayer_lowered  }
0x9c: {  	s22 =	simm.s32 $0x1BFF;
	s21 =	sshll.u32 s7, $0x1;
	s4 =	sadd.s32 s5, s19  }
0x9d: {  	s8 =	simm.s32 $0x0;
	s20 =	sshll.u32 s6, $0x1;
	s6 =	sadd.s32 s21, s4  }
0x9e: {  	[timem:s8], [sflag:s22] =	dma.local [hbm:s6], s20  }
0x9f: {  	_ =	swait.ge [sflag:s22], s20  }
0xa0: {  	s5 =	ssub.s32 $0x0, s20;
	[sflag:s22] =	ssyncset.done $0x0  }
0xa1: {  	[sflag:s22] =	ssyncadd.s32 s5;
	_ =	sdelay $0x1  }
0xa2: {  	s23 =	simm.s32 $0x1B8B  }
0xa3: {  	_ =	swait.ge [sflag:s23], $0x1  }
0xa4: {  	[sflag:s23] =	ssyncset.done $0x0  }
0xa5: {  	s25 =	simm.s32 $0x1B8E;
	s24 =	sld [smem:$0x3FFE];
	[sflag:s23] =	ssyncadd.s32 $0xFFFFFFFF  }
0xa6: {  	s26 =	simm.s32 $execute0_lowered;
	[smem:$0x3FD2] =	sst s25  }
0xa7: {  	s6 =	sshll.u32 s26, $0x1;
	_ =	strace $0x80000046;
	[dreg:$0x1] =	wrdreg $0xFFFFFFFF  }
0xa8: {  	s28 =	simm.s32 $_size_execute0_lowered;
	s4 =	sadd.s32 s4, s6;
	[dreg:$0x0] =	wrdreg $0x0  }
0xa9: {  	s6 =	sshll.u32 s28, $0x1;
	[dreg:$0x2] =	wrdreg s4  }
0xaa: {  	[dreg:$0x3] =	wrdreg s6  }
0xab: {  	[dreg:$0x4] =	wrdreg $0xC0  }
0xac: {  	_ =	task [dreg:s8], $0x5FFFF  }
0xad: {  	[dreg:$0x1] =	wrdreg $0xFFFFFFFF  }
0xae: {  	[dreg:$0x0] =	wrdreg $0x60  }
0xaf: {  	[dreg:$0x2] =	wrdreg s2  }
0xb0: {  	[dreg:$0x3] =	wrdreg s24  }
0xb1: {  	[dreg:$0x4] =	wrdreg s18  }
0xb2: {  	[dreg:$0x5] =	wrdreg $0x9  }
0xb3: {  	_ =	task.clear_ibuf [dreg:s8], $0x6FFFF;
	_ =	strace $0x90000046  }
0xb4: {  	s29 =	simm.s32 $0x9;
	_ =	strace $0x80000048  }
0xb5: {  	_ =	swait.ge [sflag:s29], $0x1  }
0xb6: {  	[sflag:s29] =	ssyncadd.s32 $0xFFFFFFFF  }
0xb7: {  	_ =	strace $0x90000048  }
0xb8: {  	_ =	sfence  }
0xb9: {  	s30 =	sld [smem:$0x0];
	_ =	sdelay $0x2  }
0xba: {  	s31 =	sshll.u32 s1, $0xD;
	s1 =	sshrl.u32 s1, $0x2  }
0xbb: {  	s3 =	sand.u32 $0x4000, s31;
	s1 =	sadd.s32 s1, s30  }
0xbc: {  	s0 =	sor.u32 s3, s0;
	s1 =	sshll.u32 s1, $0x11  }
0xbd: {  	s0 =	sor.u32 s1, s0  }
0xbe: {  	s0 =	sadd.s32 $0x8F2B, s0  }
0xbf: {  	[sflag:s0] =	ssyncadd.remote.s32 $0x1  }
0xc0: {  	_ =	sfence.sel $0xFFFF  }
0xc1: {  	[dreg:$0x0] =	wrdreg $0xFFFFFFFF;
	(pc) =	sbr.abs _section_cstart, $3  }
0xc2: {  	[dreg:$0x1] =	wrdreg $0xFFFFFFFF  }
0xc3: {  	_ =	task.clear_ibuf [dreg:s8], $0x2FFFF;
	_ =	strace $0x9FFFFFFF  }
0xc4: {  	(tm) =	ssettm $0x7FFFFFFF  }
0xc5: {  	_ =	shalt  }
tec
execute0_lowered:
.L_overlay_start_1:
0x0: {  	(tag) =	ssettag $0x1  }
0x1: {  	s4 =	rddreg [dreg:$0x0]  }
0x2: {  	s0 =	srdreg.scid;
	s1 =	rddreg [dreg:$0x1]  }
0x3: {  	s2 =	stileid.u32;
	s5 =	rddreg [dreg:$0x2]  }
0x4: {  	s6 =	simm.s32 $0x0;
	s0 =	sand.u32 $0x1, s0;
	s2 =	sshll.u32 s2, $0x1  }
0x5: {  	[smem:$0x7FF] =	sst s6;
	s2 =	sor.u32 s0, s2  }
0x6: {  	s1 =	sadd.s32 $0x600, s1;
	s30 =	sadd.s32 $0x300000, s5;
	s3 =	smul.u32 $0x18000, s2  }
0x7: {  	_ =	strace $0x80000047;
	[smem:$0x7F7] =	sst s1;
	s2 =	smul.u32 $0xC0000, s2  }
0x8: {  	s0 =	ssub.s32 $0x2, s0;
	[smem:$0x7FB] =	sst s30  }
0x9: {  	s26 =	sshrl.u32 s0, $0x1;
	s28 =	sadd.s32 s4, s3;
	[smem:$0x7F9] =	sst s2  }
0xa: {  	s0 =	ssub.s32 s0, s26;
	s29 =	sor.u32 $0x8000, s2;
	[smem:$0x7F8] =	sst s28  }
0xb: {  	s0 =	smax.u32 s0, $0x1;
	[smem:$0x7FA] =	sst s29  }
0xc: {  	s13 =	simm.s32 $0x800;
	s31 =	sor.u32 $0x800, s3;
	[smem:$0x7FC] =	sst s0  }
0xd: {  	s14 =	simm.s32 $0x4800;
	s2 =	simm.s32 $0x0;
	[smem:$0x7FD] =	sst s31  }
.LBB2_1:
0xe: {  	s0 =	sld [smem:$0x7F7];
	_ =	sdelay $0x1  }
0xf: {  	[smem:$0x7F6] =	sst s2;
	s30 =	simm.s32 $0x5  }
0x10: {  	[tilespmem:s6], [sflag:$0x5] =	stream.linear.gather [hbm4b:s0+s6], $0x800, $0x38;
	[tilespmem:$0x18800] =	vst v63  }
0x11: {  	_ =	swait.ge [sflag:s30], $0x800  }
0x12: {  	s31 =	sld [smem:$0x7F8]  }
0x13: {  	[sflag:s30] =	ssyncset.done $0x0  }
0x14: {  	s0 =	simm.s32 $0x0;
	[sflag:s30] =	ssyncadd.s32 $0xFFFFF800  }
0x15: {  	[tilespmem:s13], [sflag:$0x1] =	stream.linear.gather [hbm4b:s31+s6], $0x4000, $0x38;
	[tilespmem:$0x18800] =	vst v63  }
.LBB2_2:
0x16: {  	s1 =	sld [smem:$0x7FD];
	_ =	sdelay $0x1  }
0x17: {  	[smem:$0x7F4] =	sst s0;
	s4 =	sshll.u32 s0, $0xC  }
0x18: {  	s5 =	rddreg [dreg:$0x0];
	s1 =	sadd.s32 s1, s4  }
0x19: {  	s2 =	smov.u32 s0;
	[smem:$0x7EB] =	sst s1;
	s0 =	sadd.s32 s5, s1  }
0x1a: {  	[tilespmem:s14], [sflag:$0x2] =	stream.linear.gather [hbm4b:s0+s6], $0x4000, $0x38;
	[tilespmem:$0x18800] =	vst v63  }
0x1b: {  	s6 =	simm.s32 $0x1  }
0x1c: {  	_ =	swait.ge [sflag:s6], $0x4000  }
0x1d: {  	p0 =	seq.s32 s2, $0x0;
	[sflag:s6] =	ssyncset.done $0x0  }
0x1e: {  	s0 =	simm.s32 @!p0 $0x3;
	[sflag:s6] =	ssyncadd.s32 $0xFFFFC000  }
0x1f: {  	_ =	swait.ge @!p0 [sflag:s0], $0x4000  }
0x20: {  	[sflag:s0] =	ssyncset.done @!p0 $0x0  }
0x21: {  	[sflag:s0] =	ssyncadd.s32 @!p0 $0xFFFFC000  }
0x22: {  	_ =	swait.ge @!p0 [sflag:s0], $0x4000  }
0x23: {  	[sflag:s0] =	ssyncset.done @!p0 $0x0  }
0x24: {  	s17 =	simm.s32 $0x0;
	[sflag:s0] =	ssyncadd.s32 @!p0 $0xFFFFC000  }
0x25: {  	v0 =	vld [tilespmem:s17+$0x10];
	_ =	sdelay $0x1  }
0x26: {  	v1 =	vld [tilespmem:s17+$0x0];
	_ =	sdelay $0x2  }
0x27: {  	v2 =	vshll.u32 v0, $0x3  }
0x28: {  	v0 =	vand.u32 $0x7F, v0;
	v2 =	vand.u32 $0xFFFFFC00, v2  }
0x29: {  	v4 =	vor.u32 v0, v2;
	v0 =	vshll.u32 v1, $0x3  }
0x2a: {  	v1 =	vand.u32 $0x7F, v1;
	v0 =	vand.u32 $0xFFFFFC00, v0  }
0x2b: {  	v3 =	vor.u32 v1, v0;
	_ =	sdelay $0x2  }
0x2c: {  	v0 =	vld.idx.msk [tilespmem:v4+s13+$0x0], $0xffff  }
0x2d: {  	v1 =	vor.u32 $0x80, v4  }
0x2e: {  	s4 =	simm.s32 $0x10;
	v2 =	vld.idx.msk [tilespmem:v3+s13+$0x0], $0xffff  }
0x2f: {  	s7 =	sand.u32 $0x1C00, s17;
	s8 =	sand.u32 $0x70, s4;
	v5 =	vor.u32 $0x80, v3  }
0x30: {  	s19 =	simm.s32 $0x0;
	s5 =	sor.u32 s7, s8  }
0x31: {  	s9 =	sand.u32 $0x60, s19;
	[tilespmem:s5+$0x8800] =	vst v0  }
0x32: {  	s26 =	sor.u32 s9, s7;
	v0 =	vld.idx.msk [tilespmem:v1+s13+$0x0], $0xffff  }
0x33: {  	v1 =	vor.u32 $0x100, v4;
	[tilespmem:s26+$0x8800] =	vst v2  }
0x34: {  	v2 =	vld.idx.msk [tilespmem:v5+s13+$0x0], $0xffff  }
0x35: {  	s10 =	simm.s32 $0x20;
	v5 =	vor.u32 $0x100, v3  }
0x36: {  	v6 =	vld [tilespmem:s10+$0x10]  }
0x37: {  	[tilespmem:s5+$0x8880] =	vst v0  }
0x38: {  	v0 =	vld.idx.msk [tilespmem:v1+s13+$0x0], $0xffff  }
0x39: {  	v1 =	vor.u32 $0x180, v4;
	[tilespmem:s26+$0x8880] =	vst v2  }
0x3a: {  	v2 =	vld.idx.msk [tilespmem:v5+s13+$0x0], $0xffff  }
0x3b: {  	v7 =	vor.u32 $0x180, v3;
	v5 =	vshll.u32 v6, $0x3  }
0x3c: {  	v6 =	vand.u32 $0x7F, v6;
	v5 =	vand.u32 $0xFFFFFC00, v5  }
0x3d: {  	v5 =	vor.u32 v6, v5;
	[tilespmem:s5+$0x8900] =	vst v0  }
0x3e: {  	v0 =	vld.idx.msk [tilespmem:v1+s13+$0x0], $0xffff  }
0x3f: {  	v1 =	vor.u32 $0x200, v4;
	[tilespmem:s26+$0x8900] =	vst v2  }
0x40: {  	v2 =	vld.idx.msk [tilespmem:v7+s13+$0x0], $0xffff  }
0x41: {  	v6 =	vor.u32 $0x200, v3  }
0x42: {  	v7 =	vld.idx.msk [tilespmem:v5+s13+$0x0], $0xffff  }
0x43: {  	[tilespmem:s5+$0x8980] =	vst v0;
	v0 =	vor.u32 $0x80, v5  }
0x44: {  	s11 =	simm.s32 $0x30;
	s0 =	simm.s32 $0x100;
	v1 =	vld.idx.msk [tilespmem:v1+s13+$0x0], $0xffff  }
0x45: {  	s16 =	sand.u32 $0x70, s11;
	s15 =	sand.u32 $0x1C00, s0;
	v8 =	vor.u32 $0x280, v4;
	[tilespmem:s26+$0x8980] =	vst v2  }
0x46: {  	s9 =	sor.u32 s15, s16;
	v2 =	vld.idx.msk [tilespmem:v6+s13+$0x0], $0xffff  }
0x47: {  	[tilespmem:s9+$0x8800] =	vst v7;
	v6 =	vor.u32 $0x280, v3  }
0x48: {  	v0 =	vld.idx.msk [tilespmem:v0+s13+$0x0], $0xffff  }
0x49: {  	[tilespmem:s5+$0x8A00] =	vst v1;
	v1 =	vor.u32 $0x100, v5  }
0x4a: {  	v7 =	vld.idx.msk [tilespmem:v8+s13+$0x0], $0xffff  }
0x4b: {  	v8 =	vor.u32 $0x300, v4;
	[tilespmem:s26+$0x8A00] =	vst v2  }
0x4c: {  	v2 =	vld.idx.msk [tilespmem:v6+s13+$0x0], $0xffff  }
0x4d: {  	[tilespmem:s9+$0x8880] =	vst v0;
	v0 =	vor.u32 $0x300, v3  }
0x4e: {  	s3 =	simm.s32 $0x20;
	v1 =	vld.idx.msk [tilespmem:v1+s13+$0x0], $0xffff  }
0x4f: {  	v6 =	vld [tilespmem:s3+$0x0];
	[tilespmem:s5+$0x8A80] =	vst v7;
	v7 =	vor.u32 $0x180, v5  }
0x50: {  	v8 =	vld.idx.msk [tilespmem:v8+s13+$0x0], $0xffff  }
0x51: {  	s18 =	sand.u32 $0x7, s17;
	v9 =	vor.u32 $0x380, v4;
	[tilespmem:s26+$0x8A80] =	vst v2  }
0x52: {  	s1 =	sshll.u32 s18, $0x4;
	v0 =	vld.idx.msk [tilespmem:v0+s13+$0x0], $0xffff  }
0x53: {  	s20 =	sand.u32 $0x3, s17;
	s1 =	sadd.s32 $0x10, s1;
	v2 =	vor.u32 $0x380, v3;
	[tilespmem:s9+$0x8900] =	vst v1  }
0x54: {  	s12 =	sor.u32 $0x300, s1;
	s3 =	sshll.u32 s20, $0x5;
	v1 =	vshll.u32 v6, $0x3;
	v7 =	vld.idx.msk [tilespmem:v7+s13+$0x0], $0xffff  }
0x55: {  	s3 =	sadd.s32 $0x0, s3;
	v6 =	vand.u32 $0x7F, v6;
	v1 =	vand.u32 $0xFFFFFC00, v1;
	[tilespmem:s12+$0x8800] =	vst v8;
	v8 =	vor.u32 $0x200, v5  }
0x56: {  	s25 =	sor.u32 $0x300, s3;
	v1 =	vor.u32 v6, v1;
	v9 =	vld.idx.msk [tilespmem:v9+s13+$0x0], $0xffff  }
0x57: {  	v6 =	vadd.s32 $0x2000, v4;
	[tilespmem:s25+$0x8800] =	vst v0  }
0x58: {  	v0 =	vld.idx.msk [tilespmem:v2+s13+$0x0], $0xffff  }
0x59: {  	s24 =	sor.u32 s17, s4;
	v2 =	vadd.s32 $0x2000, v3;
	[tilespmem:s9+$0x8980] =	vst v7  }
0x5a: {  	s22 =	sor.u32 s19, s17;
	s18 =	sor.u32 $0x380, s24;
	v7 =	vld.idx.msk [tilespmem:v8+s13+$0x0], $0xffff  }
0x5b: {  	s21 =	sor.u32 $0x380, s22;
	v8 =	vld.idx.msk [tilespmem:v1+s13+$0x0], $0xffff;
	[tilespmem:s18+$0x8800] =	vst v9  }
0x5c: {  	v9 =	vor.u32 $0x280, v5;
	v6 =	vld.idx.msk [tilespmem:v6+s13+$0x0], $0xffff;
	[smem:$0x7EC] =	sst s21  }
0x5d: {  	v10 =	vor.u32 $0x80, v1;
	[tilespmem:s21+$0x8800] =	vst v0  }
0x5e: {  	s16 =	simm.s32 $0x20;
	v11 =	vadd.s32 $0x2080, v4;
	v0 =	vld.idx.msk [tilespmem:v2+s13+$0x0], $0xffff  }
0x5f: {  	s23 =	sand.u32 $0x60, s16;
	v2 =	vadd.s32 $0x2080, v3  }
0x60: {  	s29 =	sor.u32 s23, s15;
	[tilespmem:s9+$0x8A00] =	vst v7  }
0x61: {  	[tilespmem:s29+$0x8800] =	vst v8;
	v7 =	vld.idx.msk [tilespmem:v9+s13+$0x0], $0xffff  }
0x62: {  	[tilespmem:s5+$0xA800] =	vst v6;
	v6 =	vld.idx.msk [tilespmem:v10+s13+$0x0], $0xffff  }
0x63: {  	v8 =	vor.u32 $0x300, v5;
	v9 =	vld.idx.msk [tilespmem:v11+s13+$0x0], $0xffff;
	[tilespmem:s26+$0xA800] =	vst v0  }
0x64: {  	v10 =	vor.u32 $0x100, v1;
	v2 =	vld.idx.msk [tilespmem:v2+s13+$0x0], $0xffff  }
0x65: {  	s8 =	simm.s32 $0x2;
	s6 =	simm.s32 $0x40;
	v11 =	vadd.s32 $0x2100, v4  }
0x66: {  	s7 =	simm.s32 $0x40;
	s4 =	sand.u32 $0x7, s8;
	v0 =	vld [tilespmem:s6+$0x10];
	[tilespmem:s9+$0x8A80] =	vst v7;
	v7 =	vadd.s32 $0x2100, v3  }
0x67: {  	s4 =	sshll.u32 s4, $0x4;
	v13 =	vld [tilespmem:s7+$0x0];
	[tilespmem:s29+$0x8880] =	vst v6  }
0x68: {  	s30 =	sadd.s32 $0x110, s4;
	v6 =	vld.idx.msk [tilespmem:v8+s13+$0x0], $0xffff;
	[tilespmem:s5+$0xA880] =	vst v9  }
0x69: {  	s4 =	sor.u32 $0x300, s30;
	v8 =	vld.idx.msk [tilespmem:v10+s13+$0x0], $0xffff;
	v9 =	vor.u32 $0x380, v5;
	[tilespmem:s26+$0xA880] =	vst v2  }
0x6a: {  	v10 =	vor.u32 $0x180, v1;
	v11 =	vld.idx.msk [tilespmem:v11+s13+$0x0], $0xffff;
	[smem:$0x7ED] =	sst s4  }
0x6b: {  	v12 =	vadd.s32 $0x2180, v4;
	v14 =	vshll.u32 v0, $0x3;
	v7 =	vld.idx.msk [tilespmem:v7+s13+$0x0], $0xffff  }
0x6c: {  	v0 =	vand.u32 $0x7F, v0;
	v2 =	vand.u32 $0xFFFFFC00, v14  }
0x6d: {  	v2 =	vor.u32 v0, v2;
	[tilespmem:s4+$0x8800] =	vst v6  }
0x6e: {  	v6 =	vadd.s32 $0x2180, v3;
	[tilespmem:s29+$0x8900] =	vst v8;
	v8 =	vld.idx.msk [tilespmem:v9+s13+$0x0], $0xffff  }
0x6f: {  	s20 =	sor.u32 s0, s11;
	[tilespmem:s5+$0xA900] =	vst v11;
	v9 =	vld.idx.msk [tilespmem:v10+s13+$0x0], $0xffff;
	v10 =	vadd.s32 $0x2000, v5  }
0x70: {  	s2 =	sor.u32 $0x380, s20;
	v0 =	vshll.u32 v13, $0x3;
	v11 =	vor.u32 $0x200, v1;
	v12 =	vld.idx.msk [tilespmem:v12+s13+$0x0], $0xffff;
	[tilespmem:s26+$0xA900] =	vst v7  }
0x71: {  	v14 =	vadd.s32 $0x2200, v4;
	v13 =	vand.u32 $0x7F, v13;
	v0 =	vand.u32 $0xFFFFFC00, v0;
	[smem:$0x7EE] =	sst s2  }
0x72: {  	v0 =	vor.u32 v13, v0;
	v7 =	vld.idx.msk [tilespmem:v2+s13+$0x0], $0xffff  }
0x73: {  	v6 =	vld.idx.msk [tilespmem:v6+s13+$0x0], $0xffff;
	[tilespmem:s2+$0x8800] =	vst v8;
	v8 =	vor.u32 $0x80, v2  }
0x74: {  	s21 =	simm.s32 $0x200;
	v13 =	vadd.s32 $0x2200, v3;
	[tilespmem:s29+$0x8980] =	vst v9;
	s2 =	simm.s32 $0x50;
	v9 =	vld.idx.msk [tilespmem:v10+s13+$0x0], $0xffff  }
0x75: {  	s10 =	sand.u32 $0x1C00, s21;
	[tilespmem:s5+$0xA980] =	vst v12;
	v10 =	vld.idx.msk [tilespmem:v11+s13+$0x0], $0xffff;
	v11 =	vadd.s32 $0x2080, v5;
	s11 =	sand.u32 $0x70, s2  }
0x76: {  	v12 =	vor.u32 $0x280, v1;
	v14 =	vld.idx.msk [tilespmem:v14+s13+$0x0], $0xffff;
	s28 =	sor.u32 s10, s11  }
0x77: {  	v15 =	vadd.s32 $0x2280, v4;
	v16 =	vld.idx.msk [tilespmem:v0+s13+$0x0], $0xffff;
	[tilespmem:s28+$0x8800] =	vst v7  }
0x78: {  	[tilespmem:s26+$0xA980] =	vst v6;
	v6 =	vor.u32 $0x80, v0;
	v7 =	vld.idx.msk [tilespmem:v8+s13+$0x0], $0xffff  }
0x79: {  	s15 =	simm.s32 $0x40;
	v8 =	vld.idx.msk [tilespmem:v13+s13+$0x0], $0xffff;
	[tilespmem:s9+$0xA800] =	vst v9;
	v9 =	vor.u32 $0x100, v2  }
0x7a: {  	s6 =	sand.u32 $0x60, s15;
	v13 =	vadd.s32 $0x2280, v3;
	[tilespmem:s29+$0x8A00] =	vst v10;
	v10 =	vld.idx.msk [tilespmem:v11+s13+$0x0], $0xffff  }
0x7b: {  	s11 =	sor.u32 s6, s10;
	[tilespmem:s5+$0xAA00] =	vst v14;
	v11 =	vld.idx.msk [tilespmem:v12+s13+$0x0], $0xffff;
	v12 =	vadd.s32 $0x2100, v5  }
0x7c: {  	[tilespmem:s11+$0x8800] =	vst v16;
	v14 =	vor.u32 $0x300, v1;
	v15 =	vld.idx.msk [tilespmem:v15+s13+$0x0], $0xffff  }
0x7d: {  	v16 =	vadd.s32 $0x2300, v4;
	v6 =	vld.idx.msk [tilespmem:v6+s13+$0x0], $0xffff;
	[tilespmem:s28+$0x8880] =	vst v7  }
0x7e: {  	[tilespmem:s26+$0xAA00] =	vst v8;
	v7 =	vor.u32 $0x100, v0;
	v8 =	vld.idx.msk [tilespmem:v9+s13+$0x0], $0xffff  }
0x7f: {  	v9 =	vld.idx.msk [tilespmem:v13+s13+$0x0], $0xffff;
	[tilespmem:s9+$0xA880] =	vst v10  }
0x80: {  	v10 =	vor.u32 $0x180, v2;
	[tilespmem:s29+$0x8A80] =	vst v11;
	v11 =	vld.idx.msk [tilespmem:v12+s13+$0x0], $0xffff  }
0x81: {  	s23 =	simm.s32 $0x1;
	v13 =	vadd.s32 $0x2300, v3;
	[tilespmem:s5+$0xAA80] =	vst v15;
	v12 =	vld.idx.msk [tilespmem:v14+s13+$0x0], $0xffff  }
0x82: {  	s4 =	sand.u32 $0x3, s23;
	v14 =	vadd.s32 $0x2180, v5;
	v16 =	vld.idx.msk [tilespmem:v16+s13+$0x0], $0xffff;
	[tilespmem:s11+$0x8880] =	vst v6  }
0x83: {  	s4 =	sshll.u32 s4, $0x5;
	v15 =	vor.u32 $0x380, v1;
	v6 =	vld.idx.msk [tilespmem:v7+s13+$0x0], $0xffff;
	[tilespmem:s28+$0x8900] =	vst v8  }
0x84: {  	s23 =	sadd.s32 $0x100, s4;
	v4 =	vadd.s32 $0x2380, v4;
	[tilespmem:s26+$0xAA80] =	vst v9  }
0x85: {  	s8 =	sor.u32 $0x300, s23;
	v7 =	vor.u32 $0x180, v0;
	v8 =	vld.idx.msk [tilespmem:v10+s13+$0x0], $0xffff;
	[tilespmem:s9+$0xA900] =	vst v11  }
0x86: {  	s7 =	sor.u32 $0x2300, s1;
	v9 =	vld.idx.msk [tilespmem:v13+s13+$0x0], $0xffff;
	v10 =	vor.u32 $0x200, v2;
	[tilespmem:s8+$0x8800] =	vst v12  }
0x87: {  	v3 =	vadd.s32 $0x2380, v3;
	v11 =	vld.idx.msk [tilespmem:v14+s13+$0x0], $0xffff;
	[tilespmem:s7+$0x8800] =	vst v16  }
0x88: {  	s6 =	sor.u32 $0x2300, s3;
	v13 =	vadd.s32 $0x2200, v5;
	v12 =	vld.idx.msk [tilespmem:v15+s13+$0x0], $0xffff;
	[tilespmem:s11+$0x8900] =	vst v6  }
0x89: {  	v14 =	vadd.s32 $0x2000, v1;
	v4 =	vld.idx.msk [tilespmem:v4+s13+$0x0], $0xffff;
	[smem:$0x7EF] =	sst s6  }
0x8a: {  	v6 =	vld.idx.msk [tilespmem:v7+s13+$0x0], $0xffff;
	[tilespmem:s28+$0x8980] =	vst v8  }
0x8b: {  	s0 =	sor.u32 s16, s0;
	[tilespmem:s6+$0x8800] =	vst v9;
	v7 =	vor.u32 $0x200, v0;
	v8 =	vld.idx.msk [tilespmem:v10+s13+$0x0], $0xffff  }
0x8c: {  	s15 =	sor.u32 $0x380, s0;
	v9 =	vld.idx.msk [tilespmem:v3+s13+$0x0], $0xffff;
	[tilespmem:s9+$0xA980] =	vst v11;
	v3 =	vor.u32 $0x280, v2  }
0x8d: {  	[tilespmem:s15+$0x8800] =	vst v12;
	v10 =	vld.idx.msk [tilespmem:v13+s13+$0x0], $0xffff  }
0x8e: {  	s10 =	simm.s32 $0x60;
	v11 =	vld.idx.msk [tilespmem:v14+s13+$0x0], $0xffff  }
0x8f: {  	v12 =	vadd.s32 $0x2280, v5;
	[tilespmem:s11+$0x8980] =	vst v6;
	v6 =	vld [tilespmem:s10+$0x10]  }
0x90: {  	v13 =	vadd.s32 $0x2080, v1;
	v7 =	vld.idx.msk [tilespmem:v7+s13+$0x0], $0xffff;
	[tilespmem:s28+$0x8A00] =	vst v8  }
0x91: {  	s6 =	sor.u32 $0x2380, s24;
	v8 =	vor.u32 $0x280, v0;
	v3 =	vld.idx.msk [tilespmem:v3+s13+$0x0], $0xffff  }
0x92: {  	v14 =	vld [tilespmem:s10+$0x0];
	[tilespmem:s6+$0x8800] =	vst v4  }
0x93: {  	v15 =	vld [tilespmem:s17+$0x410];
	[tilespmem:s9+$0xAA00] =	vst v10;
	v10 =	vor.u32 $0x300, v2  }
0x94: {  	[tilespmem:s29+$0xA800] =	vst v11;
	v11 =	vld.idx.msk [tilespmem:v12+s13+$0x0], $0xffff  }
0x95: {  	v4 =	vld.idx.msk [tilespmem:v13+s13+$0x0], $0xffff;
	v12 =	vadd.s32 $0x2300, v5;
	v13 =	vshll.u32 v6, $0x3;
	[tilespmem:s11+$0x8A00] =	vst v7  }
0x96: {  	v16 =	vadd.s32 $0x2100, v1;
	s17 =	sor.u32 $0x2380, s22;
	v6 =	vand.u32 $0x7F, v6;
	v7 =	vand.u32 $0xFFFFFC00, v13;
	v8 =	vld.idx.msk [tilespmem:v8+s13+$0x0], $0xffff;
	[tilespmem:s28+$0x8A80] =	vst v3  }
0x97: {  	s22 =	simm.s32 $0x4;
	v3 =	vor.u32 v6, v7;
	[dreg:$0x4] =	wrdreg s17  }
0x98: {  	s19 =	sand.u32 $0x3E0, s19;
	s24 =	sand.u32 $0x7, s22;
	[tilespmem:s17+$0x8800] =	vst v9;
	v9 =	vld.idx.msk [tilespmem:v10+s13+$0x0], $0xffff  }
0x99: {  	s1 =	sshll.u32 s24, $0x4;
	v6 =	vor.u32 $0x300, v0;
	v10 =	vshll.u32 v14, $0x3;
	[tilespmem:s9+$0xAA80] =	vst v11;
	v7 =	vld [tilespmem:s19+$0x400]  }
0x9a: {  	v13 =	vand.u32 $0x7F, v14;
	v11 =	vor.u32 $0x380, v2;
	[tilespmem:s29+$0xA880] =	vst v4;
	s17 =	sadd.s32 $0x210, s1;
	v10 =	vand.u32 $0xFFFFFC00, v10;
	v12 =	vld.idx.msk [tilespmem:v12+s13+$0x0], $0xffff  }
0x9b: {  	s4 =	sor.u32 $0x300, s17;
	v4 =	vor.u32 v13, v10;
	v10 =	vld.idx.msk [tilespmem:v16+s13+$0x0], $0xffff;
	[tilespmem:s11+$0x8A80] =	vst v8  }
0x9c: {  	v5 =	vadd.s32 $0x2380, v5;
	v8 =	vld.idx.msk [tilespmem:v3+s13+$0x0], $0xffff;
	[smem:$0x7F0] =	sst s4  }
0x9d: {  	s10 =	sor.u32 $0x2300, s30;
	[tilespmem:s4+$0x8800] =	vst v9  }
0x9e: {  	s3 =	simm.s32 $0x2;
	v13 =	vadd.s32 $0x2180, v1;
	v6 =	vld.idx.msk [tilespmem:v6+s13+$0x0], $0xffff;
	[smem:$0x7F1] =	sst s10  }
0x9f: {  	s1 =	sand.u32 $0x3, s3;
	s3 =	simm.s32 $0x300;
	v9 =	vor.u32 $0x80, v3;
	s4 =	simm.s32 $0x70;
	v11 =	vld.idx.msk [tilespmem:v11+s13+$0x0], $0xffff  }
0xa0: {  	v14 =	vor.u32 $0x380, v0;
	s1 =	sshll.u32 s1, $0x5;
	s31 =	sand.u32 $0x1C00, s3;
	[tilespmem:s10+$0x8800] =	vst v12;
	s10 =	sand.u32 $0x70, s4  }
0xa1: {  	s1 =	sadd.s32 $0x200, s1;
	v12 =	vadd.s32 $0x2000, v2;
	[tilespmem:s29+$0xA900] =	vst v10;
	v5 =	vld.idx.msk [tilespmem:v5+s13+$0x0], $0xffff;
	s30 =	sor.u32 s31, s10  }
0xa2: {  	s2 =	sor.u32 s21, s2;
	s19 =	sor.u32 $0x300, s1;
	v16 =	vld.idx.msk [tilespmem:v4+s13+$0x0], $0xffff;
	[tilespmem:s30+$0x8800] =	vst v8  }
0xa3: {  	s24 =	sor.u32 $0x380, s2;
	v10 =	vor.u32 $0x80, v4;
	v13 =	vld.idx.msk [tilespmem:v13+s13+$0x0], $0xffff;
	[tilespmem:s19+$0x8800] =	vst v6  }
0xa4: {  	s20 =	sor.u32 $0x2380, s20;
	s22 =	simm.s32 $0x60;
	v9 =	vld.idx.msk [tilespmem:v9+s13+$0x0], $0xffff;
	[tilespmem:s24+$0x8800] =	vst v11  }
0xa5: {  	s10 =	sand.u32 $0x60, s22;
	v8 =	vadd.s32 $0x2200, v1;
	v14 =	vld.idx.msk [tilespmem:v14+s13+$0x0], $0xffff;
	[smem:$0x7F3] =	sst s20  }
0xa6: {  	s31 =	sor.u32 s10, s31;
	v11 =	vor.u32 $0x100, v3;
	v12 =	vld.idx.msk [tilespmem:v12+s13+$0x0], $0xffff;
	[tilespmem:s20+$0x8800] =	vst v5;
	s20 =	simm.s32 $0x20  }
0xa7: {  	v17 =	vadd.s32 $0x2000, v0;
	[tilespmem:s31+$0x8800] =	vst v16;
	v6 =	vld [tilespmem:s20+$0x410];
	s20 =	simm.s32 $0x40  }
0xa8: {  	v18 =	vadd.s32 $0x2080, v2;
	v16 =	vshll.u32 v15, $0x3;
	[tilespmem:s29+$0xA980] =	vst v13;
	v10 =	vld.idx.msk [tilespmem:v10+s13+$0x0], $0xffff;
	s10 =	sor.u32 s20, s21  }
0xa9: {  	v5 =	vand.u32 $0x7F, v15;
	v13 =	vor.u32 $0x100, v4;
	v15 =	vand.u32 $0xFFFFFC00, v16;
	[tilespmem:s30+$0x8880] =	vst v9;
	s21 =	sor.u32 $0x380, s10  }
0xaa: {  	v8 =	vld.idx.msk [tilespmem:v8+s13+$0x0], $0xffff;
	v5 =	vor.u32 v5, v15;
	[smem:$0x7F2] =	sst s21  }
0xab: {  	v9 =	vadd.s32 $0x2280, v1;
	[tilespmem:s21+$0x8800] =	vst v14;
	v11 =	vld.idx.msk [tilespmem:v11+s13+$0x0], $0xffff  }
0xac: {  	[tilespmem:s28+$0xA800] =	vst v12;
	v12 =	vor.u32 $0x180, v3;
	v14 =	vld.idx.msk [tilespmem:v17+s13+$0x0], $0xffff  }
0xad: {  	v15 =	vadd.s32 $0x2080, v0;
	v16 =	vld.idx.msk [tilespmem:v18+s13+$0x0], $0xffff;
	[tilespmem:s31+$0x8880] =	vst v10  }
0xae: {  	v10 =	vadd.s32 $0x2100, v2;
	v13 =	vld.idx.msk [tilespmem:v13+s13+$0x0], $0xffff  }
0xaf: {  	[tilespmem:s29+$0xAA00] =	vst v8;
	v8 =	vor.u32 $0x180, v4;
	v17 =	vld.idx.msk [tilespmem:v5+s13+$0x0], $0xffff  }
0xb0: {  	v18 =	vor.u32 $0x80, v5;
	v9 =	vld.idx.msk [tilespmem:v9+s13+$0x0], $0xffff;
	[tilespmem:s30+$0x8900] =	vst v11  }
0xb1: {  	v11 =	vadd.s32 $0x2300, v1;
	[tilespmem:s11+$0xA800] =	vst v14;
	v12 =	vld.idx.msk [tilespmem:v12+s13+$0x0], $0xffff  }
0xb2: {  	[tilespmem:s28+$0xA880] =	vst v16;
	v14 =	vld.idx.msk [tilespmem:v15+s13+$0x0], $0xffff;
	v15 =	vor.u32 $0x200, v3  }
0xb3: {  	v16 =	vadd.s32 $0x2100, v0;
	v10 =	vld.idx.msk [tilespmem:v10+s13+$0x0], $0xffff;
	[tilespmem:s31+$0x8900] =	vst v13  }
0xb4: {  	[tilespmem:s5+$0xC800] =	vst v17;
	v13 =	vadd.s32 $0x2180, v2;
	v8 =	vld.idx.msk [tilespmem:v8+s13+$0x0], $0xffff  }
0xb5: {  	[tilespmem:s29+$0xAA80] =	vst v9;
	v9 =	vor.u32 $0x200, v4;
	v17 =	vld.idx.msk [tilespmem:v18+s13+$0x0], $0xffff  }
0xb6: {  	v18 =	vor.u32 $0x100, v5;
	v11 =	vld.idx.msk [tilespmem:v11+s13+$0x0], $0xffff;
	[tilespmem:s30+$0x8980] =	vst v12  }
0xb7: {  	[tilespmem:s11+$0xA880] =	vst v14;
	v12 =	vld.idx.msk [tilespmem:v15+s13+$0x0], $0xffff  }
0xb8: {  	v1 =	vadd.s32 $0x2380, v1;
	[tilespmem:s28+$0xA900] =	vst v10;
	v14 =	vld.idx.msk [tilespmem:v16+s13+$0x0], $0xffff  }
0xb9: {  	v10 =	vor.u32 $0x280, v3;
	v13 =	vld.idx.msk [tilespmem:v13+s13+$0x0], $0xffff;
	[tilespmem:s31+$0x8980] =	vst v8  }
0xba: {  	s21 =	sor.u32 $0x2300, s23;
	v15 =	vadd.s32 $0x2180, v0;
	[tilespmem:s5+$0xC880] =	vst v17;
	v9 =	vld.idx.msk [tilespmem:v9+s13+$0x0], $0xffff  }
0xbb: {  	v8 =	vadd.s32 $0x2200, v2;
	v16 =	vld.idx.msk [tilespmem:v18+s13+$0x0], $0xffff;
	[dreg:$0xa] =	wrdreg s21  }
0xbc: {  	[tilespmem:s21+$0x8800] =	vst v11;
	v11 =	vor.u32 $0x280, v4  }
0xbd: {  	v17 =	vor.u32 $0x180, v5;
	v1 =	vld.idx.msk [tilespmem:v1+s13+$0x0], $0xffff;
	[tilespmem:s30+$0x8A00] =	vst v12  }
0xbe: {  	[tilespmem:s11+$0xA900] =	vst v14;
	v10 =	vld.idx.msk [tilespmem:v10+s13+$0x0], $0xffff  }
0xbf: {  	[tilespmem:s28+$0xA980] =	vst v13;
	v13 =	vor.u32 $0x300, v3;
	v12 =	vld.idx.msk [tilespmem:v15+s13+$0x0], $0xffff  }
0xc0: {  	v14 =	vadd.s32 $0x2200, v0;
	v8 =	vld.idx.msk [tilespmem:v8+s13+$0x0], $0xffff;
	[tilespmem:s31+$0x8A00] =	vst v9  }
0xc1: {  	s21 =	sor.u32 $0x2380, s0;
	[tilespmem:s5+$0xC900] =	vst v16;
	v9 =	vadd.s32 $0x2280, v2;
	v11 =	vld.idx.msk [tilespmem:v11+s13+$0x0], $0xffff  }
0xc2: {  	s23 =	sand.u32 $0x3E0, s16;
	v15 =	vshll.u32 v7, $0x3;
	v16 =	vld.idx.msk [tilespmem:v17+s13+$0x0], $0xffff;
	v17 =	vor.u32 $0x300, v4;
	[tilespmem:s21+$0x8800] =	vst v1  }
0xc3: {  	v1 =	vand.u32 $0x7F, v7;
	v7 =	vand.u32 $0xFFFFFC00, v15;
	v15 =	vor.u32 $0x200, v5;
	v18 =	vld [tilespmem:s23+$0x400];
	[tilespmem:s30+$0x8A80] =	vst v10  }
0xc4: {  	s16 =	simm.s32 $0x6;
	v1 =	vor.u32 v1, v7;
	[tilespmem:s11+$0xA980] =	vst v12;
	v7 =	vld.idx.msk [tilespmem:v13+s13+$0x0], $0xffff  }
0xc5: {  	s0 =	sand.u32 $0x7, s16;
	[tilespmem:s28+$0xAA00] =	vst v8;
	v10 =	vld.idx.msk [tilespmem:v14+s13+$0x0], $0xffff  }
0xc6: {  	s0 =	sshll.u32 s0, $0x4;
	v8 =	vor.u32 $0x380, v3;
	v9 =	vld.idx.msk [tilespmem:v9+s13+$0x0], $0xffff;
	[tilespmem:s31+$0x8A80] =	vst v11  }
0xc7: {  	s0 =	sadd.s32 $0x310, s0;
	v12 =	vadd.s32 $0x2280, v0;
	[tilespmem:s5+$0xC980] =	vst v16;
	v13 =	vld.idx.msk [tilespmem:v17+s13+$0x0], $0xffff  }
0xc8: {  	s20 =	simm.s32 $0x3;
	s23 =	sor.u32 $0x300, s0;
	v11 =	vadd.s32 $0x2300, v2;
	v14 =	vld.idx.msk [tilespmem:v15+s13+$0x0], $0xffff  }
0xc9: {  	s16 =	sand.u32 $0x3, s20;
	v16 =	vld.idx.msk [tilespmem:v1+s13+$0x0], $0xffff;
	[dreg:$0xc] =	wrdreg s23  }
0xca: {  	s16 =	sshll.u32 s16, $0x5;
	v15 =	vor.u32 $0x380, v4;
	[tilespmem:s23+$0x8800] =	vst v7  }
0xcb: {  	s16 =	sadd.s32 $0x300, s16;
	v17 =	vor.u32 $0x280, v5;
	[tilespmem:s11+$0xAA00] =	vst v10;
	v8 =	vld.idx.msk [tilespmem:v8+s13+$0x0], $0xffff  }
0xcc: {  	v7 =	vor.u32 $0x80, v1;
	s23 =	sor.u32 $0x300, s16;
	[tilespmem:s28+$0xAA80] =	vst v9;
	v10 =	vld.idx.msk [tilespmem:v12+s13+$0x0], $0xffff  }
0xcd: {  	v11 =	vld.idx.msk [tilespmem:v11+s13+$0x0], $0xffff;
	[dreg:$0xe] =	wrdreg s23  }
0xce: {  	v9 =	vadd.s32 $0x2000, v3;
	[tilespmem:s23+$0x8800] =	vst v13  }
0xcf: {  	s4 =	sor.u32 s3, s4;
	v12 =	vadd.s32 $0x2300, v0;
	[tilespmem:s5+$0xCA00] =	vst v14;
	v13 =	vld.idx.msk [tilespmem:v15+s13+$0x0], $0xffff  }
0xd0: {  	v2 =	vadd.s32 $0x2380, v2;
	[tilespmem:s26+$0xC800] =	vst v16;
	s23 =	sor.u32 $0x380, s4;
	v14 =	vld.idx.msk [tilespmem:v17+s13+$0x0], $0xffff  }
0xd1: {  	v7 =	vld.idx.msk [tilespmem:v7+s13+$0x0], $0xffff;
	[dreg:$0x10] =	wrdreg s23  }
0xd2: {  	[tilespmem:s23+$0x8800] =	vst v8  }
0xd3: {  	s20 =	sor.u32 s22, s3;
	s3 =	sor.u32 $0x2300, s17;
	v15 =	vadd.s32 $0x2000, v4;
	[tilespmem:s11+$0xAA80] =	vst v10;
	v9 =	vld.idx.msk [tilespmem:v9+s13+$0x0], $0xffff  }
0xd4: {  	v16 =	vor.u32 $0x300, v5;
	s23 =	sor.u32 $0x380, s20;
	[tilespmem:s3+$0x8800] =	vst v11;
	v10 =	vld.idx.msk [tilespmem:v12+s13+$0x0], $0xffff  }
0xd5: {  	v8 =	vor.u32 $0x100, v1;
	v2 =	vld.idx.msk [tilespmem:v2+s13+$0x0], $0xffff;
	[dreg:$0x12] =	wrdreg s23  }
0xd6: {  	v11 =	vadd.s32 $0x2080, v3;
	[tilespmem:s23+$0x8800] =	vst v13  }
0xd7: {  	v0 =	vadd.s32 $0x2380, v0;
	[tilespmem:s5+$0xCA80] =	vst v14  }
0xd8: {  	v12 =	vld.idx.msk [tilespmem:v15+s13+$0x0], $0xffff;
	[tilespmem:s26+$0xC880] =	vst v7  }
0xd9: {  	s1 =	sor.u32 $0x2300, s1;
	v7 =	vld.idx.msk [tilespmem:v16+s13+$0x0], $0xffff;
	[tilespmem:s30+$0xA800] =	vst v9  }
0xda: {  	v13 =	vadd.s32 $0x2080, v4;
	v8 =	vld.idx.msk [tilespmem:v8+s13+$0x0], $0xffff;
	[dreg:$0x6] =	wrdreg s1  }
0xdb: {  	v14 =	vor.u32 $0x380, v5;
	s23 =	sor.u32 $0x2380, s2;
	[tilespmem:s1+$0x8800] =	vst v10;
	v10 =	vld.idx.msk [tilespmem:v11+s13+$0x0], $0xffff  }
0xdc: {  	v9 =	vor.u32 $0x180, v1;
	v15 =	vld.idx.msk [tilespmem:v0+s13+$0x0], $0xffff;
	[dreg:$0x8] =	wrdreg s23  }
0xdd: {  	v11 =	vshll.u32 v6, $0x3;
	[tilespmem:s23+$0x8800] =	vst v2;
	v2 =	vadd.s32 $0x2100, v3  }
0xde: {  	v6 =	vand.u32 $0x7F, v6;
	v11 =	vand.u32 $0xFFFFFC00, v11;
	[tilespmem:s31+$0xA800] =	vst v12  }
0xdf: {  	[tilespmem:s12+$0xC800] =	vst v7;
	v6 =	vor.u32 v6, v11;
	v11 =	vld.idx.msk [tilespmem:v13+s13+$0x0], $0xffff  }
0xe0: {  	[tilespmem:s26+$0xC900] =	vst v8;
	v12 =	vadd.s32 $0x2100, v4;
	v8 =	vld.idx.msk [tilespmem:v14+s13+$0x0], $0xffff  }
0xe1: {  	s17 =	sor.u32 $0x2380, s10;
	v9 =	vld.idx.msk [tilespmem:v9+s13+$0x0], $0xffff;
	v13 =	vadd.s32 $0x2000, v5;
	[tilespmem:s30+$0xA880] =	vst v10  }
0xe2: {  	v14 =	vshll.u32 v18, $0x3;
	v10 =	vor.u32 $0x200, v1;
	[tilespmem:s17+$0x8800] =	vst v15;
	v15 =	vld.idx.msk [tilespmem:v2+s13+$0x0], $0xffff  }
0xe3: {  	v16 =	vadd.s32 $0x2180, v3;
	v14 =	vand.u32 $0xFFFFFC00, v14;
	v2 =	vand.u32 $0x7F, v18  }
0xe4: {  	v2 =	vor.u32 v2, v14;
	v14 =	vld.idx.msk [tilespmem:v6+s13+$0x0], $0xffff;
	[tilespmem:s31+$0xA880] =	vst v11  }
0xe5: {  	[tilespmem:s18+$0xC800] =	vst v8;
	v8 =	vor.u32 $0x80, v6;
	v11 =	vld.idx.msk [tilespmem:v12+s13+$0x0], $0xffff  }
0xe6: {  	[tilespmem:s26+$0xC980] =	vst v9;
	v9 =	vld.idx.msk [tilespmem:v13+s13+$0x0], $0xffff;
	v12 =	vadd.s32 $0x2180, v4  }
0xe7: {  	v13 =	vadd.s32 $0x2080, v5;
	v10 =	vld.idx.msk [tilespmem:v10+s13+$0x0], $0xffff;
	[tilespmem:s30+$0xA900] =	vst v15  }
0xe8: {  	v15 =	vor.u32 $0x280, v1;
	v16 =	vld.idx.msk [tilespmem:v16+s13+$0x0], $0xffff  }
0xe9: {  	v17 =	vld.idx.msk [tilespmem:v2+s13+$0x0], $0xffff;
	[tilespmem:s9+$0xC800] =	vst v14;
	v14 =	vadd.s32 $0x2200, v3  }
0xea: {  	v18 =	vor.u32 $0x80, v2;
	v8 =	vld.idx.msk [tilespmem:v8+s13+$0x0], $0xffff;
	[tilespmem:s31+$0xA900] =	vst v11  }
0xeb: {  	[tilespmem:s5+$0xE800] =	vst v9;
	v9 =	vor.u32 $0x100, v6;
	v11 =	vld.idx.msk [tilespmem:v12+s13+$0x0], $0xffff  }
0xec: {  	[tilespmem:s26+$0xCA00] =	vst v10;
	v10 =	vld.idx.msk [tilespmem:v13+s13+$0x0], $0xffff;
	v12 =	vadd.s32 $0x2200, v4  }
0xed: {  	v13 =	vld.idx.msk [tilespmem:v15+s13+$0x0], $0xffff;
	v15 =	vadd.s32 $0x2100, v5;
	[tilespmem:s30+$0xA980] =	vst v16  }
0xee: {  	v16 =	vor.u32 $0x300, v1;
	[tilespmem:s29+$0xC800] =	vst v17;
	v14 =	vld.idx.msk [tilespmem:v14+s13+$0x0], $0xffff  }
0xef: {  	v17 =	vld.idx.msk [tilespmem:v18+s13+$0x0], $0xffff;
	[tilespmem:s9+$0xC880] =	vst v8;
	v8 =	vadd.s32 $0x2280, v3  }
0xf0: {  	v18 =	vor.u32 $0x100, v2;
	v9 =	vld.idx.msk [tilespmem:v9+s13+$0x0], $0xffff;
	[tilespmem:s31+$0xA980] =	vst v11  }
0xf1: {  	[tilespmem:s5+$0xE880] =	vst v10;
	v10 =	vor.u32 $0x180, v6;
	v11 =	vld.idx.msk [tilespmem:v12+s13+$0x0], $0xffff  }
0xf2: {  	[tilespmem:s26+$0xCA80] =	vst v13;
	v12 =	vld.idx.msk [tilespmem:v15+s13+$0x0], $0xffff;
	v13 =	vadd.s32 $0x2280, v4  }
0xf3: {  	v15 =	vld.idx.msk [tilespmem:v16+s13+$0x0], $0xffff;
	v16 =	vadd.s32 $0x2180, v5;
	[tilespmem:s30+$0xAA00] =	vst v14  }
0xf4: {  	[tilespmem:s29+$0xC880] =	vst v17;
	v8 =	vld.idx.msk [tilespmem:v8+s13+$0x0], $0xffff  }
0xf5: {  	v17 =	vld.idx.msk [tilespmem:v18+s13+$0x0], $0xffff;
	[tilespmem:s9+$0xC900] =	vst v9  }
0xf6: {  	v10 =	vld.idx.msk [tilespmem:v10+s13+$0x0], $0xffff;
	[tilespmem:s31+$0xAA00] =	vst v11  }
0xf7: {  	v14 =	vor.u32 $0x380, v1;
	[tilespmem:s5+$0xE900] =	vst v12;
	v12 =	vld.idx.msk [tilespmem:v13+s13+$0x0], $0xffff  }
0xf8: {  	v9 =	vadd.s32 $0x2300, v3;
	[tilespmem:s25+$0xC800] =	vst v15;
	v13 =	vld.idx.msk [tilespmem:v16+s13+$0x0], $0xffff  }
0xf9: {  	s2 =	simm.s32 $0x40;
	s12 =	simm.s32 $0x40;
	v18 =	vor.u32 $0x180, v2;
	[tilespmem:s30+$0xAA80] =	vst v8  }
0xfa: {  	v0 =	vld [tilespmem:s2+$0x410];
	s1 =	sand.u32 $0x3E0, s12;
	v11 =	vor.u32 $0x200, v6;
	[tilespmem:s29+$0xC900] =	vst v17  }
0xfb: {  	v7 =	vld [tilespmem:s1+$0x400];
	v15 =	vadd.s32 $0x2300, v4;
	[tilespmem:s9+$0xC980] =	vst v10  }
0xfc: {  	v16 =	vadd.s32 $0x2200, v5;
	v14 =	vld.idx.msk [tilespmem:v14+s13+$0x0], $0xffff;
	[tilespmem:s31+$0xAA80] =	vst v12  }
0xfd: {  	v8 =	vadd.s32 $0x2000, v1;
	v9 =	vld.idx.msk [tilespmem:v9+s13+$0x0], $0xffff;
	[tilespmem:s5+$0xE980] =	vst v13  }
0xfe: {  	v17 =	vld.idx.msk [tilespmem:v18+s13+$0x0], $0xffff;
	s23 =	sld [smem:$0x7EC]  }
0xff: {  	v3 =	vadd.s32 $0x2380, v3;
	v11 =	vld.idx.msk [tilespmem:v11+s13+$0x0], $0xffff  }
0x100: {  	v10 =	vor.u32 $0x200, v2;
	v13 =	vld.idx.msk [tilespmem:v15+s13+$0x0], $0xffff  }
0x101: {  	s0 =	sor.u32 $0x2300, s0;
	v12 =	vor.u32 $0x280, v6;
	[tilespmem:s23+$0xC800] =	vst v14;
	v14 =	vld.idx.msk [tilespmem:v16+s13+$0x0], $0xffff  }
0x102: {  	v4 =	vadd.s32 $0x2380, v4;
	v8 =	vld.idx.msk [tilespmem:v8+s13+$0x0], $0xffff;
	[dreg:$0x14] =	wrdreg s0  }
0x103: {  	v15 =	vadd.s32 $0x2280, v5;
	[tilespmem:s0+$0x8800] =	vst v9  }
0x104: {  	v9 =	vadd.s32 $0x2080, v1;
	[tilespmem:s29+$0xC980] =	vst v17;
	v3 =	vld.idx.msk [tilespmem:v3+s13+$0x0], $0xffff  }
0x105: {  	s18 =	sor.u32 $0x2300, s16;
	[tilespmem:s9+$0xCA00] =	vst v11;
	v10 =	vld.idx.msk [tilespmem:v10+s13+$0x0], $0xffff  }
0x106: {  	v16 =	vor.u32 $0x280, v2;
	[tilespmem:s18+$0x8800] =	vst v13;
	v12 =	vld.idx.msk [tilespmem:v12+s13+$0x0], $0xffff  }
0x107: {  	v4 =	vld.idx.msk [tilespmem:v4+s13+$0x0], $0xffff;
	[tilespmem:s5+$0xEA00] =	vst v14  }
0x108: {  	s25 =	sor.u32 $0x2380, s4;
	[tilespmem:s26+$0xE800] =	vst v8;
	v8 =	vld.idx.msk [tilespmem:v15+s13+$0x0], $0xffff  }
0x109: {  	v9 =	vld.idx.msk [tilespmem:v9+s13+$0x0], $0xffff;
	[dreg:$0x16] =	wrdreg s25  }
0x10a: {  	v13 =	vor.u32 $0x300, v6;
	[tilespmem:s29+$0xCA00] =	vst v10  }
0x10b: {  	[tilespmem:s25+$0x8800] =	vst v3;
	v3 =	vadd.s32 $0x2100, v1;
	v10 =	vld.idx.msk [tilespmem:v16+s13+$0x0], $0xffff  }
0x10c: {  	s10 =	sor.u32 $0x2380, s20;
	[tilespmem:s9+$0xCA80] =	vst v12  }
0x10d: {  	s1 =	simm.s32 $0x60;
	v14 =	vadd.s32 $0x2300, v5;
	[tilespmem:s10+$0x8800] =	vst v4  }
0x10e: {  	v15 =	vshll.u32 v0, $0x3;
	v11 =	vld [tilespmem:s1+$0x410];
	[tilespmem:s5+$0xEA80] =	vst v8  }
0x10f: {  	v0 =	vand.u32 $0x7F, v0;
	v12 =	vor.u32 $0x300, v2;
	v13 =	vld.idx.msk [tilespmem:v13+s13+$0x0], $0xffff;
	v8 =	vand.u32 $0xFFFFFC00, v15;
	[tilespmem:s26+$0xE880] =	vst v9  }
0x110: {  	s2 =	sand.u32 $0x3E0, s22;
	v0 =	vor.u32 v0, v8;
	v3 =	vld.idx.msk [tilespmem:v3+s13+$0x0], $0xffff;
	[tilespmem:s29+$0xCA80] =	vst v10  }
0x111: {  	v4 =	vor.u32 $0x380, v6;
	v20 =	vld [tilespmem:s2+$0x400];
	s5 =	sld [smem:$0x7ED]  }
0x112: {  	s4 =	simm.s32 $0x80;
	v9 =	vld.idx.msk [tilespmem:v14+s13+$0x0], $0xffff  }
0x113: {  	v14 =	vld [tilespmem:s4+$0x10];
	v10 =	vshll.u32 v7, $0x3  }
0x114: {  	v8 =	vadd.s32 $0x2180, v1;
	v7 =	vand.u32 $0x7F, v7;
	v10 =	vand.u32 $0xFFFFFC00, v10;
	[tilespmem:s5+$0xC800] =	vst v13;
	v13 =	vld.idx.msk [tilespmem:v12+s13+$0x0], $0xffff  }
0x115: {  	s12 =	simm.s32 $0x80;
	v5 =	vadd.s32 $0x2380, v5;
	v12 =	vor.u32 v7, v10;
	v10 =	vld.idx.msk [tilespmem:v0+s13+$0x0], $0xffff;
	[tilespmem:s26+$0xE900] =	vst v3  }
0x116: {  	v4 =	vld.idx.msk [tilespmem:v4+s13+$0x0], $0xffff;
	[dreg:$0x18] =	wrdreg s12  }
0x117: {  	v7 =	vadd.s32 $0x2000, v6;
	[tilespmem:s7+$0xC800] =	vst v9  }
0x118: {  	v15 =	vor.u32 $0x80, v0;
	v3 =	vld [tilespmem:s4+$0x0];
	s16 =	sld [smem:$0x7EE]  }
0x119: {  	v9 =	vor.u32 $0x380, v2;
	v16 =	vld.idx.msk [tilespmem:v8+s13+$0x0], $0xffff;
	v8 =	vshll.u32 v14, $0x3  }
0x11a: {  	v17 =	vadd.s32 $0x2200, v1;
	v14 =	vand.u32 $0x7F, v14;
	v5 =	vld.idx.msk [tilespmem:v5+s13+$0x0], $0xffff;
	v8 =	vand.u32 $0xFFFFFC00, v8  }
0x11b: {  	v8 =	vor.u32 v14, v8;
	[tilespmem:s16+$0xC800] =	vst v4;
	v4 =	vld.idx.msk [tilespmem:v12+s13+$0x0], $0xffff  }
0x11c: {  	v14 =	vor.u32 $0x80, v12;
	[tilespmem:s28+$0xC800] =	vst v10;
	v7 =	vld.idx.msk [tilespmem:v7+s13+$0x0], $0xffff  }
0x11d: {  	[tilespmem:s8+$0xC800] =	vst v13;
	v10 =	vadd.s32 $0x2080, v6;
	v15 =	vld.idx.msk [tilespmem:v15+s13+$0x0], $0xffff;
	v13 =	vshll.u32 v3, $0x3  }
0x11e: {  	v9 =	vld.idx.msk [tilespmem:v9+s13+$0x0], $0xffff;
	[tilespmem:s26+$0xE980] =	vst v16;
	v3 =	vand.u32 $0x7F, v3;
	v16 =	vor.u32 $0x100, v0;
	v13 =	vand.u32 $0xFFFFFC00, v13  }
0x11f: {  	[tilespmem:s6+$0xC800] =	vst v5;
	v5 =	vld.idx.msk [tilespmem:v17+s13+$0x0], $0xffff;
	v13 =	vor.u32 v3, v13  }
0x120: {  	v3 =	vadd.s32 $0x2280, v1;
	[tilespmem:s11+$0xC800] =	vst v4;
	v4 =	vld.idx.msk [tilespmem:v8+s13+$0x0], $0xffff  }
0x121: {  	[tilespmem:s9+$0xE800] =	vst v7;
	v7 =	vld.idx.msk [tilespmem:v14+s13+$0x0], $0xffff;
	v14 =	vor.u32 $0x80, v8  }
0x122: {  	s25 =	simm.s32 $0x90;
	s4 =	simm.s32 $0x400;
	v17 =	vor.u32 $0x100, v12;
	[tilespmem:s28+$0xC880] =	vst v15;
	v10 =	vld.idx.msk [tilespmem:v10+s13+$0x0], $0xffff  }
0x123: {  	s22 =	sand.u32 $0x70, s25;
	s20 =	sand.u32 $0x1C00, s4;
	[tilespmem:s15+$0xC800] =	vst v9;
	v9 =	vadd.s32 $0x2100, v6;
	v15 =	vld.idx.msk [tilespmem:v16+s13+$0x0], $0xffff  }
0x124: {  	s5 =	sor.u32 s20, s22;
	v16 =	vor.u32 $0x180, v0;
	[tilespmem:s26+$0xEA00] =	vst v5;
	v5 =	vld.idx.msk [tilespmem:v13+s13+$0x0], $0xffff  }
0x125: {  	v18 =	vor.u32 $0x80, v13;
	v3 =	vld.idx.msk [tilespmem:v3+s13+$0x0], $0xffff;
	[tilespmem:s5+$0x8800] =	vst v4  }
0x126: {  	s23 =	simm.s32 $0x80;
	v14 =	vld.idx.msk [tilespmem:v14+s13+$0x0], $0xffff;
	[tilespmem:s11+$0xC880] =	vst v7  }
0x127: {  	s8 =	sand.u32 $0x60, s23;
	[tilespmem:s9+$0xE880] =	vst v10;
	v7 =	vld.idx.msk [tilespmem:v17+s13+$0x0], $0xffff  }
0x128: {  	s15 =	sor.u32 s8, s20;
	[tilespmem:s28+$0xC900] =	vst v15;
	v10 =	vor.u32 $0x100, v8;
	v9 =	vld.idx.msk [tilespmem:v9+s13+$0x0], $0xffff  }
0x129: {  	v4 =	vadd.s32 $0x2300, v1;
	[tilespmem:s15+$0x8800] =	vst v5;
	v5 =	vld.idx.msk [tilespmem:v16+s13+$0x0], $0xffff  }
0x12a: {  	v17 =	vor.u32 $0x180, v12;
	[tilespmem:s26+$0xEA80] =	vst v3;
	v3 =	vld.idx.msk [tilespmem:v18+s13+$0x0], $0xffff  }
0x12b: {  	v15 =	vadd.s32 $0x2180, v6;
	[tilespmem:s5+$0x8880] =	vst v14  }
0x12c: {  	v14 =	vadd.s32 $0x2000, v2;
	[tilespmem:s11+$0xC900] =	vst v7  }
0x12d: {  	v16 =	vor.u32 $0x200, v0;
	v10 =	vld.idx.msk [tilespmem:v10+s13+$0x0], $0xffff;
	[tilespmem:s9+$0xE900] =	vst v9  }
0x12e: {  	v18 =	vor.u32 $0x100, v13;
	v4 =	vld.idx.msk [tilespmem:v4+s13+$0x0], $0xffff;
	[tilespmem:s28+$0xC980] =	vst v5  }
0x12f: {  	v7 =	vld.idx.msk [tilespmem:v17+s13+$0x0], $0xffff;
	v9 =	vor.u32 $0x180, v8;
	[tilespmem:s15+$0x8880] =	vst v3  }
0x130: {  	v17 =	vor.u32 $0x200, v12;
	v15 =	vld.idx.msk [tilespmem:v15+s13+$0x0], $0xffff;
	s12 =	sld [smem:$0x7EF]  }
0x131: {  	v5 =	vadd.s32 $0x2200, v6;
	v14 =	vld.idx.msk [tilespmem:v14+s13+$0x0], $0xffff  }
0x132: {  	v3 =	vld.idx.msk [tilespmem:v16+s13+$0x0], $0xffff;
	[tilespmem:s5+$0x8900] =	vst v10;
	v10 =	vadd.s32 $0x2080, v2  }
0x133: {  	v16 =	vor.u32 $0x280, v0;
	[tilespmem:s12+$0xC800] =	vst v4;
	v4 =	vld.idx.msk [tilespmem:v18+s13+$0x0], $0xffff  }
0x134: {  	v18 =	vor.u32 $0x180, v13;
	v9 =	vld.idx.msk [tilespmem:v9+s13+$0x0], $0xffff;
	[tilespmem:s11+$0xC980] =	vst v7  }
0x135: {  	[tilespmem:s9+$0xE980] =	vst v15;
	v7 =	vld.idx.msk [tilespmem:v17+s13+$0x0], $0xffff;
	v15 =	vor.u32 $0x200, v8  }
0x136: {  	v17 =	vor.u32 $0x280, v12;
	v5 =	vld.idx.msk [tilespmem:v5+s13+$0x0], $0xffff;
	[tilespmem:s29+$0xE800] =	vst v14  }
0x137: {  	[tilespmem:s28+$0xCA00] =	vst v3;
	v3 =	vadd.s32 $0x2280, v6;
	v10 =	vld.idx.msk [tilespmem:v10+s13+$0x0], $0xffff  }
0x138: {  	[tilespmem:s15+$0x8900] =	vst v4;
	v4 =	vld.idx.msk [tilespmem:v16+s13+$0x0], $0xffff  }
0x139: {  	[tilespmem:s5+$0x8980] =	vst v9;
	v14 =	vld.idx.msk [tilespmem:v18+s13+$0x0], $0xffff  }
0x13a: {  	v9 =	vadd.s32 $0x2100, v2;
	v15 =	vld.idx.msk [tilespmem:v15+s13+$0x0], $0xffff;
	[tilespmem:s11+$0xCA00] =	vst v7  }
0x13b: {  	v16 =	vor.u32 $0x300, v0;
	[tilespmem:s9+$0xEA00] =	vst v5;
	v5 =	vld.idx.msk [tilespmem:v17+s13+$0x0], $0xffff  }
0x13c: {  	v18 =	vor.u32 $0x200, v13;
	v3 =	vld.idx.msk [tilespmem:v3+s13+$0x0], $0xffff;
	[tilespmem:s29+$0xE880] =	vst v10  }
0x13d: {  	v7 =	vor.u32 $0x280, v8;
	[tilespmem:s28+$0xCA80] =	vst v4  }
0x13e: {  	v17 =	vor.u32 $0x300, v12;
	[tilespmem:s15+$0x8980] =	vst v14  }
0x13f: {  	v9 =	vld.idx.msk [tilespmem:v9+s13+$0x0], $0xffff;
	[tilespmem:s5+$0x8A00] =	vst v15  }
0x140: {  	v14 =	vld.idx.msk [tilespmem:v16+s13+$0x0], $0xffff;
	[tilespmem:s11+$0xCA80] =	vst v5  }
0x141: {  	v15 =	vadd.s32 $0x2180, v2;
	v10 =	vld.idx.msk [tilespmem:v18+s13+$0x0], $0xffff;
	[tilespmem:s9+$0xEA80] =	vst v3  }
0x142: {  	v4 =	vadd.s32 $0x2300, v6;
	v7 =	vld.idx.msk [tilespmem:v7+s13+$0x0], $0xffff;
	s1 =	sld [smem:$0x7F0]  }
0x143: {  	v16 =	vor.u32 $0x380, v0;
	v3 =	vld.idx.msk [tilespmem:v17+s13+$0x0], $0xffff  }
0x144: {  	v18 =	vor.u32 $0x280, v13;
	[tilespmem:s29+$0xE900] =	vst v9  }
0x145: {  	v5 =	vor.u32 $0x300, v8;
	[tilespmem:s1+$0xC800] =	vst v14  }
0x146: {  	v15 =	vld.idx.msk [tilespmem:v15+s13+$0x0], $0xffff;
	[tilespmem:s15+$0x8A00] =	vst v10  }
0x147: {  	v4 =	vld.idx.msk [tilespmem:v4+s13+$0x0], $0xffff;
	[tilespmem:s5+$0x8A80] =	vst v7  }
0x148: {  	v10 =	vld.idx.msk [tilespmem:v16+s13+$0x0], $0xffff;
	[tilespmem:s19+$0xC800] =	vst v3  }
0x149: {  	v14 =	vor.u32 $0x380, v12;
	v16 =	vld.idx.msk [tilespmem:v18+s13+$0x0], $0xffff;
	s1 =	sld [smem:$0x7F1]  }
0x14a: {  	s6 =	simm.s32 $0x8;
	v21 =	vld.idx.msk [tilespmem:v5+s13+$0x0], $0xffff  }
0x14b: {  	s16 =	sand.u32 $0x7, s6;
	[tilespmem:s29+$0xE980] =	vst v15  }
0x14c: {  	[tilespmem:s1+$0xC800] =	vst v4;
	s1 =	sshll.u32 s16, $0x4  }
0x14d: {  	v6 =	vadd.s32 $0x2380, v6;
	[tilespmem:s24+$0xC800] =	vst v10;
	s12 =	sadd.s32 $0x410, s1  }
0x14e: {  	v14 =	vld.idx.msk [tilespmem:v14+s13+$0x0], $0xffff;
	[tilespmem:s15+$0x8A80] =	vst v16;
	s2 =	sor.u32 $0x300, s12  }
0x14f: {  	v17 =	vadd.s32 $0x2000, v0;
	[tilespmem:s2+$0x8800] =	vst v21  }
0x150: {  	v18 =	vor.u32 $0x300, v13;
	s7 =	sld [smem:$0x7F2]  }
0x151: {  	v19 =	vadd.s32 $0x2200, v2  }
0x152: {  	v23 =	vor.u32 $0x380, v8;
	v26 =	vld.idx.msk [tilespmem:v6+s13+$0x0], $0xffff  }
0x153: {  	v25 =	vadd.s32 $0x2000, v12;
	s24 =	smov.u32 s10;
	s10 =	simm.s32 $0x4;
	[tilespmem:s7+$0xC800] =	vst v14  }
0x154: {  	v27 =	vld.idx.msk [tilespmem:v17+s13+$0x0], $0xffff;
	s20 =	sand.u32 $0x3, s10;
	s7 =	sld [smem:$0x7F3]  }
0x155: {  	v29 =	vld.idx.msk [tilespmem:v18+s13+$0x0], $0xffff;
	s1 =	sshll.u32 s20, $0x5  }
0x156: {  	v32 =	vld.idx.msk [tilespmem:v19+s13+$0x0], $0xffff;
	s1 =	sadd.s32 $0x400, s1  }
0x157: {  	v24 =	vld.idx.msk [tilespmem:v23+s13+$0x0], $0xffff;
	[tilespmem:s7+$0xC800] =	vst v26;
	s7 =	sor.u32 $0x300, s1;
	s1 =	sor.u32 $0x2300, s1  }
0x158: {  	v22 =	vadd.s32 $0x2380, v1;
	v28 =	vadd.s32 $0x2280, v2;
	v30 =	vadd.s32 $0x2080, v0;
	v21 =	vld.idx.msk [tilespmem:v25+s13+$0x0], $0xffff;
	[dreg:$0x1a] =	wrdreg s1  }
0x159: {  	v31 =	vor.u32 $0x380, v13;
	v1 =	vadd.s32 $0x2380, v2;
	v9 =	vadd.s32 $0x2080, v12;
	[tilespmem:s28+$0xE800] =	vst v27  }
0x15a: {  	v7 =	vadd.s32 $0x2100, v12;
	v5 =	vadd.s32 $0x2200, v12;
	v3 =	vadd.s32 $0x2300, v12;
	[tilespmem:s7+$0x8800] =	vst v29  }
0x15b: {  	s22 =	sor.u32 s23, s4;
	v15 =	vadd.s32 $0x2200, v13;
	v4 =	vadd.s32 $0x2280, v12;
	v19 =	vadd.s32 $0x2000, v13;
	[tilespmem:s29+$0xEA00] =	vst v32  }
0x15c: {  	s19 =	smov.u32 s30;
	s30 =	sand.u32 $0x3E0, s23;
	v10 =	vadd.s32 $0x2300, v2;
	v6 =	vadd.s32 $0x2180, v12;
	v2 =	vadd.s32 $0x2380, v12;
	s23 =	sld [smem:$0x7F4]  }
0x15d: {  	v16 =	vadd.s32 $0x2180, v13;
	v12 =	vadd.s32 $0x2300, v13;
	v18 =	vadd.s32 $0x2080, v13  }
0x15e: {  	v17 =	vadd.s32 $0x2100, v13;
	v14 =	vadd.s32 $0x2280, v13;
	v25 =	vshll.u32 v11, $0x3;
	v23 =	vld.idx.msk [tilespmem:v22+s13+$0x0], $0xffff  }
0x15f: {  	s8 =	simm.s32 $0xA0;
	s26 =	sor.u32 $0x380, s22;
	v11 =	vand.u32 $0x7F, v11;
	v25 =	vand.u32 $0xFFFFFC00, v25;
	v29 =	vadd.s32 $0x2000, v8;
	v22 =	vld.idx.msk [tilespmem:v30+s13+$0x0], $0xffff;
	s0 =	sshll.u32 s23, $0xF  }
0x160: {  	s16 =	sor.u32 s4, s25;
	s20 =	sor.u32 $0x2380, s22;
	v13 =	vadd.s32 $0x2380, v13;
	v11 =	vor.u32 v11, v25;
	v25 =	vshll.u32 v20, $0x3;
	v30 =	vld.idx.msk [tilespmem:v31+s13+$0x0], $0xffff;
	[smem:$0x7F5] =	sst s0  }
0x161: {  	s22 =	simm.s32 $0x8;
	v26 =	vand.u32 $0x7F, v20;
	v27 =	vand.u32 $0xFFFFFC00, v25;
	v25 =	vadd.s32 $0x2100, v0;
	s23 =	simm.s32 $0x410;
	s0 =	sor.u32 $0x380, s16;
	v28 =	vld.idx.msk [tilespmem:v28+s13+$0x0], $0xffff  }
.LBB2_3:
0x162: {  	_ = 	snop  }
0x163: {  	v32 =	vld [tilespmem:s8+$0x10];
	[tilespmem:s0+$0x8800] =	vst v24  }
0x164: {  	v33 =	vor.u32 v26, v27;
	s1 =	rddreg [dreg:$0x4];
	v40 =	vadd.s32 $0x2080, v8;
	[tilespmem:s11+$0xE800] =	vst v21;
	v34 =	vld.idx.msk [tilespmem:v29+s13+$0x0], $0xffff  }
0x165: {  	v42 =	vor.u32 $0x80, v11;
	v44 =	vadd.s32 $0x2180, v0;
	v37 =	vor.u32 $0x80, v33;
	[tilespmem:s1+$0xC800] =	vst v23;
	v36 =	vld.idx.msk [tilespmem:v11+s13+$0x0], $0xffff  }
0x166: {  	v38 =	vor.u32 $0x100, v33;
	v35 =	vor.u32 $0x180, v33;
	v31 =	vor.u32 $0x200, v33;
	v39 =	vld [tilespmem:s8+$0x0];
	[tilespmem:s28+$0xE880] =	vst v22  }
0x167: {  	v26 =	vor.u32 $0x300, v33;
	v41 =	vadd.s32 $0x2080, v33;
	v27 =	vadd.s32 $0x2180, v33;
	[tilespmem:s26+$0x8800] =	vst v30;
	v25 =	vld.idx.msk [tilespmem:v25+s13+$0x0], $0xffff  }
0x168: {  	v20 =	vadd.s32 $0x2280, v33;
	v43 =	vadd.s32 $0x2300, v33;
	v21 =	vadd.s32 $0x2000, v33;
	v19 =	vld.idx.msk [tilespmem:v19+s13+$0x0], $0xffff;
	[tilespmem:s29+$0xEA80] =	vst v28  }
0x169: {  	v24 =	vor.u32 $0x380, v33;
	v23 =	vadd.s32 $0x2200, v33;
	v22 =	vshll.u32 v32, $0x3;
	v28 =	vld.idx.msk [tilespmem:v33+s13+$0x0], $0xffff  }
0x16a: {  	v29 =	vor.u32 $0x280, v33;
	v32 =	vand.u32 $0x7F, v32;
	v45 =	vand.u32 $0xFFFFFC00, v22;
	v56 =	vld.idx.msk [tilespmem:v9+s13+$0x0], $0xffff  }
0x16b: {  	v30 =	vadd.s32 $0x2100, v33;
	v22 =	vadd.s32 $0x2380, v33;
	v46 =	vld.idx.msk [tilespmem:v10+s13+$0x0], $0xffff;
	v33 =	vor.u32 v32, v45;
	[tilespmem:s5+$0xA800] =	vst v34  }
0x16c: {  	s9 =	smov.u32 s17;
	s17 =	smov.u32 s24;
	s24 =	smov.u32 s15;
	v57 =	vand.u32 $0x7F, v39;
	v39 =	vshll.u32 v39, $0x3;
	v40 =	vld.idx.msk [tilespmem:v40+s13+$0x0], $0xffff;
	[tilespmem:s19+$0xC800] =	vst v36  }
0x16d: {  	[smem:$0x7EA] =	sst s30;
	s30 =	smov.u32 s28;
	v59 =	vadd.s32 $0x2100, v8;
	v48 =	vor.u32 $0x100, v11;
	v58 =	vand.u32 $0xFFFFFC00, v39;
	[tilespmem:s24+$0xA800] =	vst v19;
	v42 =	vld.idx.msk [tilespmem:v42+s13+$0x0], $0xffff  }
0x16e: {  	v51 =	vadd.s32 $0x2200, v0;
	s28 =	smov.u32 s31;
	v9 =	vmovc v41;
	v55 =	vor.u32 $0x80, v33;
	v41 =	vor.u32 v57, v58;
	[tilespmem:s30+$0xE900] =	vst v25;
	v49 =	vld.idx.msk [tilespmem:v18+s13+$0x0], $0xffff  }
0x16f: {  	[dreg:$0x1f] =	wrdreg s26;
	s26 =	smov.u32 s11;
	v10 =	vmovc v3;
	v3 =	vmovc v43;
	[tilespmem:s28+$0xC800] =	vst v28;
	v43 =	vor.u32 $0x80, v41;
	v47 =	vor.u32 $0x100, v41;
	v44 =	vld.idx.msk [tilespmem:v44+s13+$0x0], $0xffff;
	v39 =	vor.u32 $0x180, v41  }
0x170: {  	[smem:$0x7E9] =	sst s9;
	[tilespmem:s26+$0xE880] =	vst v56;
	v36 =	vor.u32 $0x200, v41;
	v32 =	vor.u32 $0x280, v41;
	v28 =	vor.u32 $0x300, v41;
	v50 =	vld.idx.msk [tilespmem:v33+s13+$0x0], $0xffff  }
0x171: {  	s9 =	rddreg [dreg:$0xa];
	v25 =	vor.u32 $0x380, v41;
	v19 =	vadd.s32 $0x2000, v41;
	v18 =	vadd.s32 $0x2080, v41;
	v60 =	vld.idx.msk [tilespmem:v37+s13+$0x0], $0xffff;
	[tilespmem:s5+$0xA880] =	vst v40  }
0x172: {  	[smem:$0x7E8] =	sst s7;
	s10 =	sadd.s32 $0x1, s10;
	v52 =	vadd.s32 $0x2100, v41;
	v53 =	vadd.s32 $0x2180, v41;
	v54 =	vadd.s32 $0x2200, v41;
	[tilespmem:s9+$0xC800] =	vst v46;
	v45 =	vld.idx.msk [tilespmem:v59+s13+$0x0], $0xffff  }
0x173: {  	s4 =	sadd.s32 $0x100, s4;
	s25 =	sadd.s32 $0x20, s25;
	s7 =	smov.u32 s21;
	v37 =	vadd.s32 $0x2300, v41;
	v34 =	vadd.s32 $0x2380, v41;
	[tilespmem:s19+$0xC880] =	vst v42;
	v42 =	vadd.s32 $0x2280, v41;
	v41 =	vld.idx.msk [tilespmem:v41+s13+$0x0], $0xffff  }
0x174: {  	v61 =	vadd.s32 $0x2180, v8;
	s15 =	sand.u32 $0x1C00, s4;
	s21 =	sand.u32 $0x3, s10;
	[dreg:$0x4] =	wrdreg s7;
	[tilespmem:s24+$0xA880] =	vst v49;
	v48 =	vld.idx.msk [tilespmem:v48+s13+$0x0], $0xffff  }
0x175: {  	s7 =	smov.u32 s20;
	s1 =	sshll.u32 s21, $0x5;
	s11 =	sand.u32 $0x70, s25;
	[tilespmem:s30+$0xE980] =	vst v44;
	v56 =	vld.idx.msk [tilespmem:v17+s13+$0x0], $0xffff  }
0x176: {  	v62 =	vor.u32 $0x180, v11;
	s20 =	sadd.s32 $0xFFFFFFF0, s25;
	s9 =	sadd.s32 s1, s4;
	s1 =	sor.u32 s15, s11;
	[tilespmem:s28+$0xC880] =	vst v60;
	v63 =	vld.idx.msk [tilespmem:v51+s13+$0x0], $0xffff  }
0x177: {  	s21 =	sand.u32 $0x60, s20;
	[tilespmem:s1+$0x8800] =	vst v50;
	v38 =	vld.idx.msk [tilespmem:v38+s13+$0x0], $0xffff  }
0x178: {  	v58 =	vadd.s32 $0x2280, v0;
	s15 =	sor.u32 s21, s15;
	v57 =	vld.idx.msk [tilespmem:v55+s13+$0x0], $0xffff;
	[tilespmem:s5+$0xA900] =	vst v45  }
0x179: {  	s31 =	smov.u32 s19;
	[tilespmem:s15+$0x8800] =	vst v41;
	v46 =	vld.idx.msk [tilespmem:v61+s13+$0x0], $0xffff  }
0x17a: {  	[dreg:$0x1c] =	wrdreg s17;
	s29 =	smov.u32 s3;
	s11 =	sor.u32 s20, s4;
	v59 =	vor.u32 $0x100, v33;
	[tilespmem:s31+$0xC900] =	vst v48;
	v43 =	vld.idx.msk [tilespmem:v43+s13+$0x0], $0xffff  }
0x17b: {  	s21 =	sor.u32 $0x300, s9;
	s17 =	sor.u32 $0x380, s11;
	s3 =	sor.u32 $0x2300, s9;
	v61 =	vadd.s32 $0x2200, v8;
	[tilespmem:s24+$0xA900] =	vst v56;
	v60 =	vld.idx.msk [tilespmem:v62+s13+$0x0], $0xffff  }
0x17c: {  	s9 =	sor.u32 $0x2380, s11;
	s11 =	smov.u32 s18;
	s18 =	rddreg [dreg:$0x6];
	[tilespmem:s30+$0xEA00] =	vst v63;
	v63 =	vld.idx.msk [tilespmem:v16+s13+$0x0], $0xffff  }
0x17d: {  	s19 =	smov.u32 s18;
	v62 =	vor.u32 $0x200, v11;
	[tilespmem:s28+$0xC900] =	vst v38;
	v40 =	vld.idx.msk [tilespmem:v58+s13+$0x0], $0xffff  }
0x17e: {  	[dreg:$0xa] =	wrdreg s19;
	s19 =	smov.u32 s11;
	v51 =	vadd.s32 $0x2300, v0;
	[tilespmem:s1+$0x8880] =	vst v57;
	v35 =	vld.idx.msk [tilespmem:v35+s13+$0x0], $0xffff  }
0x17f: {  	[dreg:$0x6] =	wrdreg s19;
	v45 =	vld.idx.msk [tilespmem:v59+s13+$0x0], $0xffff;
	[tilespmem:s5+$0xA980] =	vst v46  }
0x180: {  	v17 =	vmov v52;
	v52 =	vor.u32 $0x180, v33;
	s19 =	rddreg [dreg:$0x1a];
	[tilespmem:s15+$0x8880] =	vst v43;
	v44 =	vld.idx.msk [tilespmem:v61+s13+$0x0], $0xffff  }
0x181: {  	s11 =	smov.u32 s28;
	s18 =	smov.u32 s19;
	[tilespmem:s31+$0xC980] =	vst v60;
	v43 =	vld.idx.msk [tilespmem:v47+s13+$0x0], $0xffff  }
0x182: {  	s19 =	smov.u32 s3;
	v16 =	vmov v53;
	v53 =	vadd.s32 $0x2280, v8;
	s28 =	smov.u32 s31;
	s31 =	smov.u32 s24;
	v41 =	vld.idx.msk [tilespmem:v62+s13+$0x0], $0xffff;
	[tilespmem:s30+$0xEA80] =	vst v40  }
0x183: {  	[dreg:$0x1a] =	wrdreg s19;
	s19 =	smov.u32 s5;
	s5 =	smov.u32 s1;
	[tilespmem:s31+$0xA980] =	vst v63;
	v38 =	vld.idx.msk [tilespmem:v51+s13+$0x0], $0xffff  }
0x184: {  	v55 =	vor.u32 $0x280, v11;
	[tilespmem:s5+$0x8900] =	vst v45;
	v56 =	vld.idx.msk [tilespmem:v15+s13+$0x0], $0xffff  }
0x185: {  	v57 =	vadd.s32 $0x2380, v0;
	[tilespmem:s11+$0xC980] =	vst v35;
	v46 =	vld.idx.msk [tilespmem:v52+s13+$0x0], $0xffff  }
0x186: {  	v0 =	vmov v11;
	v11 =	vld.idx.msk [tilespmem:v31+s13+$0x0], $0xffff;
	[tilespmem:s19+$0xAA00] =	vst v44  }
0x187: {  	v31 =	vor.u32 $0x200, v33;
	[tilespmem:s15+$0x8900] =	vst v43;
	v44 =	vld.idx.msk [tilespmem:v53+s13+$0x0], $0xffff  }
0x188: {  	[tilespmem:s28+$0xCA00] =	vst v41;
	v39 =	vld.idx.msk [tilespmem:v39+s13+$0x0], $0xffff  }
0x189: {  	v58 =	vadd.s32 $0x2300, v8;
	v40 =	vld.idx.msk [tilespmem:v55+s13+$0x0], $0xffff;
	[tilespmem:s29+$0xC800] =	vst v38  }
0x18a: {  	[tilespmem:s31+$0xAA00] =	vst v56;
	v35 =	vld.idx.msk [tilespmem:v57+s13+$0x0], $0xffff  }
0x18b: {  	v59 =	vor.u32 $0x300, v0;
	[tilespmem:s5+$0x8980] =	vst v46;
	v43 =	vld.idx.msk [tilespmem:v14+s13+$0x0], $0xffff  }
0x18c: {  	[tilespmem:s11+$0xCA00] =	vst v11;
	v31 =	vld.idx.msk [tilespmem:v31+s13+$0x0], $0xffff  }
0x18d: {  	v11 =	vld.idx.msk [tilespmem:v29+s13+$0x0], $0xffff;
	[tilespmem:s19+$0xAA80] =	vst v44  }
0x18e: {  	s24 =	smov.u32 s7;
	s7 =	rddreg [dreg:$0x14];
	[tilespmem:s15+$0x8980] =	vst v39;
	v41 =	vld.idx.msk [tilespmem:v58+s13+$0x0], $0xffff  }
0x18f: {  	s3 =	smov.u32 s7;
	s7 =	rddreg [dreg:$0x8];
	v29 =	vor.u32 $0x280, v33;
	[tilespmem:s28+$0xCA80] =	vst v40;
	v36 =	vld.idx.msk [tilespmem:v36+s13+$0x0], $0xffff  }
0x190: {  	v38 =	vld.idx.msk [tilespmem:v59+s13+$0x0], $0xffff;
	[tilespmem:s7+$0xC800] =	vst v35  }
0x191: {  	v60 =	vadd.s32 $0x2380, v8;
	[tilespmem:s31+$0xAA80] =	vst v43  }
0x192: {  	v62 =	vld.idx.msk [tilespmem:v7+s13+$0x0], $0xffff;
	[tilespmem:s5+$0x8A00] =	vst v31  }
0x193: {  	s12 =	sor.u32 $0x2300, s12;
	v61 =	vor.u32 $0x380, v0;
	v7 =	vmov v30;
	v30 =	vld.idx.msk [tilespmem:v12+s13+$0x0], $0xffff;
	[tilespmem:s11+$0xCA80] =	vst v11  }
0x194: {  	s7 =	rddreg [dreg:$0x16];
	v29 =	vld.idx.msk [tilespmem:v29+s13+$0x0], $0xffff;
	[tilespmem:s12+$0x8800] =	vst v41  }
0x195: {  	v8 =	vmov v33;
	s1 =	smov.u32 s7;
	s7 =	rddreg [dreg:$0xc];
	v11 =	vld.idx.msk [tilespmem:v26+s13+$0x0], $0xffff;
	[tilespmem:s15+$0x8A00] =	vst v36  }
0x196: {  	[dreg:$0x8] =	wrdreg s1;
	v26 =	vor.u32 $0x300, v8;
	v31 =	vld.idx.msk [tilespmem:v60+s13+$0x0], $0xffff;
	[tilespmem:s7+$0xC800] =	vst v38  }
0x197: {  	s1 =	sld [smem:$0x7E8];
	v32 =	vld.idx.msk [tilespmem:v32+s13+$0x0], $0xffff;
	[tilespmem:s26+$0xE900] =	vst v62  }
0x198: {  	[dreg:$0x14] =	wrdreg s12;
	v33 =	vld.idx.msk [tilespmem:v61+s13+$0x0], $0xffff;
	[tilespmem:s18+$0x8800] =	vst v30  }
0x199: {  	s12 =	smov.u32 s2;
	s2 =	sor.u32 $0x2380, s16;
	s16 =	rddreg [dreg:$0xe];
	v35 =	vld.idx.msk [tilespmem:v6+s13+$0x0], $0xffff  }
0x19a: {  	[dreg:$0xc] =	wrdreg s12;
	s12 =	smov.u32 s1;
	[tilespmem:s5+$0x8A80] =	vst v29;
	v6 =	vmov v27;
	v27 =	vld.idx.msk [tilespmem:v13+s13+$0x0], $0xffff  }
0x19b: {  	[dreg:$0xe] =	wrdreg s12;
	v30 =	vadd.s32 $0x2000, v0;
	v26 =	vld.idx.msk [tilespmem:v26+s13+$0x0], $0xffff;
	[tilespmem:s16+$0xC800] =	vst v11  }
0x19c: {  	s16 =	rddreg [dreg:$0x18];
	v11 =	vld.idx.msk [tilespmem:v24+s13+$0x0], $0xffff;
	[tilespmem:s2+$0x8800] =	vst v31  }
0x19d: {  	s6 =	sadd.s32 $0x2, s6;
	s12 =	rddreg [dreg:$0x10];
	[tilespmem:s15+$0x8A80] =	vst v32;
	v31 =	vld [tilespmem:s16+$0x410];
	s16 =	smov.u32 s0  }
0x19e: {  	s23 =	sadd.s32 $0x100, s23;
	s1 =	sand.u32 $0x7, s6;
	v24 =	vor.u32 $0x380, v8;
	[tilespmem:s12+$0xC800] =	vst v33;
	[dreg:$0x10] =	wrdreg s16  }
0x19f: {  	s12 =	smov.u32 s8;
	v28 =	vld.idx.msk [tilespmem:v28+s13+$0x0], $0xffff;
	s16 =	sshll.u32 s1, $0x4;
	s1 =	sld [smem:$0x7EA];
	[tilespmem:s26+$0xE980] =	vst v35  }
0x1a0: {  	s22 =	sadd.s32 $0x2, s22;
	[dreg:$0x18] =	wrdreg s12;
	v30 =	vld.idx.msk [tilespmem:v30+s13+$0x0], $0xffff;
	s12 =	sadd.s32 s16, s23;
	[tilespmem:s24+$0x8800] =	vst v27  }
0x1a1: {  	s20 =	sand.u32 $0x3E0, s20;
	[dreg:$0x16] =	wrdreg s2;
	s2 =	sor.u32 $0x300, s12;
	v32 =	vld.idx.msk [tilespmem:v5+s13+$0x0], $0xffff  }
0x1a2: {  	s30 =	smov.u32 s20;
	s20 =	smov.u32 s9;
	s9 =	rddreg [dreg:$0x12];
	v27 =	vadd.s32 $0x2080, v0;
	[tilespmem:s2+$0x8800] =	vst v26;
	v63 =	vld [tilespmem:s1+$0x400]  }
0x1a3: {  	p1 =	slt.u32 s22, $0x3E;
	[tilespmem:s9+$0xC800] =	vst v11;
	v24 =	vld.idx.msk [tilespmem:v24+s13+$0x0], $0xffff  }
.Ltmp0:
0x1a4: {  	s7 =	smov.u32 s21;
	v21 =	vld.idx.msk [tilespmem:v21+s13+$0x0], $0xffff;
	(pc) =	sbr.rel @p1 .LBB2_3-.Ltmp0, $4  }
0x1a5: {  	v15 =	vmov v54;
	s16 =	rddreg [dreg:$0x1f];
	v5 =	vmov v23;
	v11 =	vshll.u32 v31, $0x3;
	v23 =	vld.idx.msk [tilespmem:v1+s13+$0x0], $0xffff;
	[tilespmem:s7+$0x8800] =	vst v28  }
0x1a6: {  	s29 =	smov.u32 s26;
	v14 =	vmovc v42;
	v12 =	vmovc v37;
	s21 =	sld [smem:$0x7E9];
	v29 =	vadd.s32 $0x2000, v8;
	s26 =	smov.u32 s16;
	v26 =	vand.u32 $0x7F, v31;
	v11 =	vand.u32 $0xFFFFFC00, v11;
	[tilespmem:s28+$0xE800] =	vst v30;
	v30 =	vld.idx.msk [tilespmem:v25+s13+$0x0], $0xffff  }
0x1a7: {  	s8 =	sadd.s32 $0x20, s8;
	s16 =	sor.u32 s4, s25;
	[dreg:$0x12] =	wrdreg s26;
	v1 =	vmovc v2;
	v2 =	vmov v22;
	v11 =	vor.u32 v26, v11;
	v22 =	vld.idx.msk [tilespmem:v27+s13+$0x0], $0xffff;
	v25 =	vshll.u32 v63, $0x3;
	[tilespmem:s29+$0xEA00] =	vst v32  }
0x1a8: {  	v13 =	vmovc v34;
	s26 =	smov.u32 s17;
	s17 =	rddreg [dreg:$0x1c];
	s0 =	sor.u32 $0x380, s16;
	v26 =	vand.u32 $0x7F, v63;
	v27 =	vand.u32 $0xFFFFFC00, v25;
	v25 =	vadd.s32 $0x2100, v0;
	v28 =	vld.idx.msk [tilespmem:v4+s13+$0x0], $0xffff;
	v4 =	vmovc v20  }
0x1a9: {  	_ =	sdelay $0x2  }
0x1aa: {  	[tilespmem:s0+$0x8800] =	vst v24  }
0x1ab: {  	v20 =	vld.idx.msk [tilespmem:v29+s13+$0x0], $0xffff  }
0x1ac: {  	v35 =	vadd.s32 $0x2080, v8;
	[tilespmem:s26+$0x8800] =	vst v30  }
0x1ad: {  	v19 =	vld.idx.msk [tilespmem:v19+s13+$0x0], $0xffff;
	_ =	sdelay $0x2  }
0x1ae: {  	[tilespmem:s5+$0xA800] =	vst v20  }
0x1af: {  	v20 =	vld.idx.msk [tilespmem:v35+s13+$0x0], $0xffff  }
0x1b0: {  	v36 =	vadd.s32 $0x2100, v8;
	[tilespmem:s15+$0xA800] =	vst v19  }
0x1b1: {  	v18 =	vld.idx.msk [tilespmem:v18+s13+$0x0], $0xffff;
	_ =	sdelay $0x2  }
0x1b2: {  	[tilespmem:s5+$0xA880] =	vst v20  }
0x1b3: {  	v37 =	vld.idx.msk [tilespmem:v36+s13+$0x0], $0xffff  }
0x1b4: {  	v38 =	vadd.s32 $0x2180, v8;
	[tilespmem:s15+$0xA880] =	vst v18  }
0x1b5: {  	v17 =	vld.idx.msk [tilespmem:v17+s13+$0x0], $0xffff;
	_ =	sdelay $0x2  }
0x1b6: {  	[tilespmem:s5+$0xA900] =	vst v37  }
0x1b7: {  	v39 =	vld.idx.msk [tilespmem:v38+s13+$0x0], $0xffff  }
0x1b8: {  	v40 =	vadd.s32 $0x2200, v8;
	[tilespmem:s15+$0xA900] =	vst v17  }
0x1b9: {  	v16 =	vld.idx.msk [tilespmem:v16+s13+$0x0], $0xffff;
	_ =	sdelay $0x2  }
0x1ba: {  	[tilespmem:s5+$0xA980] =	vst v39  }
0x1bb: {  	v41 =	vld.idx.msk [tilespmem:v40+s13+$0x0], $0xffff  }
0x1bc: {  	v42 =	vadd.s32 $0x2280, v8;
	[tilespmem:s15+$0xA980] =	vst v16  }
0x1bd: {  	v15 =	vld.idx.msk [tilespmem:v15+s13+$0x0], $0xffff;
	_ =	sdelay $0x2  }
0x1be: {  	[tilespmem:s5+$0xAA00] =	vst v41  }
0x1bf: {  	v43 =	vld.idx.msk [tilespmem:v42+s13+$0x0], $0xffff  }
0x1c0: {  	v44 =	vadd.s32 $0x2300, v8;
	[tilespmem:s15+$0xAA00] =	vst v15  }
0x1c1: {  	v14 =	vld.idx.msk [tilespmem:v14+s13+$0x0], $0xffff;
	_ =	sdelay $0x2  }
0x1c2: {  	[tilespmem:s5+$0xAA80] =	vst v43  }
0x1c3: {  	v45 =	vld.idx.msk [tilespmem:v44+s13+$0x0], $0xffff  }
0x1c4: {  	v46 =	vadd.s32 $0x2380, v8;
	[tilespmem:s15+$0xAA80] =	vst v14  }
0x1c5: {  	v12 =	vld.idx.msk [tilespmem:v12+s13+$0x0], $0xffff;
	_ =	sdelay $0x1  }
0x1c6: {  	s6 =	sor.u32 $0x2300, s12  }
0x1c7: {  	[tilespmem:s6+$0x8800] =	vst v45  }
0x1c8: {  	v8 =	vld.idx.msk [tilespmem:v46+s13+$0x0], $0xffff;
	s9 =	rddreg [dreg:$0x1a]  }
0x1c9: {  	[tilespmem:s9+$0x8800] =	vst v12  }
0x1ca: {  	v12 =	vld.idx.msk [tilespmem:v13+s13+$0x0], $0xffff;
	_ =	sdelay $0x1  }
0x1cb: {  	s4 =	sor.u32 $0x2380, s16  }
0x1cc: {  	[tilespmem:s4+$0x8800] =	vst v8  }
0x1cd: {  	s1 =	rddreg [dreg:$0x18]  }
0x1ce: {  	v8 =	vld [tilespmem:s1+$0x410];
	[tilespmem:s20+$0x8800] =	vst v12  }
0x1cf: {  	v14 =	vld [tilespmem:s30+$0x400];
	_ =	sdelay $0x3  }
0x1d0: {  	v47 =	vshll.u32 v8, $0x3  }
0x1d1: {  	v8 =	vand.u32 $0x7F, v8;
	v12 =	vand.u32 $0xFFFFFC00, v47;
	v48 =	vshll.u32 v14, $0x3  }
0x1d2: {  	v14 =	vand.u32 $0x7F, v14;
	v13 =	vor.u32 v8, v12;
	v8 =	vand.u32 $0xFFFFFC00, v48  }
0x1d3: {  	v8 =	vor.u32 v14, v8  }
0x1d4: {  	v12 =	vor.u32 v26, v27;
	_ =	sdelay $0x1  }
0x1d5: {  	v49 =	vld.idx.msk [tilespmem:v11+s13+$0x0], $0xffff  }
0x1d6: {  	v50 =	vor.u32 $0x80, v11;
	v16 =	vld.idx.msk [tilespmem:v13+s13+$0x0], $0xffff  }
0x1d7: {  	v52 =	vor.u32 $0x80, v13;
	v54 =	vld.idx.msk [tilespmem:v8+s13+$0x0], $0xffff  }
0x1d8: {  	v55 =	vor.u32 $0x80, v8;
	v51 =	vld.idx.msk [tilespmem:v12+s13+$0x0], $0xffff  }
0x1d9: {  	v53 =	vor.u32 $0x80, v12  }
0x1da: {  	[tilespmem:s19+$0xC800] =	vst v49  }
0x1db: {  	v15 =	vld.idx.msk [tilespmem:v50+s13+$0x0], $0xffff;
	[tilespmem:s5+$0xC800] =	vst v16  }
0x1dc: {  	v56 =	vor.u32 $0x100, v11;
	v16 =	vld.idx.msk [tilespmem:v52+s13+$0x0], $0xffff;
	[tilespmem:s15+$0xC800] =	vst v54  }
0x1dd: {  	v57 =	vor.u32 $0x100, v13;
	[tilespmem:s31+$0xC800] =	vst v51;
	v14 =	vld.idx.msk [tilespmem:v55+s13+$0x0], $0xffff  }
0x1de: {  	v59 =	vor.u32 $0x100, v8;
	v17 =	vld.idx.msk [tilespmem:v53+s13+$0x0], $0xffff  }
0x1df: {  	v58 =	vor.u32 $0x100, v12  }
0x1e0: {  	[tilespmem:s19+$0xC880] =	vst v15  }
0x1e1: {  	v60 =	vld.idx.msk [tilespmem:v56+s13+$0x0], $0xffff;
	[tilespmem:s5+$0xC880] =	vst v16  }
0x1e2: {  	v61 =	vor.u32 $0x180, v11;
	v16 =	vld.idx.msk [tilespmem:v57+s13+$0x0], $0xffff;
	[tilespmem:s15+$0xC880] =	vst v14  }
0x1e3: {  	v62 =	vor.u32 $0x180, v13;
	[tilespmem:s31+$0xC880] =	vst v17;
	v15 =	vld.idx.msk [tilespmem:v59+s13+$0x0], $0xffff  }
0x1e4: {  	v29 =	vor.u32 $0x180, v8;
	v17 =	vld.idx.msk [tilespmem:v58+s13+$0x0], $0xffff  }
0x1e5: {  	v63 =	vor.u32 $0x180, v12  }
0x1e6: {  	[tilespmem:s19+$0xC900] =	vst v60  }
0x1e7: {  	v20 =	vld.idx.msk [tilespmem:v61+s13+$0x0], $0xffff;
	[tilespmem:s5+$0xC900] =	vst v16  }
0x1e8: {  	v30 =	vor.u32 $0x200, v11;
	v16 =	vld.idx.msk [tilespmem:v62+s13+$0x0], $0xffff;
	[tilespmem:s15+$0xC900] =	vst v15  }
0x1e9: {  	v31 =	vor.u32 $0x200, v13;
	[tilespmem:s31+$0xC900] =	vst v17;
	v33 =	vld.idx.msk [tilespmem:v29+s13+$0x0], $0xffff  }
0x1ea: {  	v34 =	vor.u32 $0x200, v8;
	v14 =	vld.idx.msk [tilespmem:v63+s13+$0x0], $0xffff  }
0x1eb: {  	v32 =	vor.u32 $0x200, v12  }
0x1ec: {  	[tilespmem:s19+$0xC980] =	vst v20  }
0x1ed: {  	v20 =	vld.idx.msk [tilespmem:v30+s13+$0x0], $0xffff;
	[tilespmem:s5+$0xC980] =	vst v16  }
0x1ee: {  	v35 =	vor.u32 $0x280, v11;
	v36 =	vld.idx.msk [tilespmem:v31+s13+$0x0], $0xffff;
	[tilespmem:s15+$0xC980] =	vst v33  }
0x1ef: {  	v37 =	vor.u32 $0x280, v13;
	[tilespmem:s31+$0xC980] =	vst v14;
	v18 =	vld.idx.msk [tilespmem:v34+s13+$0x0], $0xffff  }
0x1f0: {  	v39 =	vor.u32 $0x280, v8;
	v15 =	vld.idx.msk [tilespmem:v32+s13+$0x0], $0xffff  }
0x1f1: {  	v38 =	vor.u32 $0x280, v12  }
0x1f2: {  	[tilespmem:s19+$0xCA00] =	vst v20  }
0x1f3: {  	v20 =	vld.idx.msk [tilespmem:v35+s13+$0x0], $0xffff;
	[tilespmem:s5+$0xCA00] =	vst v36  }
0x1f4: {  	v40 =	vor.u32 $0x300, v11;
	v14 =	vld.idx.msk [tilespmem:v37+s13+$0x0], $0xffff;
	[tilespmem:s15+$0xCA00] =	vst v18  }
0x1f5: {  	v41 =	vor.u32 $0x300, v13;
	[tilespmem:s31+$0xCA00] =	vst v15;
	v18 =	vld.idx.msk [tilespmem:v39+s13+$0x0], $0xffff  }
0x1f6: {  	v43 =	vor.u32 $0x300, v8;
	v15 =	vld.idx.msk [tilespmem:v38+s13+$0x0], $0xffff  }
0x1f7: {  	v42 =	vor.u32 $0x300, v12  }
0x1f8: {  	[tilespmem:s19+$0xCA80] =	vst v20  }
0x1f9: {  	v20 =	vld.idx.msk [tilespmem:v40+s13+$0x0], $0xffff;
	[tilespmem:s5+$0xCA80] =	vst v14  }
0x1fa: {  	v14 =	vld.idx.msk [tilespmem:v41+s13+$0x0], $0xffff;
	[tilespmem:s15+$0xCA80] =	vst v18  }
0x1fb: {  	v44 =	vor.u32 $0x380, v11;
	[tilespmem:s31+$0xCA80] =	vst v15;
	v18 =	vld.idx.msk [tilespmem:v43+s13+$0x0], $0xffff  }
0x1fc: {  	v45 =	vor.u32 $0x380, v13;
	v15 =	vld.idx.msk [tilespmem:v42+s13+$0x0], $0xffff  }
0x1fd: {  	s25 =	rddreg [dreg:$0xc];
	[tilespmem:s29+$0xEA80] =	vst v28  }
0x1fe: {  	v47 =	vor.u32 $0x380, v8;
	[tilespmem:s25+$0xC800] =	vst v20  }
0x1ff: {  	v46 =	vor.u32 $0x380, v12;
	[tilespmem:s2+$0xC800] =	vst v14  }
0x200: {  	v20 =	vld.idx.msk [tilespmem:v44+s13+$0x0], $0xffff;
	s1 =	rddreg [dreg:$0xe];
	[tilespmem:s7+$0xC800] =	vst v18  }
0x201: {  	v49 =	vld.idx.msk [tilespmem:v45+s13+$0x0], $0xffff;
	[tilespmem:s1+$0xC800] =	vst v15  }
0x202: {  	v48 =	vadd.s32 $0x2000, v11;
	v10 =	vld.idx.msk [tilespmem:v10+s13+$0x0], $0xffff;
	s1 =	rddreg [dreg:$0x4]  }
0x203: {  	v51 =	vadd.s32 $0x2000, v13;
	v19 =	vld.idx.msk [tilespmem:v47+s13+$0x0], $0xffff;
	[tilespmem:s1+$0xC800] =	vst v23  }
0x204: {  	v53 =	vadd.s32 $0x2000, v8;
	v50 =	vld.idx.msk [tilespmem:v46+s13+$0x0], $0xffff;
	s1 =	rddreg [dreg:$0x10]  }
0x205: {  	v52 =	vadd.s32 $0x2000, v12;
	[tilespmem:s1+$0xC800] =	vst v20  }
0x206: {  	s1 =	rddreg [dreg:$0xa];
	[tilespmem:s0+$0xC800] =	vst v49  }
0x207: {  	v54 =	vld.idx.msk [tilespmem:v48+s13+$0x0], $0xffff;
	[tilespmem:s1+$0xC800] =	vst v10  }
0x208: {  	v55 =	vadd.s32 $0x2080, v11;
	v15 =	vld.idx.msk [tilespmem:v51+s13+$0x0], $0xffff;
	s0 =	rddreg [dreg:$0x12];
	[tilespmem:s26+$0xC800] =	vst v19  }
0x209: {  	v56 =	vadd.s32 $0x2080, v13;
	[tilespmem:s0+$0xC800] =	vst v50;
	v19 =	vld.idx.msk [tilespmem:v53+s13+$0x0], $0xffff  }
0x20a: {  	v59 =	vadd.s32 $0x2080, v8;
	[tilespmem:s28+$0xE880] =	vst v22;
	v16 =	vld.idx.msk [tilespmem:v52+s13+$0x0], $0xffff  }
0x20b: {  	v57 =	vadd.s32 $0x2080, v12;
	[tilespmem:s11+$0xE800] =	vst v21;
	v58 =	vld.idx.msk [tilespmem:v25+s13+$0x0], $0xffff  }
0x20c: {  	v60 =	vadd.s32 $0x2180, v0;
	v9 =	vld.idx.msk [tilespmem:v9+s13+$0x0], $0xffff;
	[tilespmem:s19+$0xE800] =	vst v54  }
0x20d: {  	v14 =	vld.idx.msk [tilespmem:v55+s13+$0x0], $0xffff;
	[tilespmem:s5+$0xE800] =	vst v15  }
0x20e: {  	v61 =	vadd.s32 $0x2100, v11;
	v15 =	vld.idx.msk [tilespmem:v56+s13+$0x0], $0xffff;
	[tilespmem:s15+$0xE800] =	vst v19  }
0x20f: {  	v62 =	vadd.s32 $0x2100, v13;
	[tilespmem:s31+$0xE800] =	vst v16;
	v10 =	vld.idx.msk [tilespmem:v59+s13+$0x0], $0xffff  }
0x210: {  	v25 =	vadd.s32 $0x2100, v8;
	[tilespmem:s28+$0xE900] =	vst v58;
	v16 =	vld.idx.msk [tilespmem:v57+s13+$0x0], $0xffff  }
0x211: {  	v63 =	vadd.s32 $0x2100, v12;
	[tilespmem:s11+$0xE880] =	vst v9;
	v24 =	vld.idx.msk [tilespmem:v60+s13+$0x0], $0xffff  }
0x212: {  	v26 =	vadd.s32 $0x2200, v0;
	v7 =	vld.idx.msk [tilespmem:v7+s13+$0x0], $0xffff;
	[tilespmem:s19+$0xE880] =	vst v14  }
0x213: {  	v27 =	vld.idx.msk [tilespmem:v61+s13+$0x0], $0xffff;
	[tilespmem:s5+$0xE880] =	vst v15  }
0x214: {  	v28 =	vadd.s32 $0x2180, v11;
	v15 =	vld.idx.msk [tilespmem:v62+s13+$0x0], $0xffff;
	[tilespmem:s15+$0xE880] =	vst v10  }
0x215: {  	v29 =	vadd.s32 $0x2180, v13;
	[tilespmem:s31+$0xE880] =	vst v16;
	v14 =	vld.idx.msk [tilespmem:v25+s13+$0x0], $0xffff  }
0x216: {  	v31 =	vadd.s32 $0x2180, v8;
	[tilespmem:s28+$0xE980] =	vst v24;
	v16 =	vld.idx.msk [tilespmem:v63+s13+$0x0], $0xffff  }
0x217: {  	v30 =	vadd.s32 $0x2180, v12;
	[tilespmem:s11+$0xE900] =	vst v7;
	v9 =	vld.idx.msk [tilespmem:v26+s13+$0x0], $0xffff  }
0x218: {  	v32 =	vadd.s32 $0x2280, v0;
	v6 =	vld.idx.msk [tilespmem:v6+s13+$0x0], $0xffff;
	[tilespmem:s19+$0xE900] =	vst v27  }
0x219: {  	v33 =	vld.idx.msk [tilespmem:v28+s13+$0x0], $0xffff;
	[tilespmem:s5+$0xE900] =	vst v15  }
0x21a: {  	v34 =	vadd.s32 $0x2200, v11;
	v15 =	vld.idx.msk [tilespmem:v29+s13+$0x0], $0xffff;
	[tilespmem:s15+$0xE900] =	vst v14  }
0x21b: {  	v35 =	vadd.s32 $0x2200, v13;
	[tilespmem:s31+$0xE900] =	vst v16;
	v37 =	vld.idx.msk [tilespmem:v31+s13+$0x0], $0xffff  }
0x21c: {  	v39 =	vadd.s32 $0x2200, v8;
	[tilespmem:s28+$0xEA00] =	vst v9;
	v10 =	vld.idx.msk [tilespmem:v30+s13+$0x0], $0xffff  }
0x21d: {  	v36 =	vadd.s32 $0x2200, v12;
	[tilespmem:s11+$0xE980] =	vst v6;
	v38 =	vld.idx.msk [tilespmem:v32+s13+$0x0], $0xffff  }
0x21e: {  	v40 =	vadd.s32 $0x2300, v0;
	v5 =	vld.idx.msk [tilespmem:v5+s13+$0x0], $0xffff;
	[tilespmem:s19+$0xE980] =	vst v33  }
0x21f: {  	v41 =	vld.idx.msk [tilespmem:v34+s13+$0x0], $0xffff;
	[tilespmem:s5+$0xE980] =	vst v15  }
0x220: {  	v42 =	vadd.s32 $0x2280, v11;
	v43 =	vld.idx.msk [tilespmem:v35+s13+$0x0], $0xffff;
	[tilespmem:s15+$0xE980] =	vst v37  }
0x221: {  	v44 =	vadd.s32 $0x2280, v13;
	[tilespmem:s31+$0xE980] =	vst v10;
	v46 =	vld.idx.msk [tilespmem:v39+s13+$0x0], $0xffff  }
0x222: {  	v47 =	vadd.s32 $0x2280, v8;
	[tilespmem:s28+$0xEA80] =	vst v38;
	v14 =	vld.idx.msk [tilespmem:v36+s13+$0x0], $0xffff  }
0x223: {  	v45 =	vadd.s32 $0x2280, v12;
	[tilespmem:s11+$0xEA00] =	vst v5;
	v7 =	vld.idx.msk [tilespmem:v40+s13+$0x0], $0xffff  }
0x224: {  	v4 =	vld.idx.msk [tilespmem:v4+s13+$0x0], $0xffff;
	[tilespmem:s19+$0xEA00] =	vst v41  }
0x225: {  	v48 =	vadd.s32 $0x2380, v0;
	v49 =	vld.idx.msk [tilespmem:v42+s13+$0x0], $0xffff;
	[tilespmem:s5+$0xEA00] =	vst v43  }
0x226: {  	v10 =	vld.idx.msk [tilespmem:v44+s13+$0x0], $0xffff;
	[tilespmem:s15+$0xEA00] =	vst v46  }
0x227: {  	v50 =	vadd.s32 $0x2300, v11;
	[tilespmem:s31+$0xEA00] =	vst v14;
	v53 =	vld.idx.msk [tilespmem:v47+s13+$0x0], $0xffff  }
0x228: {  	v51 =	vadd.s32 $0x2300, v13;
	[tilespmem:s3+$0xC800] =	vst v7;
	v9 =	vld.idx.msk [tilespmem:v45+s13+$0x0], $0xffff  }
0x229: {  	v54 =	vadd.s32 $0x2300, v8;
	[tilespmem:s11+$0xEA80] =	vst v4  }
0x22a: {  	v0 =	vld.idx.msk [tilespmem:v48+s13+$0x0], $0xffff;
	[tilespmem:s19+$0xEA80] =	vst v49  }
0x22b: {  	[tilespmem:s5+$0xEA80] =	vst v10  }
0x22c: {  	v52 =	vadd.s32 $0x2300, v12;
	v55 =	vld.idx.msk [tilespmem:v50+s13+$0x0], $0xffff;
	[tilespmem:s15+$0xEA80] =	vst v53  }
0x22d: {  	v57 =	vld.idx.msk [tilespmem:v51+s13+$0x0], $0xffff;
	[tilespmem:s31+$0xEA80] =	vst v9  }
0x22e: {  	v56 =	vadd.s32 $0x2380, v11;
	v5 =	vld.idx.msk [tilespmem:v54+s13+$0x0], $0xffff;
	s0 =	rddreg [dreg:$0x8]  }
0x22f: {  	v58 =	vadd.s32 $0x2380, v13;
	v3 =	vld.idx.msk [tilespmem:v3+s13+$0x0], $0xffff;
	[tilespmem:s0+$0xC800] =	vst v0  }
0x230: {  	v1 =	vld.idx.msk [tilespmem:v1+s13+$0x0], $0xffff;
	s0 =	rddreg [dreg:$0x14]  }
0x231: {  	v7 =	vld.idx.msk [tilespmem:v52+s13+$0x0], $0xffff;
	[tilespmem:s0+$0xC800] =	vst v55  }
0x232: {  	v59 =	vadd.s32 $0x2380, v12;
	s0 =	rddreg [dreg:$0x6];
	[tilespmem:s6+$0xC800] =	vst v57  }
0x233: {  	v60 =	vadd.s32 $0x2380, v8;
	v61 =	vld.idx.msk [tilespmem:v56+s13+$0x0], $0xffff;
	[tilespmem:s9+$0xC800] =	vst v5  }
0x234: {  	[tilespmem:s0+$0xC800] =	vst v3;
	v62 =	vld.idx.msk [tilespmem:v58+s13+$0x0], $0xffff  }
0x235: {  	[tilespmem:s21+$0xC800] =	vst v1;
	v2 =	vld.idx.msk [tilespmem:v2+s13+$0x0], $0xffff  }
0x236: {  	[tilespmem:s18+$0xC800] =	vst v7  }
0x237: {  	v0 =	vld.idx.msk [tilespmem:v59+s13+$0x0], $0xffff;
	s0 =	rddreg [dreg:$0x16]  }
0x238: {  	v63 =	vld.idx.msk [tilespmem:v60+s13+$0x0], $0xffff;
	[tilespmem:s0+$0xC800] =	vst v61  }
0x239: {  	[tilespmem:s4+$0xC800] =	vst v62  }
0x23a: {  	[tilespmem:s17+$0xC800] =	vst v2  }
0x23b: {  	s0 =	sld [smem:$0x7F9]  }
0x23c: {  	s3 =	sld [smem:$0x7F5];
	[tilespmem:s24+$0xC800] =	vst v0  }
0x23d: {  	[tilespmem:s20+$0xC800] =	vst v63  }
0x23e: {  	s31 =	sld [smem:$0x7F4];
	_ =	sdelay $0x2  }
0x23f: {  	s0 =	sadd.s32 s0, s3;
	p1 =	sne.s32 s31, $0x17  }
.Ltmp1:
0x240: {  	s28 =	rddreg [dreg:$0x2];
	s0 =	sshrl.u32 s0, $0x3;
	(pc) =	sbr.rel @p1 .LBB2_6-.Ltmp1, $4  }
0x241: {  	s29 =	simm.s32 $0x8800;
	s2 =	simm.s32 $0x0;
	s0 =	sadd.s32 s28, s0  }
0x242: {  	[hbm4b:s0+s2] =	stream.linear.scatter [tilespmem:s29], [sflag:$0x3], $0x4000, $0x38;
	[tilespmem:$0x18800] =	vst v63  }
0x243: {  	s30 =	simm.s32 $0xC800;
	s0 =	sadd.s32 $0x300000, s0  }
0x244: {  	[hbm4b:s0+s2] =	stream.linear.scatter [tilespmem:s30], [sflag:$0x3], $0x4000, $0x38;
	[tilespmem:$0x18800] =	vst v63  }
.Ltmp2:
0x245: {  	(pc) =	sbr.rel .LBB2_7-.Ltmp2, $4  }
0x246: {  	s0 =	simm.s32 $0x2  }
0x247: {  	_ =	swait.ge [sflag:s0], $0x4000  }
0x248: {  	[sflag:s0] =	ssyncset.done $0x0  }
0x249: {  	[sflag:s0] =	ssyncadd.s32 $0xFFFFC000  }
.LBB2_6:
0x24a: {  	s0 =	sld [smem:$0x7FA];
	_ =	sdelay $0x2  }
0x24b: {  	s0 =	sadd.s32 s3, s0  }
0x24c: {  	s1 =	rddreg [dreg:$0x0];
	s0 =	sshrl.u32 s0, $0x3  }
.Ltmp3:
0x24d: {  	s31 =	simm.s32 $0x2;
	s0 =	sadd.s32 s1, s0;
	(pc) =	sbr.rel @p0 .LBB2_8-.Ltmp3, $4  }
0x24e: {  	[tilespmem:s13], [sflag:$0x1] =	stream.linear.gather [hbm4b:s0+s2], $0x4000, $0x38;
	[tilespmem:$0x18800] =	vst v63  }
0x24f: {  	_ =	swait.ge [sflag:s31], $0x4000  }
0x250: {  	[sflag:s31] =	ssyncset.done $0x0  }
0x251: {  	[sflag:s31] =	ssyncadd.s32 $0xFFFFC000  }
.LBB2_7:
0x252: {  	s0 =	simm.s32 $0x4  }
0x253: {  	_ =	swait.ge [sflag:s0], $0x4000  }
0x254: {  	[sflag:s0] =	ssyncset.done $0x0  }
0x255: {  	[sflag:s0] =	ssyncadd.s32 $0xFFFFC000  }
0x256: {  	_ =	swait.ge [sflag:s0], $0x4000  }
0x257: {  	[sflag:s0] =	ssyncset.done $0x0  }
0x258: {  	[sflag:s0] =	ssyncadd.s32 $0xFFFFC000  }
.LBB2_8:
0x259: {  	s17 =	simm.s32 $0x0  }
0x25a: {  	v0 =	vld [tilespmem:s17+$0x10];
	_ =	sdelay $0x1  }
0x25b: {  	v1 =	vld [tilespmem:s17+$0x0];
	_ =	sdelay $0x2  }
0x25c: {  	v2 =	vshll.u32 v0, $0x3  }
0x25d: {  	v0 =	vand.u32 $0x7F, v0;
	v2 =	vand.u32 $0xFFFFFC00, v2  }
0x25e: {  	v4 =	vor.u32 v0, v2;
	v0 =	vshll.u32 v1, $0x3  }
0x25f: {  	v1 =	vand.u32 $0x7F, v1;
	v0 =	vand.u32 $0xFFFFFC00, v0  }
0x260: {  	v3 =	vor.u32 v1, v0;
	_ =	sdelay $0x2  }
0x261: {  	v0 =	vld.idx.msk [tilespmem:v4+s14+$0x0], $0xffff  }
0x262: {  	v1 =	vor.u32 $0x80, v4  }
0x263: {  	s4 =	simm.s32 $0x10;
	v2 =	vld.idx.msk [tilespmem:v3+s14+$0x0], $0xffff  }
0x264: {  	s0 =	sand.u32 $0x1C00, s17;
	s1 =	sand.u32 $0x70, s4;
	v5 =	vor.u32 $0x80, v3  }
0x265: {  	s24 =	simm.s32 $0x0;
	s5 =	sor.u32 s0, s1  }
0x266: {  	s15 =	sand.u32 $0x60, s24;
	[tilespmem:s5+$0x10800] =	vst v0  }
0x267: {  	s11 =	sor.u32 s15, s0;
	v0 =	vld.idx.msk [tilespmem:v1+s14+$0x0], $0xffff  }
0x268: {  	v1 =	vor.u32 $0x100, v4;
	[tilespmem:s11+$0x10800] =	vst v2  }
0x269: {  	v2 =	vld.idx.msk [tilespmem:v5+s14+$0x0], $0xffff  }
0x26a: {  	s16 =	simm.s32 $0x20;
	v5 =	vor.u32 $0x100, v3  }
0x26b: {  	v6 =	vld [tilespmem:s16+$0x10]  }
0x26c: {  	[tilespmem:s5+$0x10880] =	vst v0  }
0x26d: {  	v0 =	vld.idx.msk [tilespmem:v1+s14+$0x0], $0xffff  }
0x26e: {  	v1 =	vor.u32 $0x180, v4;
	[tilespmem:s11+$0x10880] =	vst v2  }
0x26f: {  	v2 =	vld.idx.msk [tilespmem:v5+s14+$0x0], $0xffff  }
0x270: {  	v7 =	vor.u32 $0x180, v3;
	v5 =	vshll.u32 v6, $0x3  }
0x271: {  	v6 =	vand.u32 $0x7F, v6;
	v5 =	vand.u32 $0xFFFFFC00, v5  }
0x272: {  	v5 =	vor.u32 v6, v5;
	[tilespmem:s5+$0x10900] =	vst v0  }
0x273: {  	v0 =	vld.idx.msk [tilespmem:v1+s14+$0x0], $0xffff  }
0x274: {  	v1 =	vor.u32 $0x200, v4;
	[tilespmem:s11+$0x10900] =	vst v2  }
0x275: {  	v2 =	vld.idx.msk [tilespmem:v7+s14+$0x0], $0xffff  }
0x276: {  	v6 =	vor.u32 $0x200, v3  }
0x277: {  	v7 =	vld.idx.msk [tilespmem:v5+s14+$0x0], $0xffff  }
0x278: {  	[tilespmem:s5+$0x10980] =	vst v0;
	v0 =	vor.u32 $0x80, v5  }
0x279: {  	s2 =	simm.s32 $0x30;
	s0 =	simm.s32 $0x100;
	v1 =	vld.idx.msk [tilespmem:v1+s14+$0x0], $0xffff  }
0x27a: {  	s18 =	sand.u32 $0x70, s2;
	s6 =	sand.u32 $0x1C00, s0;
	v8 =	vor.u32 $0x280, v4;
	[tilespmem:s11+$0x10980] =	vst v2  }
0x27b: {  	s26 =	sor.u32 s6, s18;
	v2 =	vld.idx.msk [tilespmem:v6+s14+$0x0], $0xffff  }
0x27c: {  	[tilespmem:s26+$0x10800] =	vst v7;
	v6 =	vor.u32 $0x280, v3  }
0x27d: {  	v0 =	vld.idx.msk [tilespmem:v0+s14+$0x0], $0xffff  }
0x27e: {  	[tilespmem:s5+$0x10A00] =	vst v1;
	v1 =	vor.u32 $0x100, v5  }
0x27f: {  	v7 =	vld.idx.msk [tilespmem:v8+s14+$0x0], $0xffff  }
0x280: {  	v8 =	vor.u32 $0x300, v4;
	[tilespmem:s11+$0x10A00] =	vst v2  }
0x281: {  	v2 =	vld.idx.msk [tilespmem:v6+s14+$0x0], $0xffff  }
0x282: {  	[tilespmem:s26+$0x10880] =	vst v0;
	v0 =	vor.u32 $0x300, v3  }
0x283: {  	s3 =	simm.s32 $0x20;
	v1 =	vld.idx.msk [tilespmem:v1+s14+$0x0], $0xffff  }
0x284: {  	v6 =	vld [tilespmem:s3+$0x0];
	[tilespmem:s5+$0x10A80] =	vst v7;
	v7 =	vor.u32 $0x180, v5  }
0x285: {  	v8 =	vld.idx.msk [tilespmem:v8+s14+$0x0], $0xffff  }
0x286: {  	s19 =	sand.u32 $0x7, s17;
	v9 =	vor.u32 $0x380, v4;
	[tilespmem:s11+$0x10A80] =	vst v2  }
0x287: {  	s1 =	sshll.u32 s19, $0x4;
	v0 =	vld.idx.msk [tilespmem:v0+s14+$0x0], $0xffff  }
0x288: {  	s20 =	sand.u32 $0x3, s17;
	s1 =	sadd.s32 $0x10, s1;
	v2 =	vor.u32 $0x380, v3;
	[tilespmem:s26+$0x10900] =	vst v1  }
0x289: {  	s12 =	sor.u32 $0x300, s1;
	s3 =	sshll.u32 s20, $0x5;
	v1 =	vshll.u32 v6, $0x3;
	v7 =	vld.idx.msk [tilespmem:v7+s14+$0x0], $0xffff  }
0x28a: {  	s3 =	sadd.s32 $0x0, s3;
	v6 =	vand.u32 $0x7F, v6;
	v1 =	vand.u32 $0xFFFFFC00, v1;
	[tilespmem:s12+$0x10800] =	vst v8;
	v8 =	vor.u32 $0x200, v5  }
0x28b: {  	s19 =	sor.u32 $0x300, s3;
	v1 =	vor.u32 v6, v1;
	v9 =	vld.idx.msk [tilespmem:v9+s14+$0x0], $0xffff  }
0x28c: {  	v6 =	vadd.s32 $0x2000, v4;
	[tilespmem:s19+$0x10800] =	vst v0  }
0x28d: {  	v0 =	vld.idx.msk [tilespmem:v2+s14+$0x0], $0xffff  }
0x28e: {  	s25 =	sor.u32 s17, s4;
	v2 =	vadd.s32 $0x2000, v3;
	[tilespmem:s26+$0x10980] =	vst v7  }
0x28f: {  	s22 =	sor.u32 s24, s17;
	s18 =	sor.u32 $0x380, s25;
	v7 =	vld.idx.msk [tilespmem:v8+s14+$0x0], $0xffff  }
0x290: {  	s21 =	sor.u32 $0x380, s22;
	v8 =	vld.idx.msk [tilespmem:v1+s14+$0x0], $0xffff;
	[tilespmem:s18+$0x10800] =	vst v9  }
0x291: {  	v9 =	vor.u32 $0x280, v5;
	v6 =	vld.idx.msk [tilespmem:v6+s14+$0x0], $0xffff;
	[smem:$0x7E1] =	sst s21  }
0x292: {  	v10 =	vor.u32 $0x80, v1;
	[tilespmem:s21+$0x10800] =	vst v0  }
0x293: {  	s16 =	simm.s32 $0x20;
	v11 =	vadd.s32 $0x2080, v4;
	v0 =	vld.idx.msk [tilespmem:v2+s14+$0x0], $0xffff  }
0x294: {  	s23 =	sand.u32 $0x60, s16;
	v2 =	vadd.s32 $0x2080, v3  }
0x295: {  	s29 =	sor.u32 s23, s6;
	[tilespmem:s26+$0x10A00] =	vst v7  }
0x296: {  	[tilespmem:s29+$0x10800] =	vst v8;
	v7 =	vld.idx.msk [tilespmem:v9+s14+$0x0], $0xffff  }
0x297: {  	[tilespmem:s5+$0x12800] =	vst v6;
	v6 =	vld.idx.msk [tilespmem:v10+s14+$0x0], $0xffff  }
0x298: {  	v8 =	vor.u32 $0x300, v5;
	v9 =	vld.idx.msk [tilespmem:v11+s14+$0x0], $0xffff;
	[tilespmem:s11+$0x12800] =	vst v0  }
0x299: {  	v10 =	vor.u32 $0x100, v1;
	v2 =	vld.idx.msk [tilespmem:v2+s14+$0x0], $0xffff  }
0x29a: {  	s8 =	simm.s32 $0x2;
	s6 =	simm.s32 $0x40;
	v11 =	vadd.s32 $0x2100, v4  }
0x29b: {  	s7 =	simm.s32 $0x40;
	s4 =	sand.u32 $0x7, s8;
	v0 =	vld [tilespmem:s6+$0x10];
	[tilespmem:s26+$0x10A80] =	vst v7;
	v7 =	vadd.s32 $0x2100, v3  }
0x29c: {  	s4 =	sshll.u32 s4, $0x4;
	v13 =	vld [tilespmem:s7+$0x0];
	[tilespmem:s29+$0x10880] =	vst v6  }
0x29d: {  	s30 =	sadd.s32 $0x110, s4;
	v6 =	vld.idx.msk [tilespmem:v8+s14+$0x0], $0xffff;
	[tilespmem:s5+$0x12880] =	vst v9  }
0x29e: {  	s4 =	sor.u32 $0x300, s30;
	v8 =	vld.idx.msk [tilespmem:v10+s14+$0x0], $0xffff;
	v9 =	vor.u32 $0x380, v5;
	[tilespmem:s11+$0x12880] =	vst v2  }
0x29f: {  	v10 =	vor.u32 $0x180, v1;
	v11 =	vld.idx.msk [tilespmem:v11+s14+$0x0], $0xffff;
	[smem:$0x7E2] =	sst s4  }
0x2a0: {  	v12 =	vadd.s32 $0x2180, v4;
	v14 =	vshll.u32 v0, $0x3;
	v7 =	vld.idx.msk [tilespmem:v7+s14+$0x0], $0xffff  }
0x2a1: {  	v0 =	vand.u32 $0x7F, v0;
	v2 =	vand.u32 $0xFFFFFC00, v14  }
0x2a2: {  	v2 =	vor.u32 v0, v2;
	[tilespmem:s4+$0x10800] =	vst v6  }
0x2a3: {  	v6 =	vadd.s32 $0x2180, v3;
	[tilespmem:s29+$0x10900] =	vst v8;
	v8 =	vld.idx.msk [tilespmem:v9+s14+$0x0], $0xffff  }
0x2a4: {  	s21 =	sor.u32 s0, s2;
	[tilespmem:s5+$0x12900] =	vst v11;
	v9 =	vld.idx.msk [tilespmem:v10+s14+$0x0], $0xffff;
	v10 =	vadd.s32 $0x2000, v5  }
0x2a5: {  	s2 =	sor.u32 $0x380, s21;
	v0 =	vshll.u32 v13, $0x3;
	v11 =	vor.u32 $0x200, v1;
	v12 =	vld.idx.msk [tilespmem:v12+s14+$0x0], $0xffff;
	[tilespmem:s11+$0x12900] =	vst v7  }
0x2a6: {  	v14 =	vadd.s32 $0x2200, v4;
	v13 =	vand.u32 $0x7F, v13;
	v0 =	vand.u32 $0xFFFFFC00, v0;
	[smem:$0x7E3] =	sst s2  }
0x2a7: {  	v0 =	vor.u32 v13, v0;
	v7 =	vld.idx.msk [tilespmem:v2+s14+$0x0], $0xffff  }
0x2a8: {  	v6 =	vld.idx.msk [tilespmem:v6+s14+$0x0], $0xffff;
	[tilespmem:s2+$0x10800] =	vst v8;
	v8 =	vor.u32 $0x80, v2  }
0x2a9: {  	s23 =	simm.s32 $0x200;
	v13 =	vadd.s32 $0x2200, v3;
	[tilespmem:s29+$0x10980] =	vst v9;
	s2 =	simm.s32 $0x50;
	v9 =	vld.idx.msk [tilespmem:v10+s14+$0x0], $0xffff  }
0x2aa: {  	s9 =	sand.u32 $0x1C00, s23;
	[tilespmem:s5+$0x12980] =	vst v12;
	v10 =	vld.idx.msk [tilespmem:v11+s14+$0x0], $0xffff;
	v11 =	vadd.s32 $0x2080, v5;
	s10 =	sand.u32 $0x70, s2  }
0x2ab: {  	v12 =	vor.u32 $0x280, v1;
	v14 =	vld.idx.msk [tilespmem:v14+s14+$0x0], $0xffff;
	s28 =	sor.u32 s9, s10  }
0x2ac: {  	v15 =	vadd.s32 $0x2280, v4;
	v16 =	vld.idx.msk [tilespmem:v0+s14+$0x0], $0xffff;
	[tilespmem:s28+$0x10800] =	vst v7  }
0x2ad: {  	[tilespmem:s11+$0x12980] =	vst v6;
	v6 =	vor.u32 $0x80, v0;
	v7 =	vld.idx.msk [tilespmem:v8+s14+$0x0], $0xffff  }
0x2ae: {  	s15 =	simm.s32 $0x40;
	v8 =	vld.idx.msk [tilespmem:v13+s14+$0x0], $0xffff;
	[tilespmem:s26+$0x12800] =	vst v9;
	v9 =	vor.u32 $0x100, v2  }
0x2af: {  	s6 =	sand.u32 $0x60, s15;
	v13 =	vadd.s32 $0x2280, v3;
	[tilespmem:s29+$0x10A00] =	vst v10;
	v10 =	vld.idx.msk [tilespmem:v11+s14+$0x0], $0xffff  }
0x2b0: {  	s9 =	sor.u32 s6, s9;
	[tilespmem:s5+$0x12A00] =	vst v14;
	v11 =	vld.idx.msk [tilespmem:v12+s14+$0x0], $0xffff;
	v12 =	vadd.s32 $0x2100, v5  }
0x2b1: {  	[tilespmem:s9+$0x10800] =	vst v16;
	v14 =	vor.u32 $0x300, v1;
	v15 =	vld.idx.msk [tilespmem:v15+s14+$0x0], $0xffff  }
0x2b2: {  	v16 =	vadd.s32 $0x2300, v4;
	v6 =	vld.idx.msk [tilespmem:v6+s14+$0x0], $0xffff;
	[tilespmem:s28+$0x10880] =	vst v7  }
0x2b3: {  	[tilespmem:s11+$0x12A00] =	vst v8;
	v7 =	vor.u32 $0x100, v0;
	v8 =	vld.idx.msk [tilespmem:v9+s14+$0x0], $0xffff  }
0x2b4: {  	v9 =	vld.idx.msk [tilespmem:v13+s14+$0x0], $0xffff;
	[tilespmem:s26+$0x12880] =	vst v10  }
0x2b5: {  	v10 =	vor.u32 $0x180, v2;
	[tilespmem:s29+$0x10A80] =	vst v11;
	v11 =	vld.idx.msk [tilespmem:v12+s14+$0x0], $0xffff  }
0x2b6: {  	s20 =	simm.s32 $0x1;
	v13 =	vadd.s32 $0x2300, v3;
	[tilespmem:s5+$0x12A80] =	vst v15;
	v12 =	vld.idx.msk [tilespmem:v14+s14+$0x0], $0xffff  }
0x2b7: {  	s4 =	sand.u32 $0x3, s20;
	v14 =	vadd.s32 $0x2180, v5;
	v16 =	vld.idx.msk [tilespmem:v16+s14+$0x0], $0xffff;
	[tilespmem:s9+$0x10880] =	vst v6  }
0x2b8: {  	s4 =	sshll.u32 s4, $0x5;
	v15 =	vor.u32 $0x380, v1;
	v6 =	vld.idx.msk [tilespmem:v7+s14+$0x0], $0xffff;
	[tilespmem:s28+$0x10900] =	vst v8  }
0x2b9: {  	s20 =	sadd.s32 $0x100, s4;
	v4 =	vadd.s32 $0x2380, v4;
	[tilespmem:s11+$0x12A80] =	vst v9  }
0x2ba: {  	s8 =	sor.u32 $0x300, s20;
	v7 =	vor.u32 $0x180, v0;
	v8 =	vld.idx.msk [tilespmem:v10+s14+$0x0], $0xffff;
	[tilespmem:s26+$0x12900] =	vst v11  }
0x2bb: {  	s7 =	sor.u32 $0x2300, s1;
	v9 =	vld.idx.msk [tilespmem:v13+s14+$0x0], $0xffff;
	v10 =	vor.u32 $0x200, v2;
	[tilespmem:s8+$0x10800] =	vst v12  }
0x2bc: {  	v3 =	vadd.s32 $0x2380, v3;
	v11 =	vld.idx.msk [tilespmem:v14+s14+$0x0], $0xffff;
	[tilespmem:s7+$0x10800] =	vst v16  }
0x2bd: {  	s6 =	sor.u32 $0x2300, s3;
	v13 =	vadd.s32 $0x2200, v5;
	v12 =	vld.idx.msk [tilespmem:v15+s14+$0x0], $0xffff;
	[tilespmem:s9+$0x10900] =	vst v6  }
0x2be: {  	v14 =	vadd.s32 $0x2000, v1;
	v4 =	vld.idx.msk [tilespmem:v4+s14+$0x0], $0xffff;
	[smem:$0x7E4] =	sst s6  }
0x2bf: {  	v6 =	vld.idx.msk [tilespmem:v7+s14+$0x0], $0xffff;
	[tilespmem:s28+$0x10980] =	vst v8  }
0x2c0: {  	s0 =	sor.u32 s16, s0;
	[tilespmem:s6+$0x10800] =	vst v9;
	v7 =	vor.u32 $0x200, v0;
	v8 =	vld.idx.msk [tilespmem:v10+s14+$0x0], $0xffff  }
0x2c1: {  	s15 =	sor.u32 $0x380, s0;
	v9 =	vld.idx.msk [tilespmem:v3+s14+$0x0], $0xffff;
	[tilespmem:s26+$0x12980] =	vst v11;
	v3 =	vor.u32 $0x280, v2  }
0x2c2: {  	[tilespmem:s15+$0x10800] =	vst v12;
	v10 =	vld.idx.msk [tilespmem:v13+s14+$0x0], $0xffff  }
0x2c3: {  	s10 =	simm.s32 $0x60;
	v11 =	vld.idx.msk [tilespmem:v14+s14+$0x0], $0xffff  }
0x2c4: {  	v12 =	vadd.s32 $0x2280, v5;
	[tilespmem:s9+$0x10980] =	vst v6;
	v6 =	vld [tilespmem:s10+$0x10]  }
0x2c5: {  	v13 =	vadd.s32 $0x2080, v1;
	v7 =	vld.idx.msk [tilespmem:v7+s14+$0x0], $0xffff;
	[tilespmem:s28+$0x10A00] =	vst v8  }
0x2c6: {  	s6 =	sor.u32 $0x2380, s25;
	v8 =	vor.u32 $0x280, v0;
	v3 =	vld.idx.msk [tilespmem:v3+s14+$0x0], $0xffff  }
0x2c7: {  	v14 =	vld [tilespmem:s10+$0x0];
	[tilespmem:s6+$0x10800] =	vst v4  }
0x2c8: {  	v15 =	vld [tilespmem:s17+$0x410];
	[tilespmem:s26+$0x12A00] =	vst v10;
	v10 =	vor.u32 $0x300, v2  }
0x2c9: {  	[tilespmem:s29+$0x12800] =	vst v11;
	v11 =	vld.idx.msk [tilespmem:v12+s14+$0x0], $0xffff  }
0x2ca: {  	v4 =	vld.idx.msk [tilespmem:v13+s14+$0x0], $0xffff;
	v12 =	vadd.s32 $0x2300, v5;
	v13 =	vshll.u32 v6, $0x3;
	[tilespmem:s9+$0x10A00] =	vst v7  }
0x2cb: {  	v16 =	vadd.s32 $0x2100, v1;
	s17 =	sor.u32 $0x2380, s22;
	v6 =	vand.u32 $0x7F, v6;
	v7 =	vand.u32 $0xFFFFFC00, v13;
	v8 =	vld.idx.msk [tilespmem:v8+s14+$0x0], $0xffff;
	[tilespmem:s28+$0x10A80] =	vst v3  }
0x2cc: {  	s22 =	sand.u32 $0x3E0, s24;
	s24 =	simm.s32 $0x4;
	v3 =	vor.u32 v6, v7;
	[dreg:$0x5] =	wrdreg s17  }
0x2cd: {  	s25 =	sand.u32 $0x7, s24;
	[tilespmem:s17+$0x10800] =	vst v9;
	v9 =	vld.idx.msk [tilespmem:v10+s14+$0x0], $0xffff  }
0x2ce: {  	s1 =	sshll.u32 s25, $0x4;
	v6 =	vor.u32 $0x300, v0;
	v10 =	vshll.u32 v14, $0x3;
	[tilespmem:s26+$0x12A80] =	vst v11;
	v7 =	vld [tilespmem:s22+$0x400]  }
0x2cf: {  	v13 =	vand.u32 $0x7F, v14;
	v11 =	vor.u32 $0x380, v2;
	[tilespmem:s29+$0x12880] =	vst v4;
	s17 =	sadd.s32 $0x210, s1;
	v10 =	vand.u32 $0xFFFFFC00, v10;
	v12 =	vld.idx.msk [tilespmem:v12+s14+$0x0], $0xffff  }
0x2d0: {  	s4 =	sor.u32 $0x300, s17;
	v4 =	vor.u32 v13, v10;
	v10 =	vld.idx.msk [tilespmem:v16+s14+$0x0], $0xffff;
	[tilespmem:s9+$0x10A80] =	vst v8  }
0x2d1: {  	v8 =	vld.idx.msk [tilespmem:v3+s14+$0x0], $0xffff;
	[smem:$0x7E5] =	sst s4  }
0x2d2: {  	s10 =	sor.u32 $0x2300, s30;
	v5 =	vadd.s32 $0x2380, v5;
	[tilespmem:s4+$0x10800] =	vst v9  }
0x2d3: {  	s3 =	simm.s32 $0x2;
	v13 =	vadd.s32 $0x2180, v1;
	v6 =	vld.idx.msk [tilespmem:v6+s14+$0x0], $0xffff;
	[smem:$0x7E6] =	sst s10  }
0x2d4: {  	s1 =	sand.u32 $0x3, s3;
	s3 =	simm.s32 $0x300;
	v9 =	vor.u32 $0x80, v3;
	s4 =	simm.s32 $0x70;
	v11 =	vld.idx.msk [tilespmem:v11+s14+$0x0], $0xffff  }
0x2d5: {  	v14 =	vor.u32 $0x380, v0;
	s1 =	sshll.u32 s1, $0x5;
	s31 =	sand.u32 $0x1C00, s3;
	[tilespmem:s10+$0x10800] =	vst v12;
	s10 =	sand.u32 $0x70, s4  }
0x2d6: {  	s1 =	sadd.s32 $0x200, s1;
	v12 =	vadd.s32 $0x2000, v2;
	v16 =	vld.idx.msk [tilespmem:v4+s14+$0x0], $0xffff;
	[tilespmem:s29+$0x12900] =	vst v10;
	s30 =	sor.u32 s31, s10  }
0x2d7: {  	s2 =	sor.u32 s23, s2;
	s24 =	sor.u32 $0x300, s1;
	v10 =	vor.u32 $0x80, v4;
	v5 =	vld.idx.msk [tilespmem:v5+s14+$0x0], $0xffff;
	[tilespmem:s30+$0x10800] =	vst v8  }
0x2d8: {  	s25 =	sor.u32 $0x380, s2;
	s22 =	simm.s32 $0x60;
	v13 =	vld.idx.msk [tilespmem:v13+s14+$0x0], $0xffff;
	[tilespmem:s24+$0x10800] =	vst v6  }
0x2d9: {  	s21 =	sor.u32 $0x2380, s21;
	s10 =	sand.u32 $0x60, s22;
	v9 =	vld.idx.msk [tilespmem:v9+s14+$0x0], $0xffff;
	[tilespmem:s25+$0x10800] =	vst v11  }
0x2da: {  	v8 =	vadd.s32 $0x2200, v1;
	s31 =	sor.u32 s10, s31;
	v14 =	vld.idx.msk [tilespmem:v14+s14+$0x0], $0xffff;
	[smem:$0x7E7] =	sst s21  }
0x2db: {  	v11 =	vor.u32 $0x100, v3;
	v12 =	vld.idx.msk [tilespmem:v12+s14+$0x0], $0xffff;
	[tilespmem:s31+$0x10800] =	vst v16  }
0x2dc: {  	v17 =	vadd.s32 $0x2000, v0;
	[tilespmem:s21+$0x10800] =	vst v5;
	s21 =	simm.s32 $0x20;
	v10 =	vld.idx.msk [tilespmem:v10+s14+$0x0], $0xffff  }
0x2dd: {  	v18 =	vadd.s32 $0x2080, v2;
	v16 =	vshll.u32 v15, $0x3;
	v6 =	vld [tilespmem:s21+$0x410];
	s21 =	simm.s32 $0x40  }
0x2de: {  	v5 =	vand.u32 $0x7F, v15;
	[tilespmem:s29+$0x12980] =	vst v13;
	v13 =	vor.u32 $0x100, v4;
	v15 =	vand.u32 $0xFFFFFC00, v16;
	s10 =	sor.u32 s21, s23  }
0x2df: {  	v8 =	vld.idx.msk [tilespmem:v8+s14+$0x0], $0xffff;
	[tilespmem:s30+$0x10880] =	vst v9;
	v5 =	vor.u32 v5, v15;
	s23 =	sor.u32 $0x380, s10  }
0x2e0: {  	v9 =	vadd.s32 $0x2280, v1;
	v11 =	vld.idx.msk [tilespmem:v11+s14+$0x0], $0xffff;
	[tilespmem:s23+$0x10800] =	vst v14  }
0x2e1: {  	v14 =	vld.idx.msk [tilespmem:v17+s14+$0x0], $0xffff;
	[tilespmem:s28+$0x12800] =	vst v12;
	v12 =	vor.u32 $0x180, v3  }
0x2e2: {  	v15 =	vadd.s32 $0x2080, v0;
	v16 =	vld.idx.msk [tilespmem:v18+s14+$0x0], $0xffff;
	[tilespmem:s31+$0x10880] =	vst v10  }
0x2e3: {  	v10 =	vadd.s32 $0x2100, v2;
	v13 =	vld.idx.msk [tilespmem:v13+s14+$0x0], $0xffff  }
0x2e4: {  	[tilespmem:s29+$0x12A00] =	vst v8;
	v8 =	vor.u32 $0x180, v4;
	v17 =	vld.idx.msk [tilespmem:v5+s14+$0x0], $0xffff  }
0x2e5: {  	v18 =	vor.u32 $0x80, v5;
	v9 =	vld.idx.msk [tilespmem:v9+s14+$0x0], $0xffff;
	[tilespmem:s30+$0x10900] =	vst v11  }
0x2e6: {  	v11 =	vadd.s32 $0x2300, v1;
	[tilespmem:s9+$0x12800] =	vst v14;
	v12 =	vld.idx.msk [tilespmem:v12+s14+$0x0], $0xffff  }
0x2e7: {  	v14 =	vld.idx.msk [tilespmem:v15+s14+$0x0], $0xffff;
	[tilespmem:s28+$0x12880] =	vst v16;
	v15 =	vor.u32 $0x200, v3  }
0x2e8: {  	v16 =	vadd.s32 $0x2100, v0;
	v10 =	vld.idx.msk [tilespmem:v10+s14+$0x0], $0xffff;
	[tilespmem:s31+$0x10900] =	vst v13  }
0x2e9: {  	[tilespmem:s5+$0x14800] =	vst v17;
	v13 =	vadd.s32 $0x2180, v2;
	v8 =	vld.idx.msk [tilespmem:v8+s14+$0x0], $0xffff  }
0x2ea: {  	[tilespmem:s29+$0x12A80] =	vst v9;
	v9 =	vor.u32 $0x200, v4;
	v17 =	vld.idx.msk [tilespmem:v18+s14+$0x0], $0xffff  }
0x2eb: {  	v18 =	vor.u32 $0x100, v5;
	v11 =	vld.idx.msk [tilespmem:v11+s14+$0x0], $0xffff;
	[tilespmem:s30+$0x10980] =	vst v12  }
0x2ec: {  	[tilespmem:s9+$0x12880] =	vst v14;
	v12 =	vld.idx.msk [tilespmem:v15+s14+$0x0], $0xffff  }
0x2ed: {  	v1 =	vadd.s32 $0x2380, v1;
	v14 =	vld.idx.msk [tilespmem:v16+s14+$0x0], $0xffff;
	[tilespmem:s28+$0x12900] =	vst v10  }
0x2ee: {  	v10 =	vor.u32 $0x280, v3;
	v13 =	vld.idx.msk [tilespmem:v13+s14+$0x0], $0xffff;
	[tilespmem:s31+$0x10980] =	vst v8  }
0x2ef: {  	s20 =	sor.u32 $0x2300, s20;
	v15 =	vadd.s32 $0x2180, v0;
	[tilespmem:s5+$0x14880] =	vst v17;
	v9 =	vld.idx.msk [tilespmem:v9+s14+$0x0], $0xffff  }
0x2f0: {  	v8 =	vadd.s32 $0x2200, v2;
	v16 =	vld.idx.msk [tilespmem:v18+s14+$0x0], $0xffff;
	[dreg:$0xb] =	wrdreg s20  }
0x2f1: {  	[tilespmem:s20+$0x10800] =	vst v11;
	v11 =	vor.u32 $0x280, v4  }
0x2f2: {  	v17 =	vor.u32 $0x180, v5;
	v1 =	vld.idx.msk [tilespmem:v1+s14+$0x0], $0xffff;
	[tilespmem:s30+$0x10A00] =	vst v12  }
0x2f3: {  	[tilespmem:s9+$0x12900] =	vst v14;
	v10 =	vld.idx.msk [tilespmem:v10+s14+$0x0], $0xffff  }
0x2f4: {  	v12 =	vld.idx.msk [tilespmem:v15+s14+$0x0], $0xffff;
	[tilespmem:s28+$0x12980] =	vst v13;
	v13 =	vor.u32 $0x300, v3  }
0x2f5: {  	v14 =	vadd.s32 $0x2200, v0;
	v8 =	vld.idx.msk [tilespmem:v8+s14+$0x0], $0xffff;
	[tilespmem:s31+$0x10A00] =	vst v9  }
0x2f6: {  	s21 =	sor.u32 $0x2380, s0;
	[tilespmem:s5+$0x14900] =	vst v16;
	v9 =	vadd.s32 $0x2280, v2;
	v11 =	vld.idx.msk [tilespmem:v11+s14+$0x0], $0xffff  }
0x2f7: {  	s20 =	sand.u32 $0x3E0, s16;
	v15 =	vshll.u32 v7, $0x3;
	v16 =	vld.idx.msk [tilespmem:v17+s14+$0x0], $0xffff;
	v17 =	vor.u32 $0x300, v4;
	[tilespmem:s21+$0x10800] =	vst v1  }
0x2f8: {  	v1 =	vand.u32 $0x7F, v7;
	v7 =	vand.u32 $0xFFFFFC00, v15;
	v15 =	vor.u32 $0x200, v5;
	v18 =	vld [tilespmem:s20+$0x400];
	[tilespmem:s30+$0x10A80] =	vst v10  }
0x2f9: {  	s16 =	simm.s32 $0x6;
	v1 =	vor.u32 v1, v7;
	[tilespmem:s9+$0x12980] =	vst v12;
	v7 =	vld.idx.msk [tilespmem:v13+s14+$0x0], $0xffff  }
0x2fa: {  	s0 =	sand.u32 $0x7, s16;
	v10 =	vld.idx.msk [tilespmem:v14+s14+$0x0], $0xffff;
	[tilespmem:s28+$0x12A00] =	vst v8  }
0x2fb: {  	s0 =	sshll.u32 s0, $0x4;
	v8 =	vor.u32 $0x380, v3;
	v9 =	vld.idx.msk [tilespmem:v9+s14+$0x0], $0xffff;
	[tilespmem:s31+$0x10A80] =	vst v11  }
0x2fc: {  	s0 =	sadd.s32 $0x310, s0;
	s20 =	simm.s32 $0x3;
	v12 =	vadd.s32 $0x2280, v0;
	[tilespmem:s5+$0x14980] =	vst v16;
	v13 =	vld.idx.msk [tilespmem:v17+s14+$0x0], $0xffff  }
0x2fd: {  	s16 =	sand.u32 $0x3, s20;
	s20 =	sor.u32 $0x300, s0;
	v11 =	vadd.s32 $0x2300, v2;
	v14 =	vld.idx.msk [tilespmem:v15+s14+$0x0], $0xffff  }
0x2fe: {  	v16 =	vld.idx.msk [tilespmem:v1+s14+$0x0], $0xffff;
	[dreg:$0xd] =	wrdreg s20  }
0x2ff: {  	s16 =	sshll.u32 s16, $0x5;
	v15 =	vor.u32 $0x380, v4;
	[tilespmem:s20+$0x10800] =	vst v7  }
0x300: {  	s16 =	sadd.s32 $0x300, s16;
	v17 =	vor.u32 $0x280, v5;
	[tilespmem:s9+$0x12A00] =	vst v10;
	v8 =	vld.idx.msk [tilespmem:v8+s14+$0x0], $0xffff  }
0x301: {  	v7 =	vor.u32 $0x80, v1;
	s20 =	sor.u32 $0x300, s16;
	v10 =	vld.idx.msk [tilespmem:v12+s14+$0x0], $0xffff;
	[tilespmem:s28+$0x12A80] =	vst v9  }
0x302: {  	v11 =	vld.idx.msk [tilespmem:v11+s14+$0x0], $0xffff;
	[dreg:$0xf] =	wrdreg s20  }
0x303: {  	v9 =	vadd.s32 $0x2000, v3;
	[tilespmem:s20+$0x10800] =	vst v13  }
0x304: {  	s4 =	sor.u32 s3, s4;
	v12 =	vadd.s32 $0x2300, v0;
	[tilespmem:s5+$0x14A00] =	vst v14;
	v13 =	vld.idx.msk [tilespmem:v15+s14+$0x0], $0xffff  }
0x305: {  	v2 =	vadd.s32 $0x2380, v2;
	[tilespmem:s11+$0x14800] =	vst v16;
	s20 =	sor.u32 $0x380, s4;
	v14 =	vld.idx.msk [tilespmem:v17+s14+$0x0], $0xffff  }
0x306: {  	v7 =	vld.idx.msk [tilespmem:v7+s14+$0x0], $0xffff;
	[dreg:$0x11] =	wrdreg s20  }
0x307: {  	[tilespmem:s20+$0x10800] =	vst v8  }
0x308: {  	v15 =	vadd.s32 $0x2000, v4;
	s20 =	sor.u32 s22, s3;
	s3 =	sor.u32 $0x2300, s17;
	[tilespmem:s9+$0x12A80] =	vst v10;
	v9 =	vld.idx.msk [tilespmem:v9+s14+$0x0], $0xffff  }
0x309: {  	v16 =	vor.u32 $0x300, v5;
	s17 =	sor.u32 $0x380, s20;
	v10 =	vld.idx.msk [tilespmem:v12+s14+$0x0], $0xffff;
	[tilespmem:s3+$0x10800] =	vst v11  }
0x30a: {  	v8 =	vor.u32 $0x100, v1;
	v2 =	vld.idx.msk [tilespmem:v2+s14+$0x0], $0xffff;
	[dreg:$0x13] =	wrdreg s17  }
0x30b: {  	v11 =	vadd.s32 $0x2080, v3;
	[tilespmem:s17+$0x10800] =	vst v13  }
0x30c: {  	v0 =	vadd.s32 $0x2380, v0;
	[tilespmem:s5+$0x14A80] =	vst v14  }
0x30d: {  	[tilespmem:s11+$0x14880] =	vst v7;
	v12 =	vld.idx.msk [tilespmem:v15+s14+$0x0], $0xffff  }
0x30e: {  	s1 =	sor.u32 $0x2300, s1;
	v7 =	vld.idx.msk [tilespmem:v16+s14+$0x0], $0xffff;
	[tilespmem:s30+$0x12800] =	vst v9  }
0x30f: {  	v13 =	vadd.s32 $0x2080, v4;
	v8 =	vld.idx.msk [tilespmem:v8+s14+$0x0], $0xffff;
	[dreg:$0x7] =	wrdreg s1  }
0x310: {  	v14 =	vor.u32 $0x380, v5;
	s17 =	sor.u32 $0x2380, s2;
	[tilespmem:s1+$0x10800] =	vst v10;
	v10 =	vld.idx.msk [tilespmem:v11+s14+$0x0], $0xffff  }
0x311: {  	v9 =	vor.u32 $0x180, v1;
	v15 =	vld.idx.msk [tilespmem:v0+s14+$0x0], $0xffff;
	[dreg:$0x9] =	wrdreg s17  }
0x312: {  	v11 =	vshll.u32 v6, $0x3;
	[tilespmem:s17+$0x10800] =	vst v2;
	v2 =	vadd.s32 $0x2100, v3  }
0x313: {  	v6 =	vand.u32 $0x7F, v6;
	v11 =	vand.u32 $0xFFFFFC00, v11;
	[tilespmem:s31+$0x12800] =	vst v12  }
0x314: {  	[tilespmem:s12+$0x14800] =	vst v7;
	v6 =	vor.u32 v6, v11;
	v11 =	vld.idx.msk [tilespmem:v13+s14+$0x0], $0xffff  }
0x315: {  	[tilespmem:s11+$0x14900] =	vst v8;
	v12 =	vadd.s32 $0x2100, v4;
	v8 =	vld.idx.msk [tilespmem:v14+s14+$0x0], $0xffff  }
0x316: {  	s17 =	sor.u32 $0x2380, s10;
	v9 =	vld.idx.msk [tilespmem:v9+s14+$0x0], $0xffff;
	v13 =	vadd.s32 $0x2000, v5;
	[tilespmem:s30+$0x12880] =	vst v10  }
0x317: {  	v14 =	vshll.u32 v18, $0x3;
	v10 =	vor.u32 $0x200, v1;
	[tilespmem:s17+$0x10800] =	vst v15;
	v15 =	vld.idx.msk [tilespmem:v2+s14+$0x0], $0xffff  }
0x318: {  	v16 =	vadd.s32 $0x2180, v3;
	v14 =	vand.u32 $0xFFFFFC00, v14;
	v2 =	vand.u32 $0x7F, v18  }
0x319: {  	v2 =	vor.u32 v2, v14;
	v14 =	vld.idx.msk [tilespmem:v6+s14+$0x0], $0xffff;
	[tilespmem:s31+$0x12880] =	vst v11  }
0x31a: {  	[tilespmem:s18+$0x14800] =	vst v8;
	v8 =	vor.u32 $0x80, v6;
	v11 =	vld.idx.msk [tilespmem:v12+s14+$0x0], $0xffff  }
0x31b: {  	[tilespmem:s11+$0x14980] =	vst v9;
	v9 =	vld.idx.msk [tilespmem:v13+s14+$0x0], $0xffff;
	v12 =	vadd.s32 $0x2180, v4  }
0x31c: {  	v13 =	vadd.s32 $0x2080, v5;
	v10 =	vld.idx.msk [tilespmem:v10+s14+$0x0], $0xffff;
	[tilespmem:s30+$0x12900] =	vst v15  }
0x31d: {  	v15 =	vor.u32 $0x280, v1;
	v16 =	vld.idx.msk [tilespmem:v16+s14+$0x0], $0xffff  }
0x31e: {  	v17 =	vld.idx.msk [tilespmem:v2+s14+$0x0], $0xffff;
	[tilespmem:s26+$0x14800] =	vst v14;
	v14 =	vadd.s32 $0x2200, v3  }
0x31f: {  	v18 =	vor.u32 $0x80, v2;
	v8 =	vld.idx.msk [tilespmem:v8+s14+$0x0], $0xffff;
	[tilespmem:s31+$0x12900] =	vst v11  }
0x320: {  	[tilespmem:s5+$0x16800] =	vst v9;
	v9 =	vor.u32 $0x100, v6;
	v11 =	vld.idx.msk [tilespmem:v12+s14+$0x0], $0xffff  }
0x321: {  	[tilespmem:s11+$0x14A00] =	vst v10;
	v10 =	vld.idx.msk [tilespmem:v13+s14+$0x0], $0xffff;
	v12 =	vadd.s32 $0x2200, v4  }
0x322: {  	v13 =	vld.idx.msk [tilespmem:v15+s14+$0x0], $0xffff;
	v15 =	vadd.s32 $0x2100, v5;
	[tilespmem:s30+$0x12980] =	vst v16  }
0x323: {  	v16 =	vor.u32 $0x300, v1;
	[tilespmem:s29+$0x14800] =	vst v17;
	v14 =	vld.idx.msk [tilespmem:v14+s14+$0x0], $0xffff  }
0x324: {  	v17 =	vld.idx.msk [tilespmem:v18+s14+$0x0], $0xffff;
	[tilespmem:s26+$0x14880] =	vst v8;
	v8 =	vadd.s32 $0x2280, v3  }
0x325: {  	v18 =	vor.u32 $0x100, v2;
	v9 =	vld.idx.msk [tilespmem:v9+s14+$0x0], $0xffff;
	[tilespmem:s31+$0x12980] =	vst v11  }
0x326: {  	[tilespmem:s5+$0x16880] =	vst v10;
	v10 =	vor.u32 $0x180, v6;
	v11 =	vld.idx.msk [tilespmem:v12+s14+$0x0], $0xffff  }
0x327: {  	[tilespmem:s11+$0x14A80] =	vst v13;
	v12 =	vld.idx.msk [tilespmem:v15+s14+$0x0], $0xffff;
	v13 =	vadd.s32 $0x2280, v4  }
0x328: {  	v15 =	vld.idx.msk [tilespmem:v16+s14+$0x0], $0xffff;
	v16 =	vadd.s32 $0x2180, v5;
	[tilespmem:s30+$0x12A00] =	vst v14  }
0x329: {  	[tilespmem:s29+$0x14880] =	vst v17;
	v8 =	vld.idx.msk [tilespmem:v8+s14+$0x0], $0xffff  }
0x32a: {  	v17 =	vld.idx.msk [tilespmem:v18+s14+$0x0], $0xffff;
	[tilespmem:s26+$0x14900] =	vst v9  }
0x32b: {  	v10 =	vld.idx.msk [tilespmem:v10+s14+$0x0], $0xffff;
	[tilespmem:s31+$0x12A00] =	vst v11  }
0x32c: {  	v14 =	vor.u32 $0x380, v1;
	[tilespmem:s5+$0x16900] =	vst v12;
	v12 =	vld.idx.msk [tilespmem:v13+s14+$0x0], $0xffff  }
0x32d: {  	v9 =	vadd.s32 $0x2300, v3;
	[tilespmem:s19+$0x14800] =	vst v15;
	v13 =	vld.idx.msk [tilespmem:v16+s14+$0x0], $0xffff  }
0x32e: {  	s2 =	simm.s32 $0x40;
	s12 =	simm.s32 $0x40;
	v18 =	vor.u32 $0x180, v2;
	[tilespmem:s30+$0x12A80] =	vst v8  }
0x32f: {  	v0 =	vld [tilespmem:s2+$0x410];
	s1 =	sand.u32 $0x3E0, s12;
	v11 =	vor.u32 $0x200, v6;
	[tilespmem:s29+$0x14900] =	vst v17  }
0x330: {  	v7 =	vld [tilespmem:s1+$0x400];
	v15 =	vadd.s32 $0x2300, v4;
	[tilespmem:s26+$0x14980] =	vst v10  }
0x331: {  	v16 =	vadd.s32 $0x2200, v5;
	v14 =	vld.idx.msk [tilespmem:v14+s14+$0x0], $0xffff;
	[tilespmem:s31+$0x12A80] =	vst v12  }
0x332: {  	v8 =	vadd.s32 $0x2000, v1;
	v9 =	vld.idx.msk [tilespmem:v9+s14+$0x0], $0xffff;
	[tilespmem:s5+$0x16980] =	vst v13  }
0x333: {  	v17 =	vld.idx.msk [tilespmem:v18+s14+$0x0], $0xffff;
	s2 =	sld [smem:$0x7E1]  }
0x334: {  	v3 =	vadd.s32 $0x2380, v3;
	v11 =	vld.idx.msk [tilespmem:v11+s14+$0x0], $0xffff  }
0x335: {  	v10 =	vor.u32 $0x200, v2;
	v13 =	vld.idx.msk [tilespmem:v15+s14+$0x0], $0xffff  }
0x336: {  	s0 =	sor.u32 $0x2300, s0;
	v12 =	vor.u32 $0x280, v6;
	[tilespmem:s2+$0x14800] =	vst v14;
	v14 =	vld.idx.msk [tilespmem:v16+s14+$0x0], $0xffff  }
0x337: {  	v4 =	vadd.s32 $0x2380, v4;
	v8 =	vld.idx.msk [tilespmem:v8+s14+$0x0], $0xffff;
	[dreg:$0x15] =	wrdreg s0  }
0x338: {  	v15 =	vadd.s32 $0x2280, v5;
	[tilespmem:s0+$0x10800] =	vst v9  }
0x339: {  	v9 =	vadd.s32 $0x2080, v1;
	[tilespmem:s29+$0x14980] =	vst v17;
	v3 =	vld.idx.msk [tilespmem:v3+s14+$0x0], $0xffff  }
0x33a: {  	s18 =	sor.u32 $0x2300, s16;
	[tilespmem:s26+$0x14A00] =	vst v11;
	v10 =	vld.idx.msk [tilespmem:v10+s14+$0x0], $0xffff  }
0x33b: {  	v16 =	vor.u32 $0x280, v2;
	[tilespmem:s18+$0x10800] =	vst v13;
	v12 =	vld.idx.msk [tilespmem:v12+s14+$0x0], $0xffff  }
0x33c: {  	v4 =	vld.idx.msk [tilespmem:v4+s14+$0x0], $0xffff;
	[tilespmem:s5+$0x16A00] =	vst v14  }
0x33d: {  	s4 =	sor.u32 $0x2380, s4;
	[tilespmem:s11+$0x16800] =	vst v8;
	v8 =	vld.idx.msk [tilespmem:v15+s14+$0x0], $0xffff  }
0x33e: {  	v9 =	vld.idx.msk [tilespmem:v9+s14+$0x0], $0xffff;
	[dreg:$0x17] =	wrdreg s4  }
0x33f: {  	v13 =	vor.u32 $0x300, v6;
	[tilespmem:s29+$0x14A00] =	vst v10  }
0x340: {  	[tilespmem:s4+$0x10800] =	vst v3;
	v3 =	vadd.s32 $0x2100, v1;
	v10 =	vld.idx.msk [tilespmem:v16+s14+$0x0], $0xffff  }
0x341: {  	s12 =	sor.u32 $0x2380, s20;
	[tilespmem:s26+$0x14A80] =	vst v12  }
0x342: {  	s10 =	simm.s32 $0x60;
	v14 =	vadd.s32 $0x2300, v5;
	[tilespmem:s12+$0x10800] =	vst v4  }
0x343: {  	v15 =	vshll.u32 v0, $0x3;
	v11 =	vld [tilespmem:s10+$0x410];
	[tilespmem:s5+$0x16A80] =	vst v8  }
0x344: {  	v0 =	vand.u32 $0x7F, v0;
	v12 =	vor.u32 $0x300, v2;
	v13 =	vld.idx.msk [tilespmem:v13+s14+$0x0], $0xffff;
	v8 =	vand.u32 $0xFFFFFC00, v15;
	[tilespmem:s11+$0x16880] =	vst v9  }
0x345: {  	s20 =	sand.u32 $0x3E0, s22;
	v0 =	vor.u32 v0, v8;
	v3 =	vld.idx.msk [tilespmem:v3+s14+$0x0], $0xffff;
	[tilespmem:s29+$0x14A80] =	vst v10  }
0x346: {  	v4 =	vor.u32 $0x380, v6;
	v20 =	vld [tilespmem:s20+$0x400];
	s2 =	sld [smem:$0x7E2]  }
0x347: {  	s22 =	simm.s32 $0x80;
	v9 =	vld.idx.msk [tilespmem:v14+s14+$0x0], $0xffff  }
0x348: {  	v14 =	vld [tilespmem:s22+$0x10];
	v10 =	vshll.u32 v7, $0x3  }
0x349: {  	v8 =	vadd.s32 $0x2180, v1;
	v7 =	vand.u32 $0x7F, v7;
	v10 =	vand.u32 $0xFFFFFC00, v10;
	[tilespmem:s2+$0x14800] =	vst v13;
	v13 =	vld.idx.msk [tilespmem:v12+s14+$0x0], $0xffff  }
0x34a: {  	v5 =	vadd.s32 $0x2380, v5;
	s4 =	simm.s32 $0x80;
	v12 =	vor.u32 v7, v10;
	v10 =	vld.idx.msk [tilespmem:v0+s14+$0x0], $0xffff;
	[tilespmem:s11+$0x16900] =	vst v3  }
0x34b: {  	v4 =	vld.idx.msk [tilespmem:v4+s14+$0x0], $0xffff;
	[dreg:$0x19] =	wrdreg s4  }
0x34c: {  	v7 =	vadd.s32 $0x2000, v6;
	[tilespmem:s7+$0x14800] =	vst v9  }
0x34d: {  	v15 =	vor.u32 $0x80, v0;
	v3 =	vld [tilespmem:s22+$0x0];
	s5 =	sld [smem:$0x7E3]  }
0x34e: {  	v9 =	vor.u32 $0x380, v2;
	v16 =	vld.idx.msk [tilespmem:v8+s14+$0x0], $0xffff;
	v8 =	vshll.u32 v14, $0x3  }
0x34f: {  	v17 =	vadd.s32 $0x2200, v1;
	v14 =	vand.u32 $0x7F, v14;
	v5 =	vld.idx.msk [tilespmem:v5+s14+$0x0], $0xffff;
	v8 =	vand.u32 $0xFFFFFC00, v8  }
0x350: {  	v8 =	vor.u32 v14, v8;
	[tilespmem:s5+$0x14800] =	vst v4;
	v4 =	vld.idx.msk [tilespmem:v12+s14+$0x0], $0xffff  }
0x351: {  	v14 =	vor.u32 $0x80, v12;
	[tilespmem:s28+$0x14800] =	vst v10;
	v7 =	vld.idx.msk [tilespmem:v7+s14+$0x0], $0xffff  }
0x352: {  	[tilespmem:s8+$0x14800] =	vst v13;
	v10 =	vadd.s32 $0x2080, v6;
	v15 =	vld.idx.msk [tilespmem:v15+s14+$0x0], $0xffff;
	v13 =	vshll.u32 v3, $0x3  }
0x353: {  	v9 =	vld.idx.msk [tilespmem:v9+s14+$0x0], $0xffff;
	[tilespmem:s11+$0x16980] =	vst v16;
	v3 =	vand.u32 $0x7F, v3;
	v16 =	vor.u32 $0x100, v0;
	v13 =	vand.u32 $0xFFFFFC00, v13  }
0x354: {  	[tilespmem:s6+$0x14800] =	vst v5;
	v5 =	vld.idx.msk [tilespmem:v17+s14+$0x0], $0xffff;
	v13 =	vor.u32 v3, v13  }
0x355: {  	v3 =	vadd.s32 $0x2280, v1;
	[tilespmem:s9+$0x14800] =	vst v4;
	v4 =	vld.idx.msk [tilespmem:v8+s14+$0x0], $0xffff  }
0x356: {  	[tilespmem:s26+$0x16800] =	vst v7;
	v7 =	vld.idx.msk [tilespmem:v14+s14+$0x0], $0xffff;
	v14 =	vor.u32 $0x80, v8  }
0x357: {  	s19 =	simm.s32 $0x90;
	s4 =	simm.s32 $0x400;
	v17 =	vor.u32 $0x100, v12;
	[tilespmem:s28+$0x14880] =	vst v15;
	v10 =	vld.idx.msk [tilespmem:v10+s14+$0x0], $0xffff  }
0x358: {  	s7 =	sand.u32 $0x70, s19;
	s6 =	sand.u32 $0x1C00, s4;
	[tilespmem:s15+$0x14800] =	vst v9;
	v9 =	vadd.s32 $0x2100, v6;
	v15 =	vld.idx.msk [tilespmem:v16+s14+$0x0], $0xffff  }
0x359: {  	s5 =	sor.u32 s6, s7;
	v16 =	vor.u32 $0x180, v0;
	[tilespmem:s11+$0x16A00] =	vst v5;
	v5 =	vld.idx.msk [tilespmem:v13+s14+$0x0], $0xffff  }
0x35a: {  	v18 =	vor.u32 $0x80, v13;
	v3 =	vld.idx.msk [tilespmem:v3+s14+$0x0], $0xffff;
	[tilespmem:s5+$0x10800] =	vst v4  }
0x35b: {  	s8 =	simm.s32 $0x80;
	v14 =	vld.idx.msk [tilespmem:v14+s14+$0x0], $0xffff;
	[tilespmem:s9+$0x14880] =	vst v7  }
0x35c: {  	s15 =	sand.u32 $0x60, s8;
	[tilespmem:s26+$0x16880] =	vst v10;
	v7 =	vld.idx.msk [tilespmem:v17+s14+$0x0], $0xffff  }
0x35d: {  	s15 =	sor.u32 s15, s6;
	[tilespmem:s28+$0x14900] =	vst v15;
	v10 =	vor.u32 $0x100, v8;
	v9 =	vld.idx.msk [tilespmem:v9+s14+$0x0], $0xffff  }
0x35e: {  	v4 =	vadd.s32 $0x2300, v1;
	[tilespmem:s15+$0x10800] =	vst v5;
	v5 =	vld.idx.msk [tilespmem:v16+s14+$0x0], $0xffff  }
0x35f: {  	v17 =	vor.u32 $0x180, v12;
	[tilespmem:s11+$0x16A80] =	vst v3;
	v3 =	vld.idx.msk [tilespmem:v18+s14+$0x0], $0xffff  }
0x360: {  	v15 =	vadd.s32 $0x2180, v6;
	[tilespmem:s5+$0x10880] =	vst v14  }
0x361: {  	v14 =	vadd.s32 $0x2000, v2;
	[tilespmem:s9+$0x14900] =	vst v7  }
0x362: {  	v16 =	vor.u32 $0x200, v0;
	v10 =	vld.idx.msk [tilespmem:v10+s14+$0x0], $0xffff;
	[tilespmem:s26+$0x16900] =	vst v9  }
0x363: {  	v18 =	vor.u32 $0x100, v13;
	v4 =	vld.idx.msk [tilespmem:v4+s14+$0x0], $0xffff;
	[tilespmem:s28+$0x14980] =	vst v5  }
0x364: {  	v7 =	vld.idx.msk [tilespmem:v17+s14+$0x0], $0xffff;
	v9 =	vor.u32 $0x180, v8;
	[tilespmem:s15+$0x10880] =	vst v3  }
0x365: {  	v17 =	vor.u32 $0x200, v12;
	v15 =	vld.idx.msk [tilespmem:v15+s14+$0x0], $0xffff;
	s16 =	sld [smem:$0x7E4]  }
0x366: {  	v5 =	vadd.s32 $0x2200, v6;
	v14 =	vld.idx.msk [tilespmem:v14+s14+$0x0], $0xffff  }
0x367: {  	v3 =	vld.idx.msk [tilespmem:v16+s14+$0x0], $0xffff;
	[tilespmem:s5+$0x10900] =	vst v10;
	v10 =	vadd.s32 $0x2080, v2  }
0x368: {  	v16 =	vor.u32 $0x280, v0;
	[tilespmem:s16+$0x14800] =	vst v4;
	v4 =	vld.idx.msk [tilespmem:v18+s14+$0x0], $0xffff  }
0x369: {  	v18 =	vor.u32 $0x180, v13;
	v9 =	vld.idx.msk [tilespmem:v9+s14+$0x0], $0xffff;
	[tilespmem:s9+$0x14980] =	vst v7  }
0x36a: {  	[tilespmem:s26+$0x16980] =	vst v15;
	v7 =	vld.idx.msk [tilespmem:v17+s14+$0x0], $0xffff;
	v15 =	vor.u32 $0x200, v8  }
0x36b: {  	v17 =	vor.u32 $0x280, v12;
	v5 =	vld.idx.msk [tilespmem:v5+s14+$0x0], $0xffff;
	[tilespmem:s29+$0x16800] =	vst v14  }
0x36c: {  	[tilespmem:s28+$0x14A00] =	vst v3;
	v3 =	vadd.s32 $0x2280, v6;
	v10 =	vld.idx.msk [tilespmem:v10+s14+$0x0], $0xffff  }
0x36d: {  	[tilespmem:s15+$0x10900] =	vst v4;
	v4 =	vld.idx.msk [tilespmem:v16+s14+$0x0], $0xffff  }
0x36e: {  	[tilespmem:s5+$0x10980] =	vst v9;
	v14 =	vld.idx.msk [tilespmem:v18+s14+$0x0], $0xffff  }
0x36f: {  	v9 =	vadd.s32 $0x2100, v2;
	v15 =	vld.idx.msk [tilespmem:v15+s14+$0x0], $0xffff;
	[tilespmem:s9+$0x14A00] =	vst v7  }
0x370: {  	v16 =	vor.u32 $0x300, v0;
	[tilespmem:s26+$0x16A00] =	vst v5;
	v5 =	vld.idx.msk [tilespmem:v17+s14+$0x0], $0xffff  }
0x371: {  	v18 =	vor.u32 $0x200, v13;
	v3 =	vld.idx.msk [tilespmem:v3+s14+$0x0], $0xffff;
	[tilespmem:s29+$0x16880] =	vst v10  }
0x372: {  	v7 =	vor.u32 $0x280, v8;
	[tilespmem:s28+$0x14A80] =	vst v4  }
0x373: {  	v17 =	vor.u32 $0x300, v12;
	[tilespmem:s15+$0x10980] =	vst v14  }
0x374: {  	v9 =	vld.idx.msk [tilespmem:v9+s14+$0x0], $0xffff;
	[tilespmem:s5+$0x10A00] =	vst v15  }
0x375: {  	v14 =	vld.idx.msk [tilespmem:v16+s14+$0x0], $0xffff;
	[tilespmem:s9+$0x14A80] =	vst v5  }
0x376: {  	v15 =	vadd.s32 $0x2180, v2;
	v10 =	vld.idx.msk [tilespmem:v18+s14+$0x0], $0xffff;
	[tilespmem:s26+$0x16A80] =	vst v3  }
0x377: {  	v4 =	vadd.s32 $0x2300, v6;
	v7 =	vld.idx.msk [tilespmem:v7+s14+$0x0], $0xffff;
	s1 =	sld [smem:$0x7E5]  }
0x378: {  	v16 =	vor.u32 $0x380, v0;
	v3 =	vld.idx.msk [tilespmem:v17+s14+$0x0], $0xffff  }
0x379: {  	v18 =	vor.u32 $0x280, v13;
	[tilespmem:s29+$0x16900] =	vst v9  }
0x37a: {  	v5 =	vor.u32 $0x300, v8;
	[tilespmem:s1+$0x14800] =	vst v14  }
0x37b: {  	v15 =	vld.idx.msk [tilespmem:v15+s14+$0x0], $0xffff;
	v14 =	vor.u32 $0x380, v12;
	[tilespmem:s15+$0x10A00] =	vst v10  }
0x37c: {  	v4 =	vld.idx.msk [tilespmem:v4+s14+$0x0], $0xffff;
	[tilespmem:s5+$0x10A80] =	vst v7  }
0x37d: {  	v10 =	vld.idx.msk [tilespmem:v16+s14+$0x0], $0xffff;
	[tilespmem:s24+$0x14800] =	vst v3  }
0x37e: {  	v17 =	vadd.s32 $0x2000, v0;
	v16 =	vld.idx.msk [tilespmem:v18+s14+$0x0], $0xffff;
	s1 =	sld [smem:$0x7E6]  }
0x37f: {  	s6 =	simm.s32 $0x8;
	v6 =	vadd.s32 $0x2380, v6;
	v21 =	vld.idx.msk [tilespmem:v5+s14+$0x0], $0xffff  }
0x380: {  	s20 =	sand.u32 $0x7, s6;
	[tilespmem:s29+$0x16980] =	vst v15;
	v14 =	vld.idx.msk [tilespmem:v14+s14+$0x0], $0xffff  }
0x381: {  	v18 =	vor.u32 $0x300, v13;
	[tilespmem:s1+$0x14800] =	vst v4;
	s1 =	sshll.u32 s20, $0x4  }
0x382: {  	v19 =	vadd.s32 $0x2200, v2;
	s24 =	smov.u32 s12;
	[tilespmem:s25+$0x14800] =	vst v10;
	s12 =	sadd.s32 $0x410, s1  }
0x383: {  	v22 =	vadd.s32 $0x2380, v1;
	v23 =	vor.u32 $0x380, v8;
	[tilespmem:s15+$0x10A80] =	vst v16;
	v27 =	vld.idx.msk [tilespmem:v17+s14+$0x0], $0xffff;
	s2 =	sor.u32 $0x300, s12  }
0x384: {  	v28 =	vadd.s32 $0x2280, v2;
	v30 =	vadd.s32 $0x2080, v0;
	v25 =	vadd.s32 $0x2000, v12;
	v26 =	vld.idx.msk [tilespmem:v6+s14+$0x0], $0xffff;
	[tilespmem:s2+$0x10800] =	vst v21  }
0x385: {  	s10 =	simm.s32 $0x4;
	v31 =	vor.u32 $0x380, v13;
	v1 =	vadd.s32 $0x2380, v2;
	v9 =	vadd.s32 $0x2080, v12;
	[tilespmem:s23+$0x14800] =	vst v14  }
0x386: {  	s22 =	sand.u32 $0x3, s10;
	v7 =	vadd.s32 $0x2100, v12;
	v5 =	vadd.s32 $0x2200, v12;
	v3 =	vadd.s32 $0x2300, v12;
	v29 =	vld.idx.msk [tilespmem:v18+s14+$0x0], $0xffff;
	s7 =	sld [smem:$0x7E7]  }
0x387: {  	v15 =	vadd.s32 $0x2200, v13;
	v4 =	vadd.s32 $0x2280, v12;
	v32 =	vld.idx.msk [tilespmem:v19+s14+$0x0], $0xffff;
	v19 =	vadd.s32 $0x2000, v13;
	s1 =	sshll.u32 s22, $0x5  }
0x388: {  	v10 =	vadd.s32 $0x2300, v2;
	v6 =	vadd.s32 $0x2180, v12;
	v2 =	vadd.s32 $0x2380, v12;
	s1 =	sadd.s32 $0x400, s1;
	v24 =	vld.idx.msk [tilespmem:v23+s14+$0x0], $0xffff;
	[tilespmem:s28+$0x16800] =	vst v27  }
0x389: {  	s11 =	smov.u32 s30;
	v16 =	vadd.s32 $0x2180, v13;
	v12 =	vadd.s32 $0x2300, v13;
	v18 =	vadd.s32 $0x2080, v13;
	s30 =	sor.u32 $0x300, s1;
	s1 =	sor.u32 $0x2300, s1;
	v23 =	vld.idx.msk [tilespmem:v22+s14+$0x0], $0xffff;
	[tilespmem:s7+$0x14800] =	vst v26  }
0x38a: {  	s16 =	sor.u32 s4, s19;
	v17 =	vadd.s32 $0x2100, v13;
	v14 =	vadd.s32 $0x2280, v13;
	v21 =	vld.idx.msk [tilespmem:v25+s14+$0x0], $0xffff;
	v25 =	vshll.u32 v11, $0x3;
	[dreg:$0x1b] =	wrdreg s1  }
0x38b: {  	s0 =	sor.u32 $0x380, s16;
	s25 =	sor.u32 s8, s4;
	v11 =	vand.u32 $0x7F, v11;
	v25 =	vand.u32 $0xFFFFFC00, v25;
	[tilespmem:s30+$0x10800] =	vst v29;
	v22 =	vld.idx.msk [tilespmem:v30+s14+$0x0], $0xffff;
	v29 =	vadd.s32 $0x2000, v8  }
0x38c: {  	s22 =	simm.s32 $0x8;
	s26 =	sor.u32 $0x380, s25;
	s20 =	sor.u32 $0x2380, s25;
	v13 =	vadd.s32 $0x2380, v13;
	v11 =	vor.u32 v11, v25;
	v25 =	vshll.u32 v20, $0x3;
	[tilespmem:s29+$0x16A00] =	vst v32;
	v30 =	vld.idx.msk [tilespmem:v31+s14+$0x0], $0xffff  }
0x38d: {  	s23 =	simm.s32 $0x410;
	s7 =	sand.u32 $0x3E0, s8;
	v26 =	vand.u32 $0x7F, v20;
	v27 =	vand.u32 $0xFFFFFC00, v25;
	v25 =	vadd.s32 $0x2100, v0;
	s8 =	simm.s32 $0xA0;
	v28 =	vld.idx.msk [tilespmem:v28+s14+$0x0], $0xffff  }
.LBB2_9:
0x38e: {  	_ = 	snop  }
0x38f: {  	v32 =	vld [tilespmem:s8+$0x10];
	[tilespmem:s0+$0x10800] =	vst v24  }
0x390: {  	v33 =	vor.u32 v26, v27;
	s1 =	rddreg [dreg:$0x5];
	v40 =	vadd.s32 $0x2080, v8;
	[tilespmem:s9+$0x16800] =	vst v21;
	v34 =	vld.idx.msk [tilespmem:v29+s14+$0x0], $0xffff  }
0x391: {  	v42 =	vor.u32 $0x80, v11;
	v44 =	vadd.s32 $0x2180, v0;
	v37 =	vor.u32 $0x80, v33;
	[tilespmem:s1+$0x14800] =	vst v23;
	v36 =	vld.idx.msk [tilespmem:v11+s14+$0x0], $0xffff  }
0x392: {  	v38 =	vor.u32 $0x100, v33;
	v35 =	vor.u32 $0x180, v33;
	v31 =	vor.u32 $0x200, v33;
	v39 =	vld [tilespmem:s8+$0x0];
	[tilespmem:s28+$0x16880] =	vst v22  }
0x393: {  	v26 =	vor.u32 $0x300, v33;
	v41 =	vadd.s32 $0x2080, v33;
	v27 =	vadd.s32 $0x2180, v33;
	[tilespmem:s26+$0x10800] =	vst v30;
	v25 =	vld.idx.msk [tilespmem:v25+s14+$0x0], $0xffff  }
0x394: {  	v20 =	vadd.s32 $0x2280, v33;
	v43 =	vadd.s32 $0x2300, v33;
	v21 =	vadd.s32 $0x2000, v33;
	v19 =	vld.idx.msk [tilespmem:v19+s14+$0x0], $0xffff;
	[tilespmem:s29+$0x16A80] =	vst v28  }
0x395: {  	v24 =	vor.u32 $0x380, v33;
	v23 =	vadd.s32 $0x2200, v33;
	v22 =	vshll.u32 v32, $0x3;
	v28 =	vld.idx.msk [tilespmem:v33+s14+$0x0], $0xffff  }
0x396: {  	v29 =	vor.u32 $0x280, v33;
	v32 =	vand.u32 $0x7F, v32;
	v45 =	vand.u32 $0xFFFFFC00, v22;
	v56 =	vld.idx.msk [tilespmem:v9+s14+$0x0], $0xffff  }
0x397: {  	[dreg:$0x1e] =	wrdreg s7;
	s7 =	smov.u32 s21;
	v30 =	vadd.s32 $0x2100, v33;
	v22 =	vadd.s32 $0x2380, v33;
	v46 =	vld.idx.msk [tilespmem:v10+s14+$0x0], $0xffff;
	v33 =	vor.u32 v32, v45;
	[tilespmem:s5+$0x12800] =	vst v34  }
0x398: {  	[dreg:$0x5] =	wrdreg s7;
	s7 =	smov.u32 s24;
	s24 =	smov.u32 s15;
	v57 =	vand.u32 $0x7F, v39;
	v39 =	vshll.u32 v39, $0x3;
	v40 =	vld.idx.msk [tilespmem:v40+s14+$0x0], $0xffff;
	[tilespmem:s11+$0x14800] =	vst v36  }
0x399: {  	[smem:$0x7DE] =	sst s30;
	s30 =	smov.u32 s28;
	v59 =	vadd.s32 $0x2100, v8;
	v48 =	vor.u32 $0x100, v11;
	v58 =	vand.u32 $0xFFFFFC00, v39;
	[tilespmem:s24+$0x12800] =	vst v19;
	v42 =	vld.idx.msk [tilespmem:v42+s14+$0x0], $0xffff  }
0x39a: {  	v51 =	vadd.s32 $0x2200, v0;
	s28 =	smov.u32 s31;
	v9 =	vmovc v41;
	v55 =	vor.u32 $0x80, v33;
	v41 =	vor.u32 v57, v58;
	[tilespmem:s30+$0x16900] =	vst v25;
	v49 =	vld.idx.msk [tilespmem:v18+s14+$0x0], $0xffff  }
0x39b: {  	[smem:$0x7E0] =	sst s26;
	s26 =	smov.u32 s9;
	v10 =	vmovc v3;
	v3 =	vmovc v43;
	[tilespmem:s28+$0x14800] =	vst v28;
	v43 =	vor.u32 $0x80, v41;
	v47 =	vor.u32 $0x100, v41;
	v44 =	vld.idx.msk [tilespmem:v44+s14+$0x0], $0xffff;
	v39 =	vor.u32 $0x180, v41  }
0x39c: {  	[tilespmem:s26+$0x16880] =	vst v56;
	v36 =	vor.u32 $0x200, v41;
	v32 =	vor.u32 $0x280, v41;
	v28 =	vor.u32 $0x300, v41;
	v50 =	vld.idx.msk [tilespmem:v33+s14+$0x0], $0xffff  }
0x39d: {  	s15 =	rddreg [dreg:$0xb];
	v25 =	vor.u32 $0x380, v41;
	v19 =	vadd.s32 $0x2000, v41;
	v18 =	vadd.s32 $0x2080, v41;
	v60 =	vld.idx.msk [tilespmem:v37+s14+$0x0], $0xffff;
	[tilespmem:s5+$0x12880] =	vst v40  }
0x39e: {  	s25 =	smov.u32 s17;
	s4 =	sadd.s32 $0x100, s4;
	v52 =	vadd.s32 $0x2100, v41;
	v53 =	vadd.s32 $0x2180, v41;
	v54 =	vadd.s32 $0x2200, v41;
	[tilespmem:s15+$0x14800] =	vst v46;
	v45 =	vld.idx.msk [tilespmem:v59+s14+$0x0], $0xffff  }
0x39f: {  	s10 =	sadd.s32 $0x1, s10;
	s19 =	sadd.s32 $0x20, s19;
	s17 =	sand.u32 $0x1C00, s4;
	v37 =	vadd.s32 $0x2300, v41;
	v34 =	vadd.s32 $0x2380, v41;
	[tilespmem:s11+$0x14880] =	vst v42;
	v42 =	vadd.s32 $0x2280, v41;
	v41 =	vld.idx.msk [tilespmem:v41+s14+$0x0], $0xffff  }
0x3a0: {  	v61 =	vadd.s32 $0x2180, v8;
	s21 =	sand.u32 $0x70, s19;
	[dreg:$0x1d] =	wrdreg s7;
	s9 =	sand.u32 $0x3, s10;
	[tilespmem:s24+$0x12880] =	vst v49;
	v48 =	vld.idx.msk [tilespmem:v48+s14+$0x0], $0xffff  }
0x3a1: {  	s7 =	smov.u32 s20;
	s20 =	sadd.s32 $0xFFFFFFF0, s19;
	s1 =	sshll.u32 s9, $0x5;
	[tilespmem:s30+$0x16980] =	vst v44;
	v56 =	vld.idx.msk [tilespmem:v17+s14+$0x0], $0xffff  }
0x3a2: {  	v62 =	vor.u32 $0x180, v11;
	s29 =	smov.u32 s3;
	s3 =	sadd.s32 s1, s4;
	s1 =	sor.u32 s17, s21;
	[tilespmem:s28+$0x14880] =	vst v60;
	v63 =	vld.idx.msk [tilespmem:v51+s14+$0x0], $0xffff  }
0x3a3: {  	[smem:$0x7DF] =	sst s25;
	s25 =	sand.u32 $0x60, s20;
	[tilespmem:s1+$0x10800] =	vst v50;
	v38 =	vld.idx.msk [tilespmem:v38+s14+$0x0], $0xffff  }
0x3a4: {  	v58 =	vadd.s32 $0x2280, v0;
	s15 =	sor.u32 s25, s17;
	v57 =	vld.idx.msk [tilespmem:v55+s14+$0x0], $0xffff;
	[tilespmem:s5+$0x12900] =	vst v45  }
0x3a5: {  	s31 =	smov.u32 s11;
	[tilespmem:s15+$0x10800] =	vst v41;
	v46 =	vld.idx.msk [tilespmem:v61+s14+$0x0], $0xffff  }
0x3a6: {  	s9 =	sor.u32 s20, s4;
	v59 =	vor.u32 $0x100, v33;
	[tilespmem:s31+$0x14900] =	vst v48;
	v43 =	vld.idx.msk [tilespmem:v43+s14+$0x0], $0xffff  }
0x3a7: {  	s25 =	sor.u32 $0x380, s9;
	v61 =	vadd.s32 $0x2200, v8;
	[tilespmem:s24+$0x12900] =	vst v56;
	v60 =	vld.idx.msk [tilespmem:v62+s14+$0x0], $0xffff  }
0x3a8: {  	s17 =	sor.u32 $0x2380, s9;
	s9 =	smov.u32 s18;
	s18 =	rddreg [dreg:$0x7];
	[tilespmem:s30+$0x16A00] =	vst v63;
	v63 =	vld.idx.msk [tilespmem:v16+s14+$0x0], $0xffff  }
0x3a9: {  	s11 =	smov.u32 s18;
	v62 =	vor.u32 $0x200, v11;
	[tilespmem:s28+$0x14900] =	vst v38;
	v40 =	vld.idx.msk [tilespmem:v58+s14+$0x0], $0xffff  }
0x3aa: {  	[dreg:$0xb] =	wrdreg s11;
	s11 =	smov.u32 s9;
	v51 =	vadd.s32 $0x2300, v0;
	[tilespmem:s1+$0x10880] =	vst v57;
	v35 =	vld.idx.msk [tilespmem:v35+s14+$0x0], $0xffff  }
0x3ab: {  	[dreg:$0x7] =	wrdreg s11;
	v45 =	vld.idx.msk [tilespmem:v59+s14+$0x0], $0xffff;
	[tilespmem:s5+$0x12980] =	vst v46  }
0x3ac: {  	s21 =	sor.u32 $0x300, s3;
	v17 =	vmov v52;
	v52 =	vor.u32 $0x180, v33;
	s11 =	rddreg [dreg:$0x1b];
	[tilespmem:s15+$0x10880] =	vst v43;
	v44 =	vld.idx.msk [tilespmem:v61+s14+$0x0], $0xffff  }
0x3ad: {  	s3 =	sor.u32 $0x2300, s3;
	s9 =	smov.u32 s28;
	s18 =	smov.u32 s11;
	[tilespmem:s31+$0x14980] =	vst v60;
	v43 =	vld.idx.msk [tilespmem:v47+s14+$0x0], $0xffff  }
0x3ae: {  	s11 =	smov.u32 s3;
	v16 =	vmov v53;
	v53 =	vadd.s32 $0x2280, v8;
	s28 =	smov.u32 s31;
	s31 =	smov.u32 s24;
	v41 =	vld.idx.msk [tilespmem:v62+s14+$0x0], $0xffff;
	[tilespmem:s30+$0x16A80] =	vst v40  }
0x3af: {  	[dreg:$0x1b] =	wrdreg s11;
	s11 =	smov.u32 s5;
	s5 =	smov.u32 s1;
	[tilespmem:s31+$0x12980] =	vst v63;
	v38 =	vld.idx.msk [tilespmem:v51+s14+$0x0], $0xffff  }
0x3b0: {  	v55 =	vor.u32 $0x280, v11;
	[tilespmem:s5+$0x10900] =	vst v45;
	v56 =	vld.idx.msk [tilespmem:v15+s14+$0x0], $0xffff  }
0x3b1: {  	v57 =	vadd.s32 $0x2380, v0;
	[tilespmem:s9+$0x14980] =	vst v35;
	v46 =	vld.idx.msk [tilespmem:v52+s14+$0x0], $0xffff  }
0x3b2: {  	v0 =	vmov v11;
	v11 =	vld.idx.msk [tilespmem:v31+s14+$0x0], $0xffff;
	[tilespmem:s11+$0x12A00] =	vst v44  }
0x3b3: {  	v31 =	vor.u32 $0x200, v33;
	[tilespmem:s15+$0x10900] =	vst v43;
	v44 =	vld.idx.msk [tilespmem:v53+s14+$0x0], $0xffff  }
0x3b4: {  	[tilespmem:s28+$0x14A00] =	vst v41;
	v39 =	vld.idx.msk [tilespmem:v39+s14+$0x0], $0xffff  }
0x3b5: {  	v58 =	vadd.s32 $0x2300, v8;
	v40 =	vld.idx.msk [tilespmem:v55+s14+$0x0], $0xffff;
	[tilespmem:s29+$0x14800] =	vst v38  }
0x3b6: {  	[tilespmem:s31+$0x12A00] =	vst v56;
	v35 =	vld.idx.msk [tilespmem:v57+s14+$0x0], $0xffff  }
0x3b7: {  	v59 =	vor.u32 $0x300, v0;
	[tilespmem:s5+$0x10980] =	vst v46;
	v43 =	vld.idx.msk [tilespmem:v14+s14+$0x0], $0xffff  }
0x3b8: {  	[tilespmem:s9+$0x14A00] =	vst v11;
	v31 =	vld.idx.msk [tilespmem:v31+s14+$0x0], $0xffff  }
0x3b9: {  	v11 =	vld.idx.msk [tilespmem:v29+s14+$0x0], $0xffff;
	[tilespmem:s11+$0x12A80] =	vst v44  }
0x3ba: {  	s24 =	smov.u32 s7;
	s7 =	rddreg [dreg:$0x15];
	[tilespmem:s15+$0x10980] =	vst v39;
	v41 =	vld.idx.msk [tilespmem:v58+s14+$0x0], $0xffff  }
0x3bb: {  	s3 =	smov.u32 s7;
	s7 =	rddreg [dreg:$0x9];
	v29 =	vor.u32 $0x280, v33;
	[tilespmem:s28+$0x14A80] =	vst v40;
	v36 =	vld.idx.msk [tilespmem:v36+s14+$0x0], $0xffff  }
0x3bc: {  	v38 =	vld.idx.msk [tilespmem:v59+s14+$0x0], $0xffff;
	[tilespmem:s7+$0x14800] =	vst v35  }
0x3bd: {  	v60 =	vadd.s32 $0x2380, v8;
	[tilespmem:s31+$0x12A80] =	vst v43  }
0x3be: {  	s12 =	sor.u32 $0x2300, s12;
	v62 =	vld.idx.msk [tilespmem:v7+s14+$0x0], $0xffff;
	[tilespmem:s5+$0x10A00] =	vst v31  }
0x3bf: {  	v61 =	vor.u32 $0x380, v0;
	[dreg:$0x15] =	wrdreg s12;
	v7 =	vmov v30;
	v30 =	vld.idx.msk [tilespmem:v12+s14+$0x0], $0xffff;
	[tilespmem:s9+$0x14A80] =	vst v11  }
0x3c0: {  	s7 =	rddreg [dreg:$0x17];
	v29 =	vld.idx.msk [tilespmem:v29+s14+$0x0], $0xffff;
	[tilespmem:s12+$0x10800] =	vst v41  }
0x3c1: {  	v8 =	vmov v33;
	s1 =	smov.u32 s7;
	s7 =	rddreg [dreg:$0xd];
	v11 =	vld.idx.msk [tilespmem:v26+s14+$0x0], $0xffff;
	[tilespmem:s15+$0x10A00] =	vst v36  }
0x3c2: {  	[dreg:$0x9] =	wrdreg s1;
	v26 =	vor.u32 $0x300, v8;
	v31 =	vld.idx.msk [tilespmem:v60+s14+$0x0], $0xffff;
	[tilespmem:s7+$0x14800] =	vst v38  }
0x3c3: {  	s1 =	sld [smem:$0x7DE];
	v32 =	vld.idx.msk [tilespmem:v32+s14+$0x0], $0xffff;
	[tilespmem:s26+$0x16900] =	vst v62  }
0x3c4: {  	s12 =	smov.u32 s2;
	s2 =	sor.u32 $0x2380, s16;
	s16 =	rddreg [dreg:$0xf];
	v33 =	vld.idx.msk [tilespmem:v61+s14+$0x0], $0xffff;
	[tilespmem:s18+$0x10800] =	vst v30  }
0x3c5: {  	[dreg:$0xd] =	wrdreg s12;
	[tilespmem:s5+$0x10A80] =	vst v29;
	v35 =	vld.idx.msk [tilespmem:v6+s14+$0x0], $0xffff  }
0x3c6: {  	[dreg:$0x17] =	wrdreg s2;
	v30 =	vadd.s32 $0x2000, v0;
	v6 =	vmov v27;
	v27 =	vld.idx.msk [tilespmem:v13+s14+$0x0], $0xffff;
	[tilespmem:s16+$0x14800] =	vst v11  }
0x3c7: {  	s7 =	rddreg [dreg:$0x11];
	v26 =	vld.idx.msk [tilespmem:v26+s14+$0x0], $0xffff;
	[tilespmem:s2+$0x10800] =	vst v31  }
0x3c8: {  	s6 =	sadd.s32 $0x2, s6;
	s12 =	smov.u32 s1;
	s16 =	rddreg [dreg:$0x19];
	v11 =	vld.idx.msk [tilespmem:v24+s14+$0x0], $0xffff;
	[tilespmem:s15+$0x10A80] =	vst v32  }
0x3c9: {  	s1 =	sand.u32 $0x7, s6;
	[dreg:$0xf] =	wrdreg s12;
	s12 =	smov.u32 s0;
	v24 =	vor.u32 $0x380, v8;
	v31 =	vld [tilespmem:s16+$0x410];
	[tilespmem:s7+$0x14800] =	vst v33  }
0x3ca: {  	s23 =	sadd.s32 $0x100, s23;
	[dreg:$0x11] =	wrdreg s12;
	s2 =	sshll.u32 s1, $0x4;
	v28 =	vld.idx.msk [tilespmem:v28+s14+$0x0], $0xffff;
	[tilespmem:s26+$0x16980] =	vst v35  }
0x3cb: {  	s16 =	smov.u32 s8;
	s12 =	sadd.s32 s2, s23;
	s7 =	rddreg [dreg:$0x1e];
	v30 =	vld.idx.msk [tilespmem:v30+s14+$0x0], $0xffff;
	[tilespmem:s24+$0x10800] =	vst v27  }
0x3cc: {  	[dreg:$0x19] =	wrdreg s16;
	s2 =	sor.u32 $0x300, s12;
	v32 =	vld.idx.msk [tilespmem:v5+s14+$0x0], $0xffff  }
0x3cd: {  	s22 =	sadd.s32 $0x2, s22;
	s20 =	sand.u32 $0x3E0, s20;
	s16 =	rddreg [dreg:$0x13];
	[tilespmem:s2+$0x10800] =	vst v26;
	v27 =	vadd.s32 $0x2080, v0;
	v63 =	vld [tilespmem:s7+$0x400]  }
0x3ce: {  	p0 =	slt.u32 s22, $0x3E;
	s30 =	smov.u32 s21;
	v24 =	vld.idx.msk [tilespmem:v24+s14+$0x0], $0xffff;
	s7 =	smov.u32 s20;
	[tilespmem:s16+$0x14800] =	vst v11  }
.Ltmp4:
0x3cf: {  	s20 =	smov.u32 s17;
	s17 =	sld [smem:$0x7E0];
	v21 =	vld.idx.msk [tilespmem:v21+s14+$0x0], $0xffff;
	(pc) =	sbr.rel @p0 .LBB2_9-.Ltmp4, $4  }
0x3d0: {  	v15 =	vmov v54;
	v5 =	vmov v23;
	v11 =	vshll.u32 v31, $0x3;
	v23 =	vld.idx.msk [tilespmem:v1+s14+$0x0], $0xffff;
	[tilespmem:s30+$0x10800] =	vst v28  }
0x3d1: {  	s21 =	sld [smem:$0x7DF];
	s29 =	smov.u32 s26;
	v14 =	vmovc v42;
	v12 =	vmovc v37;
	v29 =	vadd.s32 $0x2000, v8;
	s8 =	sadd.s32 $0x20, s8;
	v26 =	vand.u32 $0x7F, v31;
	v11 =	vand.u32 $0xFFFFFC00, v11;
	[tilespmem:s28+$0x16800] =	vst v30;
	v30 =	vld.idx.msk [tilespmem:v25+s14+$0x0], $0xffff  }
0x3d2: {  	s16 =	sor.u32 s4, s19;
	v1 =	vmovc v2;
	v2 =	vmov v22;
	s26 =	smov.u32 s17;
	s17 =	rddreg [dreg:$0x1d];
	v11 =	vor.u32 v26, v11;
	v22 =	vld.idx.msk [tilespmem:v27+s14+$0x0], $0xffff;
	v25 =	vshll.u32 v63, $0x3;
	[tilespmem:s29+$0x16A00] =	vst v32  }
0x3d3: {  	v13 =	vmovc v34;
	s0 =	sor.u32 $0x380, s16;
	[dreg:$0x13] =	wrdreg s26;
	s26 =	smov.u32 s25;
	v26 =	vand.u32 $0x7F, v63;
	v27 =	vand.u32 $0xFFFFFC00, v25;
	v25 =	vadd.s32 $0x2100, v0;
	v28 =	vld.idx.msk [tilespmem:v4+s14+$0x0], $0xffff;
	v4 =	vmovc v20  }
0x3d4: {  	_ =	sdelay $0x2  }
0x3d5: {  	[tilespmem:s0+$0x10800] =	vst v24  }
0x3d6: {  	v20 =	vld.idx.msk [tilespmem:v29+s14+$0x0], $0xffff  }
0x3d7: {  	v35 =	vadd.s32 $0x2080, v8;
	[tilespmem:s26+$0x10800] =	vst v30  }
0x3d8: {  	v19 =	vld.idx.msk [tilespmem:v19+s14+$0x0], $0xffff;
	_ =	sdelay $0x2  }
0x3d9: {  	[tilespmem:s5+$0x12800] =	vst v20  }
0x3da: {  	v20 =	vld.idx.msk [tilespmem:v35+s14+$0x0], $0xffff  }
0x3db: {  	v36 =	vadd.s32 $0x2100, v8;
	[tilespmem:s15+$0x12800] =	vst v19  }
0x3dc: {  	v18 =	vld.idx.msk [tilespmem:v18+s14+$0x0], $0xffff;
	_ =	sdelay $0x2  }
0x3dd: {  	[tilespmem:s5+$0x12880] =	vst v20  }
0x3de: {  	v37 =	vld.idx.msk [tilespmem:v36+s14+$0x0], $0xffff  }
0x3df: {  	v38 =	vadd.s32 $0x2180, v8;
	[tilespmem:s15+$0x12880] =	vst v18  }
0x3e0: {  	v17 =	vld.idx.msk [tilespmem:v17+s14+$0x0], $0xffff;
	_ =	sdelay $0x2  }
0x3e1: {  	[tilespmem:s5+$0x12900] =	vst v37  }
0x3e2: {  	v39 =	vld.idx.msk [tilespmem:v38+s14+$0x0], $0xffff  }
0x3e3: {  	v40 =	vadd.s32 $0x2200, v8;
	[tilespmem:s15+$0x12900] =	vst v17  }
0x3e4: {  	v16 =	vld.idx.msk [tilespmem:v16+s14+$0x0], $0xffff;
	_ =	sdelay $0x2  }
0x3e5: {  	[tilespmem:s5+$0x12980] =	vst v39  }
0x3e6: {  	v41 =	vld.idx.msk [tilespmem:v40+s14+$0x0], $0xffff  }
0x3e7: {  	v42 =	vadd.s32 $0x2280, v8;
	[tilespmem:s15+$0x12980] =	vst v16  }
0x3e8: {  	v15 =	vld.idx.msk [tilespmem:v15+s14+$0x0], $0xffff;
	_ =	sdelay $0x2  }
0x3e9: {  	[tilespmem:s5+$0x12A00] =	vst v41  }
0x3ea: {  	v43 =	vld.idx.msk [tilespmem:v42+s14+$0x0], $0xffff  }
0x3eb: {  	v44 =	vadd.s32 $0x2300, v8;
	[tilespmem:s15+$0x12A00] =	vst v15  }
0x3ec: {  	v14 =	vld.idx.msk [tilespmem:v14+s14+$0x0], $0xffff;
	_ =	sdelay $0x2  }
0x3ed: {  	[tilespmem:s5+$0x12A80] =	vst v43  }
0x3ee: {  	v45 =	vld.idx.msk [tilespmem:v44+s14+$0x0], $0xffff  }
0x3ef: {  	v46 =	vadd.s32 $0x2380, v8;
	[tilespmem:s15+$0x12A80] =	vst v14  }
0x3f0: {  	v12 =	vld.idx.msk [tilespmem:v12+s14+$0x0], $0xffff;
	_ =	sdelay $0x1  }
0x3f1: {  	s6 =	sor.u32 $0x2300, s12  }
0x3f2: {  	[tilespmem:s6+$0x10800] =	vst v45  }
0x3f3: {  	v8 =	vld.idx.msk [tilespmem:v46+s14+$0x0], $0xffff;
	s25 =	rddreg [dreg:$0x1b]  }
0x3f4: {  	[tilespmem:s25+$0x10800] =	vst v12  }
0x3f5: {  	v12 =	vld.idx.msk [tilespmem:v13+s14+$0x0], $0xffff;
	_ =	sdelay $0x1  }
0x3f6: {  	s4 =	sor.u32 $0x2380, s16  }
0x3f7: {  	[tilespmem:s4+$0x10800] =	vst v8  }
0x3f8: {  	s1 =	rddreg [dreg:$0x19]  }
0x3f9: {  	v8 =	vld [tilespmem:s1+$0x410];
	[tilespmem:s20+$0x10800] =	vst v12  }
0x3fa: {  	v14 =	vld [tilespmem:s7+$0x400];
	_ =	sdelay $0x3  }
0x3fb: {  	v47 =	vshll.u32 v8, $0x3  }
0x3fc: {  	v8 =	vand.u32 $0x7F, v8;
	v12 =	vand.u32 $0xFFFFFC00, v47;
	v48 =	vshll.u32 v14, $0x3  }
0x3fd: {  	v14 =	vand.u32 $0x7F, v14;
	v13 =	vor.u32 v8, v12;
	v8 =	vand.u32 $0xFFFFFC00, v48  }
0x3fe: {  	v8 =	vor.u32 v14, v8  }
0x3ff: {  	v12 =	vor.u32 v26, v27;
	_ =	sdelay $0x1  }
0x400: {  	v49 =	vld.idx.msk [tilespmem:v11+s14+$0x0], $0xffff  }
0x401: {  	v50 =	vor.u32 $0x80, v11;
	v16 =	vld.idx.msk [tilespmem:v13+s14+$0x0], $0xffff  }
0x402: {  	v52 =	vor.u32 $0x80, v13;
	v54 =	vld.idx.msk [tilespmem:v8+s14+$0x0], $0xffff  }
0x403: {  	v55 =	vor.u32 $0x80, v8;
	v51 =	vld.idx.msk [tilespmem:v12+s14+$0x0], $0xffff  }
0x404: {  	v53 =	vor.u32 $0x80, v12  }
0x405: {  	[tilespmem:s11+$0x14800] =	vst v49  }
0x406: {  	v15 =	vld.idx.msk [tilespmem:v50+s14+$0x0], $0xffff;
	[tilespmem:s5+$0x14800] =	vst v16  }
0x407: {  	v56 =	vor.u32 $0x100, v11;
	v16 =	vld.idx.msk [tilespmem:v52+s14+$0x0], $0xffff;
	[tilespmem:s15+$0x14800] =	vst v54  }
0x408: {  	v57 =	vor.u32 $0x100, v13;
	[tilespmem:s31+$0x14800] =	vst v51;
	v14 =	vld.idx.msk [tilespmem:v55+s14+$0x0], $0xffff  }
0x409: {  	v59 =	vor.u32 $0x100, v8;
	v17 =	vld.idx.msk [tilespmem:v53+s14+$0x0], $0xffff  }
0x40a: {  	v58 =	vor.u32 $0x100, v12  }
0x40b: {  	[tilespmem:s11+$0x14880] =	vst v15  }
0x40c: {  	v60 =	vld.idx.msk [tilespmem:v56+s14+$0x0], $0xffff;
	[tilespmem:s5+$0x14880] =	vst v16  }
0x40d: {  	v61 =	vor.u32 $0x180, v11;
	v16 =	vld.idx.msk [tilespmem:v57+s14+$0x0], $0xffff;
	[tilespmem:s15+$0x14880] =	vst v14  }
0x40e: {  	v62 =	vor.u32 $0x180, v13;
	[tilespmem:s31+$0x14880] =	vst v17;
	v15 =	vld.idx.msk [tilespmem:v59+s14+$0x0], $0xffff  }
0x40f: {  	v29 =	vor.u32 $0x180, v8;
	v17 =	vld.idx.msk [tilespmem:v58+s14+$0x0], $0xffff  }
0x410: {  	v63 =	vor.u32 $0x180, v12  }
0x411: {  	[tilespmem:s11+$0x14900] =	vst v60  }
0x412: {  	v20 =	vld.idx.msk [tilespmem:v61+s14+$0x0], $0xffff;
	[tilespmem:s5+$0x14900] =	vst v16  }
0x413: {  	v30 =	vor.u32 $0x200, v11;
	v16 =	vld.idx.msk [tilespmem:v62+s14+$0x0], $0xffff;
	[tilespmem:s15+$0x14900] =	vst v15  }
0x414: {  	v31 =	vor.u32 $0x200, v13;
	[tilespmem:s31+$0x14900] =	vst v17;
	v33 =	vld.idx.msk [tilespmem:v29+s14+$0x0], $0xffff  }
0x415: {  	v34 =	vor.u32 $0x200, v8;
	v14 =	vld.idx.msk [tilespmem:v63+s14+$0x0], $0xffff  }
0x416: {  	v32 =	vor.u32 $0x200, v12  }
0x417: {  	[tilespmem:s11+$0x14980] =	vst v20  }
0x418: {  	v20 =	vld.idx.msk [tilespmem:v30+s14+$0x0], $0xffff;
	[tilespmem:s5+$0x14980] =	vst v16  }
0x419: {  	v35 =	vor.u32 $0x280, v11;
	v36 =	vld.idx.msk [tilespmem:v31+s14+$0x0], $0xffff;
	[tilespmem:s15+$0x14980] =	vst v33  }
0x41a: {  	v37 =	vor.u32 $0x280, v13;
	[tilespmem:s31+$0x14980] =	vst v14;
	v18 =	vld.idx.msk [tilespmem:v34+s14+$0x0], $0xffff  }
0x41b: {  	v39 =	vor.u32 $0x280, v8;
	v15 =	vld.idx.msk [tilespmem:v32+s14+$0x0], $0xffff  }
0x41c: {  	v38 =	vor.u32 $0x280, v12  }
0x41d: {  	[tilespmem:s11+$0x14A00] =	vst v20  }
0x41e: {  	v20 =	vld.idx.msk [tilespmem:v35+s14+$0x0], $0xffff;
	[tilespmem:s5+$0x14A00] =	vst v36  }
0x41f: {  	v40 =	vor.u32 $0x300, v11;
	v14 =	vld.idx.msk [tilespmem:v37+s14+$0x0], $0xffff;
	[tilespmem:s15+$0x14A00] =	vst v18  }
0x420: {  	v41 =	vor.u32 $0x300, v13;
	[tilespmem:s31+$0x14A00] =	vst v15;
	v18 =	vld.idx.msk [tilespmem:v39+s14+$0x0], $0xffff  }
0x421: {  	v43 =	vor.u32 $0x300, v8;
	v15 =	vld.idx.msk [tilespmem:v38+s14+$0x0], $0xffff  }
0x422: {  	v42 =	vor.u32 $0x300, v12  }
0x423: {  	[tilespmem:s11+$0x14A80] =	vst v20  }
0x424: {  	v20 =	vld.idx.msk [tilespmem:v40+s14+$0x0], $0xffff;
	[tilespmem:s5+$0x14A80] =	vst v14  }
0x425: {  	v14 =	vld.idx.msk [tilespmem:v41+s14+$0x0], $0xffff;
	[tilespmem:s15+$0x14A80] =	vst v18  }
0x426: {  	v44 =	vor.u32 $0x380, v11;
	[tilespmem:s31+$0x14A80] =	vst v15;
	v18 =	vld.idx.msk [tilespmem:v43+s14+$0x0], $0xffff  }
0x427: {  	v45 =	vor.u32 $0x380, v13;
	v15 =	vld.idx.msk [tilespmem:v42+s14+$0x0], $0xffff  }
0x428: {  	s23 =	rddreg [dreg:$0xd];
	[tilespmem:s29+$0x16A80] =	vst v28  }
0x429: {  	v47 =	vor.u32 $0x380, v8;
	[tilespmem:s23+$0x14800] =	vst v20  }
0x42a: {  	v46 =	vor.u32 $0x380, v12;
	[tilespmem:s2+$0x14800] =	vst v14  }
0x42b: {  	v20 =	vld.idx.msk [tilespmem:v44+s14+$0x0], $0xffff;
	s1 =	rddreg [dreg:$0xf];
	[tilespmem:s30+$0x14800] =	vst v18  }
0x42c: {  	v49 =	vld.idx.msk [tilespmem:v45+s14+$0x0], $0xffff;
	[tilespmem:s1+$0x14800] =	vst v15  }
0x42d: {  	v48 =	vadd.s32 $0x2000, v11;
	v10 =	vld.idx.msk [tilespmem:v10+s14+$0x0], $0xffff;
	s1 =	rddreg [dreg:$0x5]  }
0x42e: {  	v51 =	vadd.s32 $0x2000, v13;
	v19 =	vld.idx.msk [tilespmem:v47+s14+$0x0], $0xffff;
	[tilespmem:s1+$0x14800] =	vst v23  }
0x42f: {  	v53 =	vadd.s32 $0x2000, v8;
	v50 =	vld.idx.msk [tilespmem:v46+s14+$0x0], $0xffff;
	s1 =	rddreg [dreg:$0x11]  }
0x430: {  	v52 =	vadd.s32 $0x2000, v12;
	[tilespmem:s1+$0x14800] =	vst v20  }
0x431: {  	s1 =	rddreg [dreg:$0xb];
	[tilespmem:s0+$0x14800] =	vst v49  }
0x432: {  	v54 =	vld.idx.msk [tilespmem:v48+s14+$0x0], $0xffff;
	[tilespmem:s1+$0x14800] =	vst v10  }
0x433: {  	v55 =	vadd.s32 $0x2080, v11;
	v15 =	vld.idx.msk [tilespmem:v51+s14+$0x0], $0xffff;
	s0 =	rddreg [dreg:$0x13];
	[tilespmem:s26+$0x14800] =	vst v19  }
0x434: {  	v56 =	vadd.s32 $0x2080, v13;
	[tilespmem:s0+$0x14800] =	vst v50;
	v19 =	vld.idx.msk [tilespmem:v53+s14+$0x0], $0xffff  }
0x435: {  	v59 =	vadd.s32 $0x2080, v8;
	[tilespmem:s28+$0x16880] =	vst v22;
	v16 =	vld.idx.msk [tilespmem:v52+s14+$0x0], $0xffff  }
0x436: {  	v57 =	vadd.s32 $0x2080, v12;
	[tilespmem:s9+$0x16800] =	vst v21;
	v58 =	vld.idx.msk [tilespmem:v25+s14+$0x0], $0xffff  }
0x437: {  	v60 =	vadd.s32 $0x2180, v0;
	v9 =	vld.idx.msk [tilespmem:v9+s14+$0x0], $0xffff;
	[tilespmem:s11+$0x16800] =	vst v54  }
0x438: {  	v14 =	vld.idx.msk [tilespmem:v55+s14+$0x0], $0xffff;
	[tilespmem:s5+$0x16800] =	vst v15  }
0x439: {  	v61 =	vadd.s32 $0x2100, v11;
	v15 =	vld.idx.msk [tilespmem:v56+s14+$0x0], $0xffff;
	[tilespmem:s15+$0x16800] =	vst v19  }
0x43a: {  	v62 =	vadd.s32 $0x2100, v13;
	[tilespmem:s31+$0x16800] =	vst v16;
	v10 =	vld.idx.msk [tilespmem:v59+s14+$0x0], $0xffff  }
0x43b: {  	v25 =	vadd.s32 $0x2100, v8;
	[tilespmem:s28+$0x16900] =	vst v58;
	v16 =	vld.idx.msk [tilespmem:v57+s14+$0x0], $0xffff  }
0x43c: {  	v63 =	vadd.s32 $0x2100, v12;
	[tilespmem:s9+$0x16880] =	vst v9;
	v24 =	vld.idx.msk [tilespmem:v60+s14+$0x0], $0xffff  }
0x43d: {  	v26 =	vadd.s32 $0x2200, v0;
	v7 =	vld.idx.msk [tilespmem:v7+s14+$0x0], $0xffff;
	[tilespmem:s11+$0x16880] =	vst v14  }
0x43e: {  	v27 =	vld.idx.msk [tilespmem:v61+s14+$0x0], $0xffff;
	[tilespmem:s5+$0x16880] =	vst v15  }
0x43f: {  	v28 =	vadd.s32 $0x2180, v11;
	v15 =	vld.idx.msk [tilespmem:v62+s14+$0x0], $0xffff;
	[tilespmem:s15+$0x16880] =	vst v10  }
0x440: {  	v29 =	vadd.s32 $0x2180, v13;
	[tilespmem:s31+$0x16880] =	vst v16;
	v14 =	vld.idx.msk [tilespmem:v25+s14+$0x0], $0xffff  }
0x441: {  	v31 =	vadd.s32 $0x2180, v8;
	[tilespmem:s28+$0x16980] =	vst v24;
	v16 =	vld.idx.msk [tilespmem:v63+s14+$0x0], $0xffff  }
0x442: {  	v30 =	vadd.s32 $0x2180, v12;
	[tilespmem:s9+$0x16900] =	vst v7;
	v9 =	vld.idx.msk [tilespmem:v26+s14+$0x0], $0xffff  }
0x443: {  	v32 =	vadd.s32 $0x2280, v0;
	v6 =	vld.idx.msk [tilespmem:v6+s14+$0x0], $0xffff;
	[tilespmem:s11+$0x16900] =	vst v27  }
0x444: {  	v33 =	vld.idx.msk [tilespmem:v28+s14+$0x0], $0xffff;
	[tilespmem:s5+$0x16900] =	vst v15  }
0x445: {  	v34 =	vadd.s32 $0x2200, v11;
	v15 =	vld.idx.msk [tilespmem:v29+s14+$0x0], $0xffff;
	[tilespmem:s15+$0x16900] =	vst v14  }
0x446: {  	v35 =	vadd.s32 $0x2200, v13;
	[tilespmem:s31+$0x16900] =	vst v16;
	v37 =	vld.idx.msk [tilespmem:v31+s14+$0x0], $0xffff  }
0x447: {  	v39 =	vadd.s32 $0x2200, v8;
	[tilespmem:s28+$0x16A00] =	vst v9;
	v10 =	vld.idx.msk [tilespmem:v30+s14+$0x0], $0xffff  }
0x448: {  	v36 =	vadd.s32 $0x2200, v12;
	[tilespmem:s9+$0x16980] =	vst v6;
	v38 =	vld.idx.msk [tilespmem:v32+s14+$0x0], $0xffff  }
0x449: {  	v40 =	vadd.s32 $0x2300, v0;
	v5 =	vld.idx.msk [tilespmem:v5+s14+$0x0], $0xffff;
	[tilespmem:s11+$0x16980] =	vst v33  }
0x44a: {  	v41 =	vld.idx.msk [tilespmem:v34+s14+$0x0], $0xffff;
	[tilespmem:s5+$0x16980] =	vst v15  }
0x44b: {  	v42 =	vadd.s32 $0x2280, v11;
	v43 =	vld.idx.msk [tilespmem:v35+s14+$0x0], $0xffff;
	[tilespmem:s15+$0x16980] =	vst v37  }
0x44c: {  	v44 =	vadd.s32 $0x2280, v13;
	[tilespmem:s31+$0x16980] =	vst v10;
	v46 =	vld.idx.msk [tilespmem:v39+s14+$0x0], $0xffff  }
0x44d: {  	v47 =	vadd.s32 $0x2280, v8;
	[tilespmem:s28+$0x16A80] =	vst v38;
	v14 =	vld.idx.msk [tilespmem:v36+s14+$0x0], $0xffff  }
0x44e: {  	v45 =	vadd.s32 $0x2280, v12;
	[tilespmem:s9+$0x16A00] =	vst v5;
	v7 =	vld.idx.msk [tilespmem:v40+s14+$0x0], $0xffff  }
0x44f: {  	v4 =	vld.idx.msk [tilespmem:v4+s14+$0x0], $0xffff;
	[tilespmem:s11+$0x16A00] =	vst v41  }
0x450: {  	v48 =	vadd.s32 $0x2380, v0;
	v49 =	vld.idx.msk [tilespmem:v42+s14+$0x0], $0xffff;
	[tilespmem:s5+$0x16A00] =	vst v43  }
0x451: {  	v10 =	vld.idx.msk [tilespmem:v44+s14+$0x0], $0xffff;
	[tilespmem:s15+$0x16A00] =	vst v46  }
0x452: {  	v50 =	vadd.s32 $0x2300, v11;
	[tilespmem:s31+$0x16A00] =	vst v14;
	v53 =	vld.idx.msk [tilespmem:v47+s14+$0x0], $0xffff  }
0x453: {  	v51 =	vadd.s32 $0x2300, v13;
	[tilespmem:s3+$0x14800] =	vst v7;
	v9 =	vld.idx.msk [tilespmem:v45+s14+$0x0], $0xffff  }
0x454: {  	v54 =	vadd.s32 $0x2300, v8;
	[tilespmem:s9+$0x16A80] =	vst v4  }
0x455: {  	v0 =	vld.idx.msk [tilespmem:v48+s14+$0x0], $0xffff;
	[tilespmem:s11+$0x16A80] =	vst v49  }
0x456: {  	[tilespmem:s5+$0x16A80] =	vst v10  }
0x457: {  	v52 =	vadd.s32 $0x2300, v12;
	v55 =	vld.idx.msk [tilespmem:v50+s14+$0x0], $0xffff;
	[tilespmem:s15+$0x16A80] =	vst v53  }
0x458: {  	v57 =	vld.idx.msk [tilespmem:v51+s14+$0x0], $0xffff;
	[tilespmem:s31+$0x16A80] =	vst v9  }
0x459: {  	v56 =	vadd.s32 $0x2380, v11;
	v5 =	vld.idx.msk [tilespmem:v54+s14+$0x0], $0xffff;
	s0 =	rddreg [dreg:$0x9]  }
0x45a: {  	v1 =	vld.idx.msk [tilespmem:v1+s14+$0x0], $0xffff;
	v58 =	vadd.s32 $0x2380, v13;
	[tilespmem:s0+$0x14800] =	vst v0  }
0x45b: {  	v60 =	vadd.s32 $0x2380, v8;
	v3 =	vld.idx.msk [tilespmem:v3+s14+$0x0], $0xffff;
	s0 =	rddreg [dreg:$0x15]  }
0x45c: {  	v7 =	vld.idx.msk [tilespmem:v52+s14+$0x0], $0xffff;
	[tilespmem:s0+$0x14800] =	vst v55  }
0x45d: {  	v59 =	vadd.s32 $0x2380, v12;
	s0 =	rddreg [dreg:$0x7];
	[tilespmem:s6+$0x14800] =	vst v57  }
0x45e: {  	v61 =	vld.idx.msk [tilespmem:v56+s14+$0x0], $0xffff;
	[tilespmem:s25+$0x14800] =	vst v5  }
0x45f: {  	[tilespmem:s21+$0x14800] =	vst v1;
	v62 =	vld.idx.msk [tilespmem:v58+s14+$0x0], $0xffff  }
0x460: {  	[tilespmem:s0+$0x14800] =	vst v3;
	v63 =	vld.idx.msk [tilespmem:v60+s14+$0x0], $0xffff  }
0x461: {  	[tilespmem:s18+$0x14800] =	vst v7;
	v2 =	vld.idx.msk [tilespmem:v2+s14+$0x0], $0xffff  }
0x462: {  	v0 =	vld.idx.msk [tilespmem:v59+s14+$0x0], $0xffff;
	s0 =	rddreg [dreg:$0x17]  }
0x463: {  	[tilespmem:s0+$0x14800] =	vst v61  }
0x464: {  	[tilespmem:s4+$0x14800] =	vst v62  }
0x465: {  	[tilespmem:s20+$0x14800] =	vst v63  }
0x466: {  	[tilespmem:s17+$0x14800] =	vst v2  }
0x467: {  	[tilespmem:s24+$0x14800] =	vst v0  }
0x468: {  	s2 =	sld [smem:$0x7EB]  }
0x469: {  	s26 =	rddreg [dreg:$0x2]  }
0x46a: {  	s28 =	simm.s32 $0x10800;
	s29 =	sld [smem:$0x7FB]  }
0x46b: {  	s6 =	simm.s32 $0x0;
	s31 =	sld [smem:$0x7F4];
	s0 =	sadd.s32 s26, s2  }
0x46c: {  	[hbm4b:s0+s6] =	stream.linear.scatter [tilespmem:s28], [sflag:$0x4], $0x4000, $0x38;
	[tilespmem:$0x18800] =	vst v63  }
0x46d: {  	s30 =	simm.s32 $0x14800;
	s0 =	sadd.s32 s2, s29  }
0x46e: {  	[hbm4b:s0+s6] =	stream.linear.scatter [tilespmem:s30], [sflag:$0x4], $0x4000, $0x38;
	[tilespmem:$0x18800] =	vst v63  }
0x46f: {  	s0 =	sadd.s32 $0x1, s31  }
0x470: {  	p0 =	sne.s32 s0, $0x18  }
.Ltmp5:
0x471: {  	_ = 	snop;
	(pc) =	sbr.rel @p0 .LBB2_2-.Ltmp5, $1  }
0x472: {  	_ =	sdelay $0x3  }
0x473: {  	s0 =	simm.s32 $0x3  }
0x474: {  	_ =	swait.ge [sflag:s0], $0x4000  }
0x475: {  	[sflag:s0] =	ssyncset.done $0x0  }
0x476: {  	[sflag:s0] =	ssyncadd.s32 $0xFFFFC000  }
0x477: {  	_ =	swait.ge [sflag:s0], $0x4000  }
0x478: {  	[sflag:s0] =	ssyncset.done $0x0  }
0x479: {  	s1 =	simm.s32 $0x4;
	[sflag:s0] =	ssyncadd.s32 $0xFFFFC000  }
0x47a: {  	_ =	swait.ge [sflag:s1], $0x4000  }
0x47b: {  	[sflag:s1] =	ssyncset.done $0x0  }
0x47c: {  	[sflag:s1] =	ssyncadd.s32 $0xFFFFC000  }
0x47d: {  	_ =	swait.ge [sflag:s1], $0x4000  }
0x47e: {  	s2 =	sld [smem:$0x7F6]  }
0x47f: {  	s31 =	sld [smem:$0x7FC];
	_ =	sdelay $0x1  }
0x480: {  	s2 =	sadd.s32 $0x1, s2  }
0x481: {  	p0 =	sne.s32 s2, s31  }
.Ltmp6:
0x482: {  	_ = 	snop;
	(pc) =	sbr.rel @p0 .LBB2_1-.Ltmp6, $3  }
0x483: {  	_ =	sdelay $0x1  }
0x484: {  	[sflag:s1] =	ssyncset.done $0x0  }
0x485: {  	[sflag:s1] =	ssyncadd.s32 $0xFFFFC000  }
0x486: {  	_ =	sfence.sel $0x180000  }
0x487: {  	[bflag:$0x0] =	sbarrier.arrive $0xFFFF  }
0x488: {  	_ =	strace $0x90000047  }
0x489: {  	s0 =	stileid.u32;
	[bflag:$0x2] =	sbarrier.arrive $0xFFFF  }
0x48a: {  	p0 =	sne.s32 s0, $0x0;
	s0 =	rddreg [dreg:$0x3]  }
0x48b: {  	s0 =	sadd.s32 @!p0 $0x100000, s0  }
0x48c: {  	[sflag:s0] =	ssyncadd.tile.s32 @!p0 $0x1;
	_ =	shalt  }
.Lfunc_end2:
_tile_overlayer_lowered:
.L_overlay_start_2:
0x48d: {  	(tag) =	ssettag $0x2  }
0x48e: {  	s0 =	rddreg [dreg:$0x0];
	s2 =	stileid.u32  }
0x48f: {  	s1 =	rddreg [dreg:$0x1];
	p0 =	sne.s32 s2, $0x0  }
0x490: {  	s3 =	rddreg [dreg:$0x2];
	[bflag:$0x3] =	sbarrier.arrive $0xFFFF;
	s2 =	simm.s32 @!p0 $0x1C05  }
0x491: {  	[timem:s3], [sflag:s2] =	dma.local @!p0 [hbm:s0], s1  }
0x492: {  	s0 =	simm.s32 @!p0 $0x5  }
0x493: {  	_ =	swait.ge @!p0 [sflag:s0], s1  }
0x494: {  	s1 =	ssub.s32 @!p0 $0x0, s1;
	[sflag:s0] =	ssyncset.done @!p0 $0x0  }
0x495: {  	[sflag:s0] =	ssyncadd.s32 @!p0 s1  }
0x496: {  	[bflag:$0x3] =	sbarrier.arrive $0xFFFF  }
0x497: {  	_ =	shalt  }

</sc_bundles>
